<compile_context>
chip_gen: v7x
topology: tpu7x:2x2x1
jax: 0.10.2.dev20260603
libtpu: 0.0.44.dev20260713+nightly
codegen_flags: <defaults>
</compile_context>

<pallas_src>
import functools

import jax
import jax.numpy as jnp
from jax import lax
from jax.experimental import pallas as pl
from jax.experimental.pallas import tpu as pltpu
from jax.experimental.pallas import tpu_sc as plsc

NUM_GROUP = 512
GROUP_SIZE = 32
ENC_CH = 384
N_PTS = 8192
BATCH = 8
BG = BATCH * NUM_GROUP
ROWS = BG * GROUP_SIZE
XPAD = 8


def _fps_body(xt_ref, cidx_ref, cx_ref, cy_ref, cz_ref):
    x0 = xt_ref[:, 0, :]
    x1 = xt_ref[:, 1, :]
    x2 = xt_ref[:, 2, :]
    lane = lax.broadcasted_iota(jnp.int32, (BATCH, N_PTS), 1)
    gcol = lax.broadcasted_iota(jnp.int32, (BATCH, NUM_GROUP), 1)

    def body(i, carry):
        dists, far, ai, ax, ay, az = carry
        oh = lane == far
        cx = jnp.sum(jnp.where(oh, x0, 0.0), axis=1, keepdims=True)
        cy = jnp.sum(jnp.where(oh, x1, 0.0), axis=1, keepdims=True)
        cz = jnp.sum(jnp.where(oh, x2, 0.0), axis=1, keepdims=True)
        sel = gcol == i
        ai = jnp.where(sel, far, ai)
        ax = jnp.where(sel, cx, ax)
        ay = jnp.where(sel, cy, ay)
        az = jnp.where(sel, cz, az)
        d = (x0 - cx) ** 2
        d = d + (x1 - cy) ** 2
        d = d + (x2 - cz) ** 2
        dists = jnp.minimum(dists, d)
        m = jnp.max(dists, axis=1, keepdims=True)
        far_new = jnp.min(
            jnp.where(dists == m, lane, jnp.int32(N_PTS)),
            axis=1, keepdims=True).astype(jnp.int32)
        return dists, far_new, ai, ax, ay, az

    grow = lax.broadcasted_iota(jnp.int32, (BATCH, NUM_GROUP), 0)
    g2 = gcol + grow * NUM_GROUP
    g2f = g2.astype(jnp.float32)
    init = (jnp.full((BATCH, N_PTS), 1e10, jnp.float32),
            jnp.zeros((BATCH, 1), jnp.int32),
            g2, g2f, g2f, g2f)
    _, _, ai, ax, ay, az = lax.fori_loop(0, NUM_GROUP, body, init)
    cidx_ref[...] = ai
    cx_ref[...] = ax
    cy_ref[...] = ay
    cz_ref[...] = az


def _fps(xyzT):
    return pl.pallas_call(
        _fps_body,
        out_shape=(
            jax.ShapeDtypeStruct((BATCH, NUM_GROUP), jnp.int32),
            jax.ShapeDtypeStruct((BATCH, NUM_GROUP), jnp.float32),
            jax.ShapeDtypeStruct((BATCH, NUM_GROUP), jnp.float32),
            jax.ShapeDtypeStruct((BATCH, NUM_GROUP), jnp.float32),
        ),
    )(xyzT)


G_BLK = 64

def _topk_body(cen_ref, xt_ref, pv_ref, pi_ref):
    cen = cen_ref[0]
    x = xt_ref[0]
    c2 = cen[:, 0:1] * cen[:, 0:1]
    c2 = c2 + cen[:, 1:2] * cen[:, 1:2]
    c2 = c2 + cen[:, 2:3] * cen[:, 2:3]
    x2 = x[0:1] * x[0:1]
    x2 = x2 + x[1:2] * x[1:2]
    x2 = x2 + x[2:3] * x[2:3]
    dist = -2.0 * jnp.dot(cen, x, preferred_element_type=jnp.float32)
    dist = dist + c2
    dist = dist + x2

    NG = N_PTS // 128
    d3 = dist.reshape(G_BLK, NG, 128)
    lane3 = (lax.broadcasted_iota(jnp.int32, (G_BLK, NG, 128), 1) * 128 +
             lax.broadcasted_iota(jnp.int32, (G_BLK, NG, 128), 2))
    ROUNDS = TOPK_ROUNDS
    pv, pi = [], []
    for _ in range(ROUNDS):
        v, ix = d3, lane3
        h = NG
        while h > 1:
            h //= 2
            sel = v[:, :h, :] <= v[:, h:, :]
            ix = jnp.where(sel, ix[:, :h, :], ix[:, h:, :])
            v = jnp.where(sel, v[:, :h, :], v[:, h:, :])
        cm = v[:, 0, :]
        ci = ix[:, 0, :]
        pv.append(cm)
        pi.append(ci)
        d3 = jnp.where(lane3 == ci[:, None, :], 1e30, d3)
    pv_ref[0] = jnp.concatenate(pv, axis=1)
    pi_ref[0] = jnp.concatenate(pi, axis=1)


TOPK_ROUNDS = 5
POOL = TOPK_ROUNDS * 128


def _topk(centers, xyzT):
    nb = NUM_GROUP // G_BLK
    return pl.pallas_call(
        _topk_body,
        grid=(BATCH, nb),
        in_specs=[
            pl.BlockSpec((1, G_BLK, 3), lambda b, g: (b, g, 0)),
            pl.BlockSpec((1, 3, N_PTS), lambda b, g: (b, 0, 0)),
        ],
        out_specs=(
            pl.BlockSpec((1, G_BLK, POOL), lambda b, g: (b, g, 0)),
            pl.BlockSpec((1, G_BLK, POOL), lambda b, g: (b, g, 0)),
        ),
        out_shape=(
            jax.ShapeDtypeStruct((BATCH, NUM_GROUP, POOL), jnp.float32),
            jax.ShapeDtypeStruct((BATCH, NUM_GROUP, POOL), jnp.int32),
        ),
    )(centers, xyzT)


ROWS_PER_TILE = BG // 32
NVEC = POOL // 16


def _merge16(ak, av, bk, bv):
    brk = lax.rev(bk, (0,))
    brv = lax.rev(bv, (0,))
    m = ak <= brk
    lok = jnp.where(m, ak, brk)
    lov = jnp.where(m, av, brv)
    hik = jnp.where(m, brk, ak)
    hiv = jnp.where(m, brv, av)
    lok, lov = plsc.sort_key_val(lok, lov)
    hik, hiv = plsc.sort_key_val(hik, hiv)
    return lok, lov, hik, hiv


RHALF = ROWS_PER_TILE // 2


def _sc_select_body(pv_hbm, pi_hbm, out_hbm, pvbuf, pibuf, outbuf):
    cid = lax.axis_index("c")
    sid = lax.axis_index("s")
    wid = sid * 2 + cid
    r0 = wid * ROWS_PER_TILE

    def half_body(hf, _):
        pltpu.sync_copy(
            pv_hbm.at[pl.ds((r0 + hf * RHALF) * POOL, RHALF * POOL)], pvbuf)
        pltpu.sync_copy(
            pi_hbm.at[pl.ds((r0 + hf * RHALF) * POOL, RHALF * POOL)], pibuf)

        def row_body(r, _):
            o = r * POOL
            k0, v0 = plsc.sort_key_val(pvbuf[pl.ds(o, 16)],
                                       pibuf[pl.ds(o, 16)])
            k1, v1 = plsc.sort_key_val(pvbuf[pl.ds(o + 16, 16)],
                                       pibuf[pl.ds(o + 16, 16)])
            rv0, ri0, rv1, ri1 = _merge16(k0, v0, k1, v1)
            mx = jnp.max(rv1)

            def pair_body(t, carry):
                rv0, ri0, rv1, ri1, mx = carry
                ca = pvbuf[pl.ds(o + t * 32, 16)]
                cb = pvbuf[pl.ds(o + t * 32 + 16, 16)]
                nhit = jnp.sum((jnp.minimum(ca, cb) < mx).astype(jnp.int32))

                def merge(_):
                    rv, ri = rv0, ri0
                    rw, rj = rv1, ri1
                    for off in (0, 16):
                        ck = pvbuf[pl.ds(o + t * 32 + off, 16)]
                        cv = pibuf[pl.ds(o + t * 32 + off, 16)]
                        sk, sv = plsc.sort_key_val(ck, cv)
                        m1k, m1v, _, _ = _merge16(rw, rj, sk, sv)
                        rv, ri, rw, rj = _merge16(rv, ri, m1k, m1v)
                    return rv, ri, rw, rj, jnp.max(rw)

                return lax.cond(nhit > 0, merge,
                                lambda _: (rv0, ri0, rv1, ri1, mx), 0)

            rv0, ri0, rv1, ri1, mx = lax.fori_loop(
                1, NVEC // 2, pair_body, (rv0, ri0, rv1, ri1, mx))
            ob = (hf * RHALF + r) * GROUP_SIZE
            outbuf[pl.ds(ob, 16)] = ri0
            outbuf[pl.ds(ob + 16, 16)] = ri1
            return 0

        lax.fori_loop(0, RHALF, row_body, 0)
        return 0

    lax.fori_loop(0, 2, half_body, 0)
    pltpu.sync_copy(outbuf,
                    out_hbm.at[pl.ds(r0 * GROUP_SIZE,
                                     ROWS_PER_TILE * GROUP_SIZE)])


def _sc_select(pool_v, pool_i):
    mesh = plsc.VectorSubcoreMesh(core_axis_name="c", subcore_axis_name="s")
    kfn = functools.partial(
        pl.kernel,
        mesh=mesh,
        compiler_params=pltpu.CompilerParams(needs_layout_passes=False),
        out_type=jax.ShapeDtypeStruct((BG * GROUP_SIZE,), jnp.int32),
        scratch_types=[
            pltpu.VMEM((RHALF * POOL,), jnp.float32),
            pltpu.VMEM((RHALF * POOL,), jnp.int32),
            pltpu.VMEM((ROWS_PER_TILE * GROUP_SIZE,), jnp.int32),
        ],
    )(_sc_select_body)
    return kfn(pool_v.reshape(-1), pool_i.reshape(-1))


GRP_PER_TILE = BG // 32
XB_WORDS = GRP_PER_TILE * GROUP_SIZE * XPAD


def _sc_gather_body(xyz_hbm, idx_hbm, cen_hbm, xout_hbm, stats_hbm,
                    xyzbuf, idxbuf, cenbuf, xbuf, statbuf):
    cid = lax.axis_index("c")
    sid = lax.axis_index("s")
    wid = sid * 2 + cid
    b = wid // 4
    q = wid % 4

    pltpu.sync_copy(xyz_hbm.at[pl.ds(b * (N_PTS * 3), N_PTS * 3)], xyzbuf)
    pltpu.sync_copy(idx_hbm.at[pl.ds(wid * (GRP_PER_TILE * GROUP_SIZE),
                                     GRP_PER_TILE * GROUP_SIZE)], idxbuf)
    cen_off = (b * NUM_GROUP + q * GRP_PER_TILE) * 3
    pltpu.sync_copy(cen_hbm.at[pl.ds(cen_off, GRP_PER_TILE * 3)], cenbuf)

    zeros16 = jnp.zeros((16,), jnp.float32)

    def zbody(i, _):
        xbuf[pl.ds(i * 16, 16)] = zeros16
        return 0
    lax.fori_loop(0, XB_WORDS // 16, zbody, 0)

    iota = jnp.arange(16, dtype=jnp.int32)

    def gbody(g, acc):
        csel = jnp.full((16,), g * 3, jnp.int32)
        cx = plsc.load_gather(cenbuf, [csel])
        cy = plsc.load_gather(cenbuf, [csel + 1])
        cz = plsc.load_gather(cenbuf, [csel + 2])

        def hbody(h, acc):
            base = g * GROUP_SIZE + h * 16
            pid = idxbuf[pl.ds(base, 16)]
            a3 = pid * 3
            x = plsc.load_gather(xyzbuf, [a3])
            y = plsc.load_gather(xyzbuf, [a3 + 1])
            z = plsc.load_gather(xyzbuf, [a3 + 2])
            xo = x - cx
            yo = y - cy
            zo = z - cz
            pos = (base + iota) * XPAD
            plsc.store_scatter(xbuf, [pos], xo)
            plsc.store_scatter(xbuf, [pos + 1], yo)
            plsc.store_scatter(xbuf, [pos + 2], zo)
            (sx, sy, sz, sxx, syy, szz, sxy, sxz, syz) = acc
            return (sx + xo, sy + yo, sz + zo,
                    sxx + xo * xo, syy + yo * yo, szz + zo * zo,
                    sxy + xo * yo, sxz + xo * zo, syz + yo * zo)

        return lax.fori_loop(0, 2, hbody, acc)

    acc0 = tuple(jnp.zeros((16,), jnp.float32) for _ in range(9))
    acc = lax.fori_loop(0, GRP_PER_TILE, gbody, acc0)

    stat = jnp.zeros((16,), jnp.float32)
    for i, v in enumerate(acc):
        stat = jnp.where(iota == i, jnp.sum(v), stat)
    statbuf[...] = stat
    pltpu.sync_copy(statbuf, stats_hbm.at[wid])
    pltpu.sync_copy(xbuf, xout_hbm.at[pl.ds(wid * XB_WORDS, XB_WORDS)])


def _sc_gather(xyz_flat, idx_flat, cen_flat):
    mesh = plsc.VectorSubcoreMesh(core_axis_name="c", subcore_axis_name="s")
    kfn = functools.partial(
        pl.kernel,
        mesh=mesh,
        compiler_params=pltpu.CompilerParams(needs_layout_passes=False),
        out_type=(
            jax.ShapeDtypeStruct((ROWS * XPAD,), jnp.float32),
            jax.ShapeDtypeStruct((32, 16), jnp.float32),
        ),
        scratch_types=[
            pltpu.VMEM((N_PTS * 3,), jnp.float32),
            pltpu.VMEM((GRP_PER_TILE * GROUP_SIZE,), jnp.int32),
            pltpu.VMEM((GRP_PER_TILE * 3,), jnp.float32),
            pltpu.VMEM((XB_WORDS,), jnp.float32),
            pltpu.VMEM((16,), jnp.float32),
        ],
    )(_sc_gather_body)
    return kfn(xyz_flat, idx_flat, cen_flat)


R_BLK = 2048
GB = R_BLK // GROUP_SIZE


def _compute_f3(x_ref, w1_ref, a1_ref, c1_ref, w2_ref, b2_ref,
                w3a_ref, w3b_ref, b3_ref):
    X = x_ref[...]
    F1 = jnp.dot(X, w1_ref[...], preferred_element_type=jnp.float32)
    F1 = jnp.maximum(F1 * a1_ref[...] + c1_ref[...], 0.0)
    F2 = jnp.dot(F1.astype(jnp.bfloat16), w2_ref[...],
                 preferred_element_type=jnp.float32)
    F2 = F2 + b2_ref[...]
    fg = jnp.max(F2.reshape(GB, GROUP_SIZE, 256), axis=1)
    G = jnp.dot(fg.astype(jnp.bfloat16), w3a_ref[...],
                preferred_element_type=jnp.float32)
    F3 = jnp.dot(F2.astype(jnp.bfloat16), w3b_ref[...],
                 preferred_element_type=jnp.float32)
    F3 = F3 + b3_ref[...]
    F3 = F3 + jnp.broadcast_to(
        G.reshape(GB, 1, 512), (GB, GROUP_SIZE, 512)).reshape(R_BLK, 512)
    return F3


def _pass1_body(x_ref, w1_ref, a1_ref, c1_ref, w2_ref, b2_ref,
                w3a_ref, w3b_ref, b3_ref, s3_ref):
    i = pl.program_id(0)
    F3 = _compute_f3(x_ref, w1_ref, a1_ref, c1_ref, w2_ref, b2_ref,
                     w3a_ref, w3b_ref, b3_ref)
    st = jnp.concatenate(
        [jnp.sum(F3, axis=0, keepdims=True),
         jnp.sum(F3 * F3, axis=0, keepdims=True)], axis=0)

    @pl.when(i == 0)
    def _():
        s3_ref[...] = jnp.zeros((8, 512), jnp.float32)
    s3_ref[0:2, :] += st


def _pass1(X8, W1p, A1, C1, W2T, b2r, W3aT, W3bT, b3r):
    nblk = ROWS // R_BLK
    return pl.pallas_call(
        _pass1_body,
        grid=(nblk,),
        in_specs=[
            pl.BlockSpec((R_BLK, XPAD), lambda i: (i, 0)),
            pl.BlockSpec((XPAD, 128), lambda i: (0, 0)),
            pl.BlockSpec((1, 128), lambda i: (0, 0)),
            pl.BlockSpec((1, 128), lambda i: (0, 0)),
            pl.BlockSpec((128, 256), lambda i: (0, 0)),
            pl.BlockSpec((1, 256), lambda i: (0, 0)),
            pl.BlockSpec((256, 512), lambda i: (0, 0)),
            pl.BlockSpec((256, 512), lambda i: (0, 0)),
            pl.BlockSpec((1, 512), lambda i: (0, 0)),
        ],
        out_specs=pl.BlockSpec((8, 512), lambda i: (0, 0)),
        out_shape=jax.ShapeDtypeStruct((8, 512), jnp.float32),
    )(X8, W1p, A1, C1, W2T, b2r, W3aT, W3bT, b3r)


def _pass2_body(x_ref, w1_ref, a1_ref, c1_ref, w2_ref, b2_ref,
                w3a_ref, w3b_ref, b3_ref, a3_ref, c3_ref, w4_ref, b4_ref,
                tok_ref):
    F3 = _compute_f3(x_ref, w1_ref, a1_ref, c1_ref, w2_ref, b2_ref,
                     w3a_ref, w3b_ref, b3_ref)
    F3 = jnp.maximum(F3 * a3_ref[...] + c3_ref[...], 0.0)
    F4 = jnp.dot(F3.astype(jnp.bfloat16), w4_ref[...],
                 preferred_element_type=jnp.float32)
    F4 = F4 + b4_ref[...]
    tok_ref[...] = jnp.max(F4.reshape(GB, GROUP_SIZE, ENC_CH), axis=1)


def _pass2(X8, W1p, A1, C1, W2T, b2r, W3aT, W3bT, b3r, A3, C3, W4T, b4r):
    nblk = ROWS // R_BLK
    return pl.pallas_call(
        _pass2_body,
        grid=(nblk,),
        in_specs=[
            pl.BlockSpec((R_BLK, XPAD), lambda i: (i, 0)),
            pl.BlockSpec((XPAD, 128), lambda i: (0, 0)),
            pl.BlockSpec((1, 128), lambda i: (0, 0)),
            pl.BlockSpec((1, 128), lambda i: (0, 0)),
            pl.BlockSpec((128, 256), lambda i: (0, 0)),
            pl.BlockSpec((1, 256), lambda i: (0, 0)),
            pl.BlockSpec((256, 512), lambda i: (0, 0)),
            pl.BlockSpec((256, 512), lambda i: (0, 0)),
            pl.BlockSpec((1, 512), lambda i: (0, 0)),
            pl.BlockSpec((1, 512), lambda i: (0, 0)),
            pl.BlockSpec((1, 512), lambda i: (0, 0)),
            pl.BlockSpec((512, ENC_CH), lambda i: (0, 0)),
            pl.BlockSpec((1, ENC_CH), lambda i: (0, 0)),
        ],
        out_specs=pl.BlockSpec((GB, ENC_CH), lambda i: (i, 0)),
        out_shape=jax.ShapeDtypeStruct((BG, ENC_CH), jnp.float32),
    )(X8, W1p, A1, C1, W2T, b2r, W3aT, W3bT, b3r, A3, C3, W4T, b4r)


def kernel(xyz, W1, b1, g1, be1, W2, b2, W3, b3, g3, be3, W4, b4):
    eps = 1e-5
    xyzT = jnp.transpose(xyz, (0, 2, 1))

    c_idx, cx, cy, cz = _fps(xyzT)
    centers = jnp.stack([cx, cy, cz], axis=-1)

    pool_v, pool_i = _topk(centers, xyzT)
    idx_flat = _sc_select(pool_v, pool_i)

    X8f, stats = _sc_gather(
        xyz.reshape(-1), idx_flat, centers.reshape(-1))
    X8 = X8f.reshape(ROWS, XPAD)

    n = jnp.float32(ROWS)
    s = jnp.sum(stats, axis=0)
    mu = s[0:3] / n
    Sm = jnp.stack([
        jnp.stack([s[3], s[6], s[7]]),
        jnp.stack([s[6], s[4], s[8]]),
        jnp.stack([s[7], s[8], s[5]]),
    ]) / n
    Sig = Sm - jnp.outer(mu, mu)
    mean1 = W1 @ mu + b1
    var1 = jnp.einsum('ci,ij,cj->c', W1, Sig, W1)
    a1 = g1 / jnp.sqrt(var1 + eps)
    A1 = a1[None, :]
    C1 = (a1 * (b1 - mean1) + be1)[None, :]

    W1p = jnp.zeros((XPAD, 128), jnp.float32).at[0:3, :].set(W1.T)
    W2T = W2.T.astype(jnp.bfloat16)
    W3aT = W3[:, :256].T.astype(jnp.bfloat16)
    W3bT = W3[:, 256:].T.astype(jnp.bfloat16)
    W4T = W4.T.astype(jnp.bfloat16)

    s3 = _pass1(X8, W1p, A1, C1, W2T, b2[None, :], W3aT, W3bT, b3[None, :])
    mean3 = s3[0] / n
    var3 = s3[1] / n - mean3 * mean3
    a3 = g3 / jnp.sqrt(var3 + eps)
    A3 = a3[None, :]
    C3 = (be3 - mean3 * a3)[None, :]

    tokens = _pass2(X8, W1p, A1, C1, W2T, b2[None, :], W3aT, W3bT,
                    b3[None, :], A3, C3, W4T, b4[None, :])
    return tokens.reshape(BATCH, NUM_GROUP, ENC_CH)

# --- scband reference (transcript-rebuilt; emitter-appended) ---
"""Pipeline reference for scband-mamba-mesh-17678085390974 (READ-ONLY COPY).

The authoritative reference and input builder live on the scoring server;
editing this copy changes nothing except your own understanding.
"""

import jax, jax.numpy as jnp
import numpy as np

NUM_GROUP = 512
GROUP_SIZE = 32
IN_CH = 3
ENC_CH = 384

def fps(xyz, n_samples):
    B, N, _ = xyz.shape
    dists0 = jnp.full((B, N), 1e10, dtype=xyz.dtype)
    far0 = jnp.zeros((B,), dtype=jnp.int32)
    def step(carry, _):
        dists, farthest = carry
        centroid = jnp.take_along_axis(xyz, farthest[:, None, None].astype(jnp.int32), axis=1)
        d = jnp.sum((xyz - centroid) ** 2, axis=-1)
        dists = jnp.minimum(dists, d)
        nxt = jnp.argmax(dists, axis=1).astype(jnp.int32)
        return (dists, nxt), farthest
    (_, _), idxs = jax.lax.scan(step, (dists0, far0), None, length=n_samples)
    return jnp.transpose(idxs)  # [B, n_samples]

def index_points(points, idx):
    # points [B, N, C], idx [B, ...] -> [B, ..., C]
    return jax.vmap(lambda p, i: p[i])(points, idx)

def square_distance(src, dst):
    # src [B, S, C], dst [B, N, C] -> [B, S, N]
    d = -2.0 * jnp.einsum('bsc,bnc->bsn', src, dst)
    d = d + jnp.sum(src ** 2, -1)[:, :, None]
    d = d + jnp.sum(dst ** 2, -1)[:, None, :]
    return d

def conv1(x, W, b):
    # 1x1 Conv1d: x [B, Cin, K], W [Cout, Cin], b [Cout]
    return jnp.einsum('oi,bik->bok', W, x) + b[None, :, None]

def batchnorm(x, gamma, beta, eps=1e-5):
    mean = jnp.mean(x, axis=(0, 2), keepdims=True)
    var = jnp.var(x, axis=(0, 2), keepdims=True)
    xn = (x - mean) / jnp.sqrt(var + eps)
    return gamma[None, :, None] * xn + beta[None, :, None]

def setup_inputs(seed: int = 0) -> dict:
    key = jax.random.key(seed)
    ks = jax.random.split(key, 16)
    xyz = jax.random.normal(ks[0], (8, 8192, 3), dtype=jnp.float32)
    p = lambda k, shape: (jax.random.normal(k, shape, dtype=jnp.float32) * 0.02)
    return {
        'xyz': xyz,
        'W1': p(ks[1], (128, IN_CH)), 'b1': jnp.zeros((128,), jnp.float32),
        'g1': jnp.ones((128,), jnp.float32), 'be1': jnp.zeros((128,), jnp.float32),
        'W2': p(ks[2], (256, 128)), 'b2': jnp.zeros((256,), jnp.float32),
        'W3': p(ks[3], (512, 512)), 'b3': jnp.zeros((512,), jnp.float32),
        'g3': jnp.ones((512,), jnp.float32), 'be3': jnp.zeros((512,), jnp.float32),
        'W4': p(ks[4], (ENC_CH, 512)), 'b4': jnp.zeros((ENC_CH,), jnp.float32),
    }

def encoder(neighborhood, W1, b1, g1, be1, W2, b2, W3, b3, g3, be3, W4, b4):
    bs, g, n, _ = neighborhood.shape
    pg = neighborhood.reshape(bs * g, n, IN_CH).transpose(0, 2, 1)  # [BG, 3, K]
    f = conv1(pg, W1, b1)
    f = jax.nn.relu(batchnorm(f, g1, be1))
    f = conv1(f, W2, b2)  # [BG, 256, K]
    fg = jnp.max(f, axis=2, keepdims=True)
    f = jnp.concatenate([jnp.broadcast_to(fg, (bs * g, 256, n)), f], axis=1)  # [BG, 512, K]
    f = conv1(f, W3, b3)
    f = jax.nn.relu(batchnorm(f, g3, be3))
    f = conv1(f, W4, b4)  # [BG, ENC_CH, K]
    fg = jnp.max(f, axis=2)
    return fg.reshape(bs, g, ENC_CH)

def reference(xyz, W1, b1, g1, be1, W2, b2, W3, b3, g3, be3, W4, b4):
    # Group: FPS sampling of centers + neighborhood grouping (KNN stand-in for the
    # data-dependent random walk), then per-group Encoder -> group tokens.
    c_idx = fps(xyz, NUM_GROUP)                 # [B, G]
    center = index_points(xyz, c_idx)            # [B, G, 3]
    dist = square_distance(center, xyz)          # [B, G, N]
    _, idx = jax.lax.top_k(-dist, GROUP_SIZE)    # [B, G, K]
    neighborhood = index_points(xyz, idx)        # [B, G, K, 3]
    neighborhood = neighborhood - center[:, :, None, :]
    tokens = encoder(neighborhood, W1, b1, g1, be1, W2, b2, W3, b3, g3, be3, W4, b4)
    return tokens  # [B, G, ENC_CH]

if __name__ == "__main__":
    import jax
    _d = setup_inputs()
    print(jax.jit(kernel)(*tuple(_d.values())))

</pallas_src>

<mosaic_0001>
#map = affine_map<(d0, d1) -> (0)>
#map1 = affine_map<(d0, d1) -> (0, 0)>
module attributes {stable_mosaic.version = 14 : i64} {
  func.func @_sc_gather_body(%arg0: i32, %arg1: i32, %arg2: memref<196608xf32, #tpu.memory_space<hbm>>, %arg3: memref<131072xi32, #tpu.memory_space<hbm>>, %arg4: memref<12288xf32, #tpu.memory_space<hbm>>, %arg5: memref<1048576xf32, #tpu.memory_space<hbm>>, %arg6: memref<32x16xf32, #tpu.memory_space<hbm>>, %arg7: memref<24576xf32, #tpu.memory_space<vmem>>, %arg8: memref<4096xi32, #tpu.memory_space<vmem>>, %arg9: memref<384xf32, #tpu.memory_space<vmem>>, %arg10: memref<32768xf32, #tpu.memory_space<vmem>>, %arg11: memref<16xf32, #tpu.memory_space<vmem>>) attributes {dimension_semantics = [#tpu.dimension_semantics<core_parallel>, #tpu.dimension_semantics<subcore_parallel>], iteration_bounds = array<i64: 2, 16>, scalar_prefetch = 0 : i64, scratch_operands = 5 : i64, tpu.core_type = #tpu.core_type<sc_vector_subcore>, window_params = [{transform_indices = #map}, {transform_indices = #map}, {transform_indices = #map}, {transform_indices = #map}, {transform_indices = #map1}]} {
    %mul3A = arith.constant 2 : i32
    %mul3A_0 = arith.muli %arg1, %mul3A : i32
    %add3A = arith.addi %mul3A_0, %arg0 : i32
    %jit3A = arith.constant 4 : i32
    %div3A = arith.divsi %add3A, %jit3A : i32
    %sign3A = arith.constant 0 : i32
    %sign3A_1 = arith.cmpi sgt, %add3A, %sign3A : i32
    %sign3A_2 = arith.extui %sign3A_1 : i1 to i32
    %sign3A_3 = arith.constant 0 : i32
    %sign3A_4 = arith.cmpi slt, %add3A, %sign3A_3 : i32
    %sign3A_5 = arith.extui %sign3A_4 : i1 to i32
    %sign3A_6 = arith.subi %sign3A_2, %sign3A_5 : i32
    %sign3A_7 = arith.constant 0 : i32
    %sign3A_8 = arith.cmpi sgt, %jit3A, %sign3A_7 : i32
    %sign3A_9 = arith.extui %sign3A_8 : i1 to i32
    %sign3A_10 = arith.constant 0 : i32
    %sign3A_11 = arith.cmpi slt, %jit3A, %sign3A_10 : i32
    %sign3A_12 = arith.extui %sign3A_11 : i1 to i32
    %sign3A_13 = arith.subi %sign3A_9, %sign3A_12 : i32
    %ne3A = arith.cmpi ne, %sign3A_6, %sign3A_13 : i32
    %rem3A = arith.remsi %add3A, %jit3A : i32
    %ne3A_14 = arith.constant 0 : i32
    %ne3A_15 = arith.cmpi ne, %rem3A, %ne3A_14 : i32
    %and3A = arith.andi %ne3A, %ne3A_15 : i1
    %sub3A = arith.constant 1 : i32
    %sub3A_16 = arith.subi %div3A, %sub3A : i32
    %select_n3A = arith.select %and3A, %sub3A_16, %div3A : i32
    %jit3A_17 = arith.constant 4 : i32
    %eq3A = arith.constant 0 : i32
    %eq3A_18 = arith.cmpi eq, %jit3A_17, %eq3A : i32
    %jit3A_19 = arith.constant 1 : i32
    %select_n3A_20 = arith.select %eq3A_18, %jit3A_19, %jit3A_17 : i32
    %rem3A_21 = arith.remsi %add3A, %select_n3A_20 : i32
    %ne3A_22 = arith.constant 0 : i32
    %ne3A_23 = arith.cmpi ne, %rem3A_21, %ne3A_22 : i32
    %lt3A = arith.constant 0 : i32
    %lt3A_24 = arith.cmpi slt, %rem3A_21, %lt3A : i32
    %lt3A_25 = arith.constant 0 : i32
    %lt3A_26 = arith.cmpi slt, %select_n3A_20, %lt3A_25 : i32
    %ne3A_27 = arith.xori %lt3A_24, %lt3A_26 : i1
    %and3A_28 = arith.andi %ne3A_27, %ne3A_23 : i1
    %add3A_29 = arith.addi %rem3A_21, %select_n3A_20 : i32
    %select_n3A_30 = arith.select %and3A_28, %add3A_29, %rem3A_21 : i32
    %mul3A_31 = arith.constant 24576 : i32
    %mul3A_32 = arith.muli %select_n3A, %mul3A_31 : i32
    "tpu.region"() ({
      %run_scoped3A = tpu.sem_alloc : memref<!tpu.dma_semaphore, #tpu.memory_space<semaphore_mem>>
      %dma_start3A = tpu.memref_slice %arg2[%mul3A_32] : memref<196608xf32, #tpu.memory_space<hbm>> -> memref<24576xf32, #tpu.memory_space<hbm>>
      %dma_start3A_158 = tpu.memref_slice %arg2[%mul3A_32] : memref<196608xf32, #tpu.memory_space<hbm>> -> memref<24576xf32, #tpu.memory_space<hbm>>
      tpu.enqueue_dma source(%dma_start3A_158 : memref<24576xf32, #tpu.memory_space<hbm>>) target(%arg7 : memref<24576xf32, #tpu.memory_space<vmem>>) target_semaphore(%run_scoped3A : memref<!tpu.dma_semaphore, #tpu.memory_space<semaphore_mem>>)
      %dma_wait3A = tpu.memref_slice %arg2[%mul3A_32] : memref<196608xf32, #tpu.memory_space<hbm>> -> memref<24576xf32, #tpu.memory_space<hbm>>
      %dma_wait3A_159 = tpu.memref_slice %arg2[%mul3A_32] : memref<196608xf32, #tpu.memory_space<hbm>> -> memref<24576xf32, #tpu.memory_space<hbm>>
      tpu.wait_dma2 semaphore(%run_scoped3A : memref<!tpu.dma_semaphore, #tpu.memory_space<semaphore_mem>>) src(%dma_wait3A_159 : memref<24576xf32, #tpu.memory_space<hbm>>) dst(%arg7 : memref<24576xf32, #tpu.memory_space<vmem>>)
      tpu.yield
    }) : () -> ()
    %mul3A_33 = arith.constant 4096 : i32
    %mul3A_34 = arith.muli %add3A, %mul3A_33 : i32
    "tpu.region"() ({
      %run_scoped3A = tpu.sem_alloc : memref<!tpu.dma_semaphore, #tpu.memory_space<semaphore_mem>>
      %dma_start3A = tpu.memref_slice %arg3[%mul3A_34] : memref<131072xi32, #tpu.memory_space<hbm>> -> memref<4096xi32, #tpu.memory_space<hbm>>
      %dma_start3A_158 = tpu.memref_slice %arg3[%mul3A_34] : memref<131072xi32, #tpu.memory_space<hbm>> -> memref<4096xi32, #tpu.memory_space<hbm>>
      tpu.enqueue_dma source(%dma_start3A_158 : memref<4096xi32, #tpu.memory_space<hbm>>) target(%arg8 : memref<4096xi32, #tpu.memory_space<vmem>>) target_semaphore(%run_scoped3A : memref<!tpu.dma_semaphore, #tpu.memory_space<semaphore_mem>>)
      %dma_wait3A = tpu.memref_slice %arg3[%mul3A_34] : memref<131072xi32, #tpu.memory_space<hbm>> -> memref<4096xi32, #tpu.memory_space<hbm>>
      %dma_wait3A_159 = tpu.memref_slice %arg3[%mul3A_34] : memref<131072xi32, #tpu.memory_space<hbm>> -> memref<4096xi32, #tpu.memory_space<hbm>>
      tpu.wait_dma2 semaphore(%run_scoped3A : memref<!tpu.dma_semaphore, #tpu.memory_space<semaphore_mem>>) src(%dma_wait3A_159 : memref<4096xi32, #tpu.memory_space<hbm>>) dst(%arg8 : memref<4096xi32, #tpu.memory_space<vmem>>)
      tpu.yield
    }) : () -> ()
    %mul3A_35 = arith.constant 512 : i32
    %mul3A_36 = arith.muli %select_n3A, %mul3A_35 : i32
    %mul3A_37 = arith.constant 128 : i32
    %mul3A_38 = arith.muli %select_n3A_30, %mul3A_37 : i32
    %add3A_39 = arith.addi %mul3A_36, %mul3A_38 : i32
    %mul3A_40 = arith.constant 3 : i32
    %mul3A_41 = arith.muli %add3A_39, %mul3A_40 : i32
    "tpu.region"() ({
      %run_scoped3A = tpu.sem_alloc : memref<!tpu.dma_semaphore, #tpu.memory_space<semaphore_mem>>
      %dma_start3A = tpu.memref_slice %arg4[%mul3A_41] : memref<12288xf32, #tpu.memory_space<hbm>> -> memref<384xf32, #tpu.memory_space<hbm>>
      %dma_start3A_158 = tpu.memref_slice %arg4[%mul3A_41] : memref<12288xf32, #tpu.memory_space<hbm>> -> memref<384xf32, #tpu.memory_space<hbm>>
      tpu.enqueue_dma source(%dma_start3A_158 : memref<384xf32, #tpu.memory_space<hbm>>) target(%arg9 : memref<384xf32, #tpu.memory_space<vmem>>) target_semaphore(%run_scoped3A : memref<!tpu.dma_semaphore, #tpu.memory_space<semaphore_mem>>)
      %dma_wait3A = tpu.memref_slice %arg4[%mul3A_41] : memref<12288xf32, #tpu.memory_space<hbm>> -> memref<384xf32, #tpu.memory_space<hbm>>
      %dma_wait3A_159 = tpu.memref_slice %arg4[%mul3A_41] : memref<12288xf32, #tpu.memory_space<hbm>> -> memref<384xf32, #tpu.memory_space<hbm>>
      tpu.wait_dma2 semaphore(%run_scoped3A : memref<!tpu.dma_semaphore, #tpu.memory_space<semaphore_mem>>) src(%dma_wait3A_159 : memref<384xf32, #tpu.memory_space<hbm>>) dst(%arg9 : memref<384xf32, #tpu.memory_space<vmem>>)
      tpu.yield
    }) : () -> ()
    %broadcast_in_dim3A = arith.constant 0.000000e+00 : f32
    %broadcast_in_dim3A_42 = vector.broadcast %broadcast_in_dim3A : f32 to vector<16xf32>
    %scan3A = arith.constant 0 : i32
    %scan3A_43 = arith.constant 0 : i32
    %scan3A_44 = arith.constant 2048 : i32
    %scan3A_45 = arith.addi %scan3A_43, %scan3A_44 : i32
    %scan3A_46 = arith.constant 1 : i32
    %scan3A_47 = scf.for %scan3A_158 = %scan3A_43 to %scan3A_45 step %scan3A_46 iter_args(%scan3A_159 = %scan3A) -> (i32)  : i32 {
      %mul3A_160 = arith.constant 16 : i32
      %mul3A_161 = arith.muli %scan3A_158, %mul3A_160 : i32
      %swap3A_162 = arith.index_cast %mul3A_161 : i32 to index
      %swap3A_163 = tpu.vector_load %arg10[%swap3A_162] {strides = array<i32>} : memref<32768xf32, #tpu.memory_space<vmem>>, vector<16xf32>,
      tpu.vector_store %arg10[%swap3A_162], %broadcast_in_dim3A_42 {strides = array<i32>} : memref<32768xf32, #tpu.memory_space<vmem>>, vector<16xf32>,
      %scan3A_164 = arith.constant 0 : i32
      scf.yield %scan3A_164 : i32
    }
    %scan3A_48 = arith.constant 2048 : i32
    %iota3A = tpu.iota {dimensions = array<i32: 0>} : vector<16xi32>
    %broadcast_in_dim3A_49 = arith.constant 0.000000e+00 : f32
    %broadcast_in_dim3A_50 = vector.broadcast %broadcast_in_dim3A_49 : f32 to vector<16xf32>
    %broadcast_in_dim3A_51 = arith.constant 0.000000e+00 : f32
    %broadcast_in_dim3A_52 = vector.broadcast %broadcast_in_dim3A_51 : f32 to vector<16xf32>
    %broadcast_in_dim3A_53 = arith.constant 0.000000e+00 : f32
    %broadcast_in_dim3A_54 = vector.broadcast %broadcast_in_dim3A_53 : f32 to vector<16xf32>
    %broadcast_in_dim3A_55 = arith.constant 0.000000e+00 : f32
    %broadcast_in_dim3A_56 = vector.broadcast %broadcast_in_dim3A_55 : f32 to vector<16xf32>
    %broadcast_in_dim3A_57 = arith.constant 0.000000e+00 : f32
    %broadcast_in_dim3A_58 = vector.broadcast %broadcast_in_dim3A_57 : f32 to vector<16xf32>
    %broadcast_in_dim3A_59 = arith.constant 0.000000e+00 : f32
    %broadcast_in_dim3A_60 = vector.broadcast %broadcast_in_dim3A_59 : f32 to vector<16xf32>
    %broadcast_in_dim3A_61 = arith.constant 0.000000e+00 : f32
    %broadcast_in_dim3A_62 = vector.broadcast %broadcast_in_dim3A_61 : f32 to vector<16xf32>
    %broadcast_in_dim3A_63 = arith.constant 0.000000e+00 : f32
    %broadcast_in_dim3A_64 = vector.broadcast %broadcast_in_dim3A_63 : f32 to vector<16xf32>
    %broadcast_in_dim3A_65 = arith.constant 0.000000e+00 : f32
    %broadcast_in_dim3A_66 = vector.broadcast %broadcast_in_dim3A_65 : f32 to vector<16xf32>
    %scan3A_67 = arith.constant 0 : i32
    %scan3A_68 = arith.constant 128 : i32
    %scan3A_69 = arith.addi %scan3A_67, %scan3A_68 : i32
    %scan3A_70 = arith.constant 1 : i32
    %scan3A_71:9 = scf.for %scan3A_158 = %scan3A_67 to %scan3A_69 step %scan3A_70 iter_args(%scan3A_159 = %broadcast_in_dim3A_50, %scan3A_160 = %broadcast_in_dim3A_52, %scan3A_161 = %broadcast_in_dim3A_54, %scan3A_162 = %broadcast_in_dim3A_56, %scan3A_163 = %broadcast_in_dim3A_58, %scan3A_164 = %broadcast_in_dim3A_60, %scan3A_165 = %broadcast_in_dim3A_62, %scan3A_166 = %broadcast_in_dim3A_64, %scan3A_167 = %broadcast_in_dim3A_66) -> (vector<16xf32>, vector<16xf32>, vector<16xf32>, vector<16xf32>, vector<16xf32>, vector<16xf32>, vector<16xf32>, vector<16xf32>, vector<16xf32>)  : i32 {
      %mul3A_168 = arith.constant 3 : i32
      %mul3A_169 = arith.muli %scan3A_158, %mul3A_168 : i32
      %broadcast_in_dim3A_170 = vector.broadcast %mul3A_169 : i32 to vector<16xi32>
      %gather3A = tpu.vector_load_idx %arg9[%broadcast_in_dim3A_170] : memref<384xf32, #tpu.memory_space<vmem>>[vector<16xi32>], vector<16xf32>,
      %add3A_171 = arith.constant 1 : i32
      %add3A_172 = vector.broadcast %add3A_171 : i32 to vector<16xi32>
      %add3A_173 = arith.addi %broadcast_in_dim3A_170, %add3A_172 : vector<16xi32>
      %gather3A_174 = tpu.vector_load_idx %arg9[%add3A_173] : memref<384xf32, #tpu.memory_space<vmem>>[vector<16xi32>], vector<16xf32>,
      %add3A_175 = arith.constant 2 : i32
      %add3A_176 = vector.broadcast %add3A_175 : i32 to vector<16xi32>
      %add3A_177 = arith.addi %broadcast_in_dim3A_170, %add3A_176 : vector<16xi32>
      %gather3A_178 = tpu.vector_load_idx %arg9[%add3A_177] : memref<384xf32, #tpu.memory_space<vmem>>[vector<16xi32>], vector<16xf32>,
      %scan3A_179 = arith.constant 0 : i32
      %scan3A_180 = arith.constant 2 : i32
      %scan3A_181 = arith.addi %scan3A_179, %scan3A_180 : i32
      %scan3A_182 = arith.constant 1 : i32
      %scan3A_183:9 = scf.for %scan3A_185 = %scan3A_179 to %scan3A_181 step %scan3A_182 iter_args(%scan3A_186 = %scan3A_159, %scan3A_187 = %scan3A_160, %scan3A_188 = %scan3A_161, %scan3A_189 = %scan3A_162, %scan3A_190 = %scan3A_163, %scan3A_191 = %scan3A_164, %scan3A_192 = %scan3A_165, %scan3A_193 = %scan3A_166, %scan3A_194 = %scan3A_167) -> (vector<16xf32>, vector<16xf32>, vector<16xf32>, vector<16xf32>, vector<16xf32>, vector<16xf32>, vector<16xf32>, vector<16xf32>, vector<16xf32>)  : i32 {
        %mul3A_195 = arith.constant 32 : i32
        %mul3A_196 = arith.muli %scan3A_158, %mul3A_195 : i32
        %mul3A_197 = arith.constant 16 : i32
        %mul3A_198 = arith.muli %scan3A_185, %mul3A_197 : i32
        %add3A_199 = arith.addi %mul3A_196, %mul3A_198 : i32
        %get3A = arith.index_cast %add3A_199 : i32 to index
        %get3A_200 = tpu.vector_load %arg8[%get3A] {strides = array<i32>} : memref<4096xi32, #tpu.memory_space<vmem>>, vector<16xi32>,
        %mul3A_201 = arith.constant 3 : i32
        %mul3A_202 = vector.broadcast %mul3A_201 : i32 to vector<16xi32>
        %mul3A_203 = arith.muli %get3A_200, %mul3A_202 : vector<16xi32>
        %gather3A_204 = tpu.vector_load_idx %arg7[%mul3A_203] : memref<24576xf32, #tpu.memory_space<vmem>>[vector<16xi32>], vector<16xf32>,
        %add3A_205 = arith.constant 1 : i32
        %add3A_206 = vector.broadcast %add3A_205 : i32 to vector<16xi32>
        %add3A_207 = arith.addi %mul3A_203, %add3A_206 : vector<16xi32>
        %gather3A_208 = tpu.vector_load_idx %arg7[%add3A_207] : memref<24576xf32, #tpu.memory_space<vmem>>[vector<16xi32>], vector<16xf32>,
        %add3A_209 = arith.constant 2 : i32
        %add3A_210 = vector.broadcast %add3A_209 : i32 to vector<16xi32>
        %add3A_211 = arith.addi %mul3A_203, %add3A_210 : vector<16xi32>
        %gather3A_212 = tpu.vector_load_idx %arg7[%add3A_211] : memref<24576xf32, #tpu.memory_space<vmem>>[vector<16xi32>], vector<16xf32>,
        %sub3A_213 = arith.subf %gather3A_204, %gather3A : vector<16xf32>
        %sub3A_214 = arith.subf %gather3A_208, %gather3A_174 : vector<16xf32>
        %sub3A_215 = arith.subf %gather3A_212, %gather3A_178 : vector<16xf32>
        %add3A_216 = vector.broadcast %add3A_199 : i32 to vector<16xi32>
        %add3A_217 = arith.addi %add3A_216, %iota3A : vector<16xi32>
        %mul3A_218 = arith.constant 8 : i32
        %mul3A_219 = vector.broadcast %mul3A_218 : i32 to vector<16xi32>
        %mul3A_220 = arith.muli %add3A_217, %mul3A_219 : vector<16xi32>
        tpu.vector_store_idx %arg10[%mul3A_220], %sub3A_213 : memref<32768xf32, #tpu.memory_space<vmem>>[vector<16xi32>], vector<16xf32>,
        %add3A_221 = arith.constant 1 : i32
        %add3A_222 = vector.broadcast %add3A_221 : i32 to vector<16xi32>
        %add3A_223 = arith.addi %mul3A_220, %add3A_222 : vector<16xi32>
        tpu.vector_store_idx %arg10[%add3A_223], %sub3A_214 : memref<32768xf32, #tpu.memory_space<vmem>>[vector<16xi32>], vector<16xf32>,
        %add3A_224 = arith.constant 2 : i32
        %add3A_225 = vector.broadcast %add3A_224 : i32 to vector<16xi32>
        %add3A_226 = arith.addi %mul3A_220, %add3A_225 : vector<16xi32>
        tpu.vector_store_idx %arg10[%add3A_226], %sub3A_215 : memref<32768xf32, #tpu.memory_space<vmem>>[vector<16xi32>], vector<16xf32>,
        %add3A_227 = arith.addf %scan3A_186, %sub3A_213 : vector<16xf32>
        %add3A_228 = arith.addf %scan3A_187, %sub3A_214 : vector<16xf32>
        %add3A_229 = arith.addf %scan3A_188, %sub3A_215 : vector<16xf32>
        %mul3A_230 = arith.mulf %sub3A_213, %sub3A_213 : vector<16xf32>
        %add3A_231 = arith.addf %scan3A_189, %mul3A_230 : vector<16xf32>
        %mul3A_232 = arith.mulf %sub3A_214, %sub3A_214 : vector<16xf32>
        %add3A_233 = arith.addf %scan3A_190, %mul3A_232 : vector<16xf32>
        %mul3A_234 = arith.mulf %sub3A_215, %sub3A_215 : vector<16xf32>
        %add3A_235 = arith.addf %scan3A_191, %mul3A_234 : vector<16xf32>
        %mul3A_236 = arith.mulf %sub3A_213, %sub3A_214 : vector<16xf32>
        %add3A_237 = arith.addf %scan3A_192, %mul3A_236 : vector<16xf32>
        %mul3A_238 = arith.mulf %sub3A_213, %sub3A_215 : vector<16xf32>
        %add3A_239 = arith.addf %scan3A_193, %mul3A_238 : vector<16xf32>
        %mul3A_240 = arith.mulf %sub3A_214, %sub3A_215 : vector<16xf32>
        %add3A_241 = arith.addf %scan3A_194, %mul3A_240 : vector<16xf32>
        scf.yield %add3A_227, %add3A_228, %add3A_229, %add3A_231, %add3A_233, %add3A_235, %add3A_237, %add3A_239, %add3A_241 : vector<16xf32>, vector<16xf32>, vector<16xf32>, vector<16xf32>, vector<16xf32>, vector<16xf32>, vector<16xf32>, vector<16xf32>, vector<16xf32>
      }
      %scan3A_184 = arith.constant 2 : i32
      scf.yield %scan3A_183#0, %scan3A_183#1, %scan3A_183#2, %scan3A_183#3, %scan3A_183#4, %scan3A_183#5, %scan3A_183#6, %scan3A_183#7, %scan3A_183#8 : vector<16xf32>, vector<16xf32>, vector<16xf32>, vector<16xf32>, vector<16xf32>, vector<16xf32>, vector<16xf32>, vector<16xf32>, vector<16xf32>
    }
    %scan3A_72 = arith.constant 128 : i32
    %broadcast_in_dim3A_73 = arith.constant 0.000000e+00 : f32
    %broadcast_in_dim3A_74 = vector.broadcast %broadcast_in_dim3A_73 : f32 to vector<16xf32>
    %eq3A_75 = arith.constant 0 : i32
    %eq3A_76 = vector.broadcast %eq3A_75 : i32 to vector<16xi32>
    %eq3A_77 = arith.cmpi eq, %iota3A, %eq3A_76 : vector<16xi32>
    %reduce_sum3A = arith.constant true
    %reduce_sum3A_78 = vector.broadcast %reduce_sum3A : i1 to vector<16xi1>
    %reduce_sum3A_79 = tpu.scan <sum>, %scan3A_71#0 masked %reduce_sum3A_78 : vector<16xf32>, vector<16xi1> -> vector<16xf32>
    %reduce_sum3A_80 = vector.extract %reduce_sum3A_79[15] : f32 from vector<16xf32>
    %broadcast_in_dim3A_81 = vector.broadcast %reduce_sum3A_80 : f32 to vector<16xf32>
    %select_n3A_82 = arith.select %eq3A_77, %broadcast_in_dim3A_81, %broadcast_in_dim3A_74 : vector<16xi1>, vector<16xf32>
    %eq3A_83 = arith.constant 1 : i32
    %eq3A_84 = vector.broadcast %eq3A_83 : i32 to vector<16xi32>
    %eq3A_85 = arith.cmpi eq, %iota3A, %eq3A_84 : vector<16xi32>
    %reduce_sum3A_86 = arith.constant true
    %reduce_sum3A_87 = vector.broadcast %reduce_sum3A_86 : i1 to vector<16xi1>
    %reduce_sum3A_88 = tpu.scan <sum>, %scan3A_71#1 masked %reduce_sum3A_87 : vector<16xf32>, vector<16xi1> -> vector<16xf32>
    %reduce_sum3A_89 = vector.extract %reduce_sum3A_88[15] : f32 from vector<16xf32>
    %broadcast_in_dim3A_90 = vector.broadcast %reduce_sum3A_89 : f32 to vector<16xf32>
    %select_n3A_91 = arith.select %eq3A_85, %broadcast_in_dim3A_90, %select_n3A_82 : vector<16xi1>, vector<16xf32>
    %eq3A_92 = arith.constant 2 : i32
    %eq3A_93 = vector.broadcast %eq3A_92 : i32 to vector<16xi32>
    %eq3A_94 = arith.cmpi eq, %iota3A, %eq3A_93 : vector<16xi32>
    %reduce_sum3A_95 = arith.constant true
    %reduce_sum3A_96 = vector.broadcast %reduce_sum3A_95 : i1 to vector<16xi1>
    %reduce_sum3A_97 = tpu.scan <sum>, %scan3A_71#2 masked %reduce_sum3A_96 : vector<16xf32>, vector<16xi1> -> vector<16xf32>
    %reduce_sum3A_98 = vector.extract %reduce_sum3A_97[15] : f32 from vector<16xf32>
    %broadcast_in_dim3A_99 = vector.broadcast %reduce_sum3A_98 : f32 to vector<16xf32>
    %select_n3A_100 = arith.select %eq3A_94, %broadcast_in_dim3A_99, %select_n3A_91 : vector<16xi1>, vector<16xf32>
    %eq3A_101 = arith.constant 3 : i32
    %eq3A_102 = vector.broadcast %eq3A_101 : i32 to vector<16xi32>
    %eq3A_103 = arith.cmpi eq, %iota3A, %eq3A_102 : vector<16xi32>
    %reduce_sum3A_104 = arith.constant true
    %reduce_sum3A_105 = vector.broadcast %reduce_sum3A_104 : i1 to vector<16xi1>
    %reduce_sum3A_106 = tpu.scan <sum>, %scan3A_71#3 masked %reduce_sum3A_105 : vector<16xf32>, vector<16xi1> -> vector<16xf32>
    %reduce_sum3A_107 = vector.extract %reduce_sum3A_106[15] : f32 from vector<16xf32>
    %broadcast_in_dim3A_108 = vector.broadcast %reduce_sum3A_107 : f32 to vector<16xf32>
    %select_n3A_109 = arith.select %eq3A_103, %broadcast_in_dim3A_108, %select_n3A_100 : vector<16xi1>, vector<16xf32>
    %eq3A_110 = arith.constant 4 : i32
    %eq3A_111 = vector.broadcast %eq3A_110 : i32 to vector<16xi32>
    %eq3A_112 = arith.cmpi eq, %iota3A, %eq3A_111 : vector<16xi32>
    %reduce_sum3A_113 = arith.constant true
    %reduce_sum3A_114 = vector.broadcast %reduce_sum3A_113 : i1 to vector<16xi1>
    %reduce_sum3A_115 = tpu.scan <sum>, %scan3A_71#4 masked %reduce_sum3A_114 : vector<16xf32>, vector<16xi1> -> vector<16xf32>
    %reduce_sum3A_116 = vector.extract %reduce_sum3A_115[15] : f32 from vector<16xf32>
    %broadcast_in_dim3A_117 = vector.broadcast %reduce_sum3A_116 : f32 to vector<16xf32>
    %select_n3A_118 = arith.select %eq3A_112, %broadcast_in_dim3A_117, %select_n3A_109 : vector<16xi1>, vector<16xf32>
    %eq3A_119 = arith.constant 5 : i32
    %eq3A_120 = vector.broadcast %eq3A_119 : i32 to vector<16xi32>
    %eq3A_121 = arith.cmpi eq, %iota3A, %eq3A_120 : vector<16xi32>
    %reduce_sum3A_122 = arith.constant true
    %reduce_sum3A_123 = vector.broadcast %reduce_sum3A_122 : i1 to vector<16xi1>
    %reduce_sum3A_124 = tpu.scan <sum>, %scan3A_71#5 masked %reduce_sum3A_123 : vector<16xf32>, vector<16xi1> -> vector<16xf32>
    %reduce_sum3A_125 = vector.extract %reduce_sum3A_124[15] : f32 from vector<16xf32>
    %broadcast_in_dim3A_126 = vector.broadcast %reduce_sum3A_125 : f32 to vector<16xf32>
    %select_n3A_127 = arith.select %eq3A_121, %broadcast_in_dim3A_126, %select_n3A_118 : vector<16xi1>, vector<16xf32>
    %eq3A_128 = arith.constant 6 : i32
    %eq3A_129 = vector.broadcast %eq3A_128 : i32 to vector<16xi32>
    %eq3A_130 = arith.cmpi eq, %iota3A, %eq3A_129 : vector<16xi32>
    %reduce_sum3A_131 = arith.constant true
    %reduce_sum3A_132 = vector.broadcast %reduce_sum3A_131 : i1 to vector<16xi1>
    %reduce_sum3A_133 = tpu.scan <sum>, %scan3A_71#6 masked %reduce_sum3A_132 : vector<16xf32>, vector<16xi1> -> vector<16xf32>
    %reduce_sum3A_134 = vector.extract %reduce_sum3A_133[15] : f32 from vector<16xf32>
    %broadcast_in_dim3A_135 = vector.broadcast %reduce_sum3A_134 : f32 to vector<16xf32>
    %select_n3A_136 = arith.select %eq3A_130, %broadcast_in_dim3A_135, %select_n3A_127 : vector<16xi1>, vector<16xf32>
    %eq3A_137 = arith.constant 7 : i32
    %eq3A_138 = vector.broadcast %eq3A_137 : i32 to vector<16xi32>
    %eq3A_139 = arith.cmpi eq, %iota3A, %eq3A_138 : vector<16xi32>
    %reduce_sum3A_140 = arith.constant true
    %reduce_sum3A_141 = vector.broadcast %reduce_sum3A_140 : i1 to vector<16xi1>
    %reduce_sum3A_142 = tpu.scan <sum>, %scan3A_71#7 masked %reduce_sum3A_141 : vector<16xf32>, vector<16xi1> -> vector<16xf32>
    %reduce_sum3A_143 = vector.extract %reduce_sum3A_142[15] : f32 from vector<16xf32>
    %broadcast_in_dim3A_144 = vector.broadcast %reduce_sum3A_143 : f32 to vector<16xf32>
    %select_n3A_145 = arith.select %eq3A_139, %broadcast_in_dim3A_144, %select_n3A_136 : vector<16xi1>, vector<16xf32>
    %eq3A_146 = arith.constant 8 : i32
    %eq3A_147 = vector.broadcast %eq3A_146 : i32 to vector<16xi32>
    %eq3A_148 = arith.cmpi eq, %iota3A, %eq3A_147 : vector<16xi32>
    %reduce_sum3A_149 = arith.constant true
    %reduce_sum3A_150 = vector.broadcast %reduce_sum3A_149 : i1 to vector<16xi1>
    %reduce_sum3A_151 = tpu.scan <sum>, %scan3A_71#8 masked %reduce_sum3A_150 : vector<16xf32>, vector<16xi1> -> vector<16xf32>
    %reduce_sum3A_152 = vector.extract %reduce_sum3A_151[15] : f32 from vector<16xf32>
    %broadcast_in_dim3A_153 = vector.broadcast %reduce_sum3A_152 : f32 to vector<16xf32>
    %select_n3A_154 = arith.select %eq3A_148, %broadcast_in_dim3A_153, %select_n3A_145 : vector<16xi1>, vector<16xf32>
    %swap3A = arith.constant 0 : index
    %swap3A_155 = tpu.vector_load %arg11[%swap3A] {strides = array<i32>} : memref<16xf32, #tpu.memory_space<vmem>>, vector<16xf32>,
    tpu.vector_store %arg11[%swap3A], %select_n3A_154 {strides = array<i32>} : memref<16xf32, #tpu.memory_space<vmem>>, vector<16xf32>,
    "tpu.region"() ({
      %run_scoped3A = tpu.sem_alloc : memref<!tpu.dma_semaphore, #tpu.memory_space<semaphore_mem>>
      %dma_start3A = arith.constant 0 : i32
      %dma_start3A_158 = tpu.memref_slice %arg6[%add3A, %dma_start3A] : memref<32x16xf32, #tpu.memory_space<hbm>> -> memref<1x16xf32, #tpu.memory_space<hbm>>
      %dma_start3A_159 = tpu.memref_squeeze %dma_start3A_158 : memref<1x16xf32, #tpu.memory_space<hbm>> -> memref<16xf32, #tpu.memory_space<hbm>>
      %dma_start3A_160 = arith.constant 0 : i32
      %dma_start3A_161 = tpu.memref_slice %arg6[%add3A, %dma_start3A_160] : memref<32x16xf32, #tpu.memory_space<hbm>> -> memref<1x16xf32, #tpu.memory_space<hbm>>
      %dma_start3A_162 = tpu.memref_squeeze %dma_start3A_161 : memref<1x16xf32, #tpu.memory_space<hbm>> -> memref<16xf32, #tpu.memory_space<hbm>>
      tpu.enqueue_dma source(%arg11 : memref<16xf32, #tpu.memory_space<vmem>>) target(%dma_start3A_162 : memref<16xf32, #tpu.memory_space<hbm>>) target_semaphore(%run_scoped3A : memref<!tpu.dma_semaphore, #tpu.memory_space<semaphore_mem>>)
      %dma_wait3A = arith.constant 0 : i32
      %dma_wait3A_163 = tpu.memref_slice %arg6[%add3A, %dma_wait3A] : memref<32x16xf32, #tpu.memory_space<hbm>> -> memref<1x16xf32, #tpu.memory_space<hbm>>
      %dma_wait3A_164 = tpu.memref_squeeze %dma_wait3A_163 : memref<1x16xf32, #tpu.memory_space<hbm>> -> memref<16xf32, #tpu.memory_space<hbm>>
      %dma_wait3A_165 = arith.constant 0 : i32
      %dma_wait3A_166 = tpu.memref_slice %arg6[%add3A, %dma_wait3A_165] : memref<32x16xf32, #tpu.memory_space<hbm>> -> memref<1x16xf32, #tpu.memory_space<hbm>>
      %dma_wait3A_167 = tpu.memref_squeeze %dma_wait3A_166 : memref<1x16xf32, #tpu.memory_space<hbm>> -> memref<16xf32, #tpu.memory_space<hbm>>
      tpu.wait_dma2 semaphore(%run_scoped3A : memref<!tpu.dma_semaphore, #tpu.memory_space<semaphore_mem>>) src(%arg11 : memref<16xf32, #tpu.memory_space<vmem>>) dst(%dma_wait3A_167 : memref<16xf32, #tpu.memory_space<hbm>>)
      tpu.yield
    }) : () -> ()
    %mul3A_156 = arith.constant 32768 : i32
    %mul3A_157 = arith.muli %add3A, %mul3A_156 : i32
    "tpu.region"() ({
      %run_scoped3A = tpu.sem_alloc : memref<!tpu.dma_semaphore, #tpu.memory_space<semaphore_mem>>
      %dma_start3A = tpu.memref_slice %arg5[%mul3A_157] : memref<1048576xf32, #tpu.memory_space<hbm>> -> memref<32768xf32, #tpu.memory_space<hbm>>
      %dma_start3A_158 = tpu.memref_slice %arg5[%mul3A_157] : memref<1048576xf32, #tpu.memory_space<hbm>> -> memref<32768xf32, #tpu.memory_space<hbm>>
      tpu.enqueue_dma source(%arg10 : memref<32768xf32, #tpu.memory_space<vmem>>) target(%dma_start3A_158 : memref<32768xf32, #tpu.memory_space<hbm>>) target_semaphore(%run_scoped3A : memref<!tpu.dma_semaphore, #tpu.memory_space<semaphore_mem>>)
      %dma_wait3A = tpu.memref_slice %arg5[%mul3A_157] : memref<1048576xf32, #tpu.memory_space<hbm>> -> memref<32768xf32, #tpu.memory_space<hbm>>
      %dma_wait3A_159 = tpu.memref_slice %arg5[%mul3A_157] : memref<1048576xf32, #tpu.memory_space<hbm>> -> memref<32768xf32, #tpu.memory_space<hbm>>
      tpu.wait_dma2 semaphore(%run_scoped3A : memref<!tpu.dma_semaphore, #tpu.memory_space<semaphore_mem>>) src(%arg10 : memref<32768xf32, #tpu.memory_space<vmem>>) dst(%dma_wait3A_159 : memref<32768xf32, #tpu.memory_space<hbm>>)
      tpu.yield
    }) : () -> ()
    return
  }
}

#map = affine_map<(d0, d1) -> (0)>
module attributes {stable_mosaic.version = 14 : i64} {
  func.func @_sc_select_body(%arg0: i32, %arg1: i32, %arg2: memref<2621440xf32, #tpu.memory_space<hbm>>, %arg3: memref<2621440xi32, #tpu.memory_space<hbm>>, %arg4: memref<131072xi32, #tpu.memory_space<hbm>>, %arg5: memref<40960xf32, #tpu.memory_space<vmem>>, %arg6: memref<40960xi32, #tpu.memory_space<vmem>>, %arg7: memref<4096xi32, #tpu.memory_space<vmem>>) attributes {dimension_semantics = [#tpu.dimension_semantics<core_parallel>, #tpu.dimension_semantics<subcore_parallel>], iteration_bounds = array<i64: 2, 16>, scalar_prefetch = 0 : i64, scratch_operands = 3 : i64, tpu.core_type = #tpu.core_type<sc_vector_subcore>, window_params = [{transform_indices = #map}, {transform_indices = #map}, {transform_indices = #map}]} {
    %mul3A = arith.constant 2 : i32
    %mul3A_0 = arith.muli %arg1, %mul3A : i32
    %add3A = arith.addi %mul3A_0, %arg0 : i32
    %mul3A_1 = arith.constant 128 : i32
    %mul3A_2 = arith.muli %add3A, %mul3A_1 : i32
    %scan3A = arith.constant 0 : i32
    %scan3A_3 = arith.constant 0 : i32
    %scan3A_4 = arith.constant 2 : i32
    %scan3A_5 = arith.addi %scan3A_3, %scan3A_4 : i32
    %scan3A_6 = arith.constant 1 : i32
    %scan3A_7 = scf.for %scan3A_11 = %scan3A_3 to %scan3A_5 step %scan3A_6 iter_args(%scan3A_12 = %scan3A) -> (i32)  : i32 {
      %mul3A_13 = arith.constant 64 : i32
      %mul3A_14 = arith.muli %scan3A_11, %mul3A_13 : i32
      %add3A_15 = arith.addi %mul3A_2, %mul3A_14 : i32
      %mul3A_16 = arith.constant 640 : i32
      %mul3A_17 = arith.muli %add3A_15, %mul3A_16 : i32
      "tpu.region"() ({
        %run_scoped3A = tpu.sem_alloc : memref<!tpu.dma_semaphore, #tpu.memory_space<semaphore_mem>>
        %dma_start3A = tpu.memref_slice %arg2[%mul3A_17] : memref<2621440xf32, #tpu.memory_space<hbm>> -> memref<40960xf32, #tpu.memory_space<hbm>>
        %dma_start3A_31 = tpu.memref_slice %arg2[%mul3A_17] : memref<2621440xf32, #tpu.memory_space<hbm>> -> memref<40960xf32, #tpu.memory_space<hbm>>
        tpu.enqueue_dma source(%dma_start3A_31 : memref<40960xf32, #tpu.memory_space<hbm>>) target(%arg5 : memref<40960xf32, #tpu.memory_space<vmem>>) target_semaphore(%run_scoped3A : memref<!tpu.dma_semaphore, #tpu.memory_space<semaphore_mem>>)
        %dma_wait3A = tpu.memref_slice %arg2[%mul3A_17] : memref<2621440xf32, #tpu.memory_space<hbm>> -> memref<40960xf32, #tpu.memory_space<hbm>>
        %dma_wait3A_32 = tpu.memref_slice %arg2[%mul3A_17] : memref<2621440xf32, #tpu.memory_space<hbm>> -> memref<40960xf32, #tpu.memory_space<hbm>>
        tpu.wait_dma2 semaphore(%run_scoped3A : memref<!tpu.dma_semaphore, #tpu.memory_space<semaphore_mem>>) src(%dma_wait3A_32 : memref<40960xf32, #tpu.memory_space<hbm>>) dst(%arg5 : memref<40960xf32, #tpu.memory_space<vmem>>)
        tpu.yield
      }) : () -> ()
      %mul3A_18 = arith.constant 64 : i32
      %mul3A_19 = arith.muli %scan3A_11, %mul3A_18 : i32
      %add3A_20 = arith.addi %mul3A_2, %mul3A_19 : i32
      %mul3A_21 = arith.constant 640 : i32
      %mul3A_22 = arith.muli %add3A_20, %mul3A_21 : i32
      "tpu.region"() ({
        %run_scoped3A = tpu.sem_alloc : memref<!tpu.dma_semaphore, #tpu.memory_space<semaphore_mem>>
        %dma_start3A = tpu.memref_slice %arg3[%mul3A_22] : memref<2621440xi32, #tpu.memory_space<hbm>> -> memref<40960xi32, #tpu.memory_space<hbm>>
        %dma_start3A_31 = tpu.memref_slice %arg3[%mul3A_22] : memref<2621440xi32, #tpu.memory_space<hbm>> -> memref<40960xi32, #tpu.memory_space<hbm>>
        tpu.enqueue_dma source(%dma_start3A_31 : memref<40960xi32, #tpu.memory_space<hbm>>) target(%arg6 : memref<40960xi32, #tpu.memory_space<vmem>>) target_semaphore(%run_scoped3A : memref<!tpu.dma_semaphore, #tpu.memory_space<semaphore_mem>>)
        %dma_wait3A = tpu.memref_slice %arg3[%mul3A_22] : memref<2621440xi32, #tpu.memory_space<hbm>> -> memref<40960xi32, #tpu.memory_space<hbm>>
        %dma_wait3A_32 = tpu.memref_slice %arg3[%mul3A_22] : memref<2621440xi32, #tpu.memory_space<hbm>> -> memref<40960xi32, #tpu.memory_space<hbm>>
        tpu.wait_dma2 semaphore(%run_scoped3A : memref<!tpu.dma_semaphore, #tpu.memory_space<semaphore_mem>>) src(%dma_wait3A_32 : memref<40960xi32, #tpu.memory_space<hbm>>) dst(%arg6 : memref<40960xi32, #tpu.memory_space<vmem>>)
        tpu.yield
      }) : () -> ()
      %scan3A_23 = arith.constant 0 : i32
      %scan3A_24 = arith.constant 0 : i32
      %scan3A_25 = arith.constant 64 : i32
      %scan3A_26 = arith.addi %scan3A_24, %scan3A_25 : i32
      %scan3A_27 = arith.constant 1 : i32
      %scan3A_28 = scf.for %scan3A_31 = %scan3A_24 to %scan3A_26 step %scan3A_27 iter_args(%scan3A_32 = %scan3A_23) -> (i32)  : i32 {
        %mul3A_33 = arith.constant 640 : i32
        %mul3A_34 = arith.muli %scan3A_31, %mul3A_33 : i32
        %get3A = arith.index_cast %mul3A_34 : i32 to index
        %get3A_35 = tpu.vector_load %arg5[%get3A] {strides = array<i32>} : memref<40960xf32, #tpu.memory_space<vmem>>, vector<16xf32>,
        %get3A_36 = arith.index_cast %mul3A_34 : i32 to index
        %get3A_37 = tpu.vector_load %arg6[%get3A_36] {strides = array<i32>} : memref<40960xi32, #tpu.memory_space<vmem>>, vector<16xi32>,
        %masked_sort3A = arith.constant dense<true> : vector<16xi1>
        %masked_sort3A_38, %masked_sort3A_39, %masked_sort3A_40 = tpu.sort %get3A_35, %get3A_37 masked %masked_sort3A : (vector<16xf32>, vector<16xi32>, vector<16xi1>) -> (vector<16xi1>, vector<16xf32>, vector<16xi32>)
        %add3A_41 = arith.constant 16 : i32
        %add3A_42 = arith.addi %mul3A_34, %add3A_41 : i32
        %get3A_43 = arith.index_cast %add3A_42 : i32 to index
        %get3A_44 = tpu.vector_load %arg5[%get3A_43] {strides = array<i32>} : memref<40960xf32, #tpu.memory_space<vmem>>, vector<16xf32>,
        %add3A_45 = arith.constant 16 : i32
        %add3A_46 = arith.addi %mul3A_34, %add3A_45 : i32
        %get3A_47 = arith.index_cast %add3A_46 : i32 to index
        %get3A_48 = tpu.vector_load %arg6[%get3A_47] {strides = array<i32>} : memref<40960xi32, #tpu.memory_space<vmem>>, vector<16xi32>,
        %masked_sort3A_49 = arith.constant dense<true> : vector<16xi1>
        %masked_sort3A_50, %masked_sort3A_51, %masked_sort3A_52 = tpu.sort %get3A_44, %get3A_48 masked %masked_sort3A_49 : (vector<16xf32>, vector<16xi32>, vector<16xi1>) -> (vector<16xi1>, vector<16xf32>, vector<16xi32>)
        %rev3A = arith.constant 15 : i32
        %rev3A_53 = vector.broadcast %rev3A : i32 to vector<16xi32>
        %rev3A_54 = tpu.iota {dimensions = array<i32: 0>} : vector<16xi32>
        %rev3A_55 = arith.subi %rev3A_53, %rev3A_54 : vector<16xi32>
        %rev3A_56 = tpu.dynamic_gather %masked_sort3A_51[%rev3A_55] in [0] : vector<16xf32>, vector<16xi32> -> vector<16xf32>
        %rev3A_57 = arith.constant 15 : i32
        %rev3A_58 = vector.broadcast %rev3A_57 : i32 to vector<16xi32>
        %rev3A_59 = tpu.iota {dimensions = array<i32: 0>} : vector<16xi32>
        %rev3A_60 = arith.subi %rev3A_58, %rev3A_59 : vector<16xi32>
        %rev3A_61 = tpu.dynamic_gather %masked_sort3A_52[%rev3A_60] in [0] : vector<16xi32>, vector<16xi32> -> vector<16xi32>
        %le3A = arith.cmpf ole, %masked_sort3A_39, %rev3A_56 : vector<16xf32>
        %select_n3A = arith.select %le3A, %masked_sort3A_39, %rev3A_56 : vector<16xi1>, vector<16xf32>
        %select_n3A_62 = arith.select %le3A, %masked_sort3A_40, %rev3A_61 : vector<16xi1>, vector<16xi32>
        %select_n3A_63 = arith.select %le3A, %rev3A_56, %masked_sort3A_39 : vector<16xi1>, vector<16xf32>
        %select_n3A_64 = arith.select %le3A, %rev3A_61, %masked_sort3A_40 : vector<16xi1>, vector<16xi32>
        %masked_sort3A_65 = arith.constant dense<true> : vector<16xi1>
        %masked_sort3A_66, %masked_sort3A_67, %masked_sort3A_68 = tpu.sort %select_n3A, %select_n3A_62 masked %masked_sort3A_65 : (vector<16xf32>, vector<16xi32>, vector<16xi1>) -> (vector<16xi1>, vector<16xf32>, vector<16xi32>)
        %masked_sort3A_69 = arith.constant dense<true> : vector<16xi1>
        %masked_sort3A_70, %masked_sort3A_71, %masked_sort3A_72 = tpu.sort %select_n3A_63, %select_n3A_64 masked %masked_sort3A_69 : (vector<16xf32>, vector<16xi32>, vector<16xi1>) -> (vector<16xi1>, vector<16xf32>, vector<16xi32>)
        %reduce_max3A = arith.constant true
        %reduce_max3A_73 = vector.broadcast %reduce_max3A : i1 to vector<16xi1>
        %reduce_max3A_74 = tpu.scan <max>, %masked_sort3A_71 masked %reduce_max3A_73 : vector<16xf32>, vector<16xi1> -> vector<16xf32>
        %reduce_max3A_75 = vector.extract %reduce_max3A_74[15] : f32 from vector<16xf32>
        %scan3A_76 = arith.constant 1 : i32
        %scan3A_77 = arith.constant 19 : i32
        %scan3A_78 = arith.addi %scan3A_76, %scan3A_77 : i32
        %scan3A_79 = arith.constant 1 : i32
        %scan3A_80:5 = scf.for %scan3A_93 = %scan3A_76 to %scan3A_78 step %scan3A_79 iter_args(%scan3A_94 = %masked_sort3A_67, %scan3A_95 = %masked_sort3A_68, %scan3A_96 = %masked_sort3A_71, %scan3A_97 = %masked_sort3A_72, %scan3A_98 = %reduce_max3A_75) -> (vector<16xf32>, vector<16xi32>, vector<16xf32>, vector<16xi32>, f32)  : i32 {
          %mul3A_99 = arith.constant 32 : i32
          %mul3A_100 = arith.muli %scan3A_93, %mul3A_99 : i32
          %add3A_101 = arith.addi %mul3A_34, %mul3A_100 : i32
          %get3A_102 = arith.index_cast %add3A_101 : i32 to index
          %get3A_103 = tpu.vector_load %arg5[%get3A_102] {strides = array<i32>} : memref<40960xf32, #tpu.memory_space<vmem>>, vector<16xf32>,
          %mul3A_104 = arith.constant 32 : i32
          %mul3A_105 = arith.muli %scan3A_93, %mul3A_104 : i32
          %add3A_106 = arith.addi %mul3A_34, %mul3A_105 : i32
          %add3A_107 = arith.constant 16 : i32
          %add3A_108 = arith.addi %add3A_106, %add3A_107 : i32
          %get3A_109 = arith.index_cast %add3A_108 : i32 to index
          %get3A_110 = tpu.vector_load %arg5[%get3A_109] {strides = array<i32>} : memref<40960xf32, #tpu.memory_space<vmem>>, vector<16xf32>,
          %min3A = arith.minimumf %get3A_103, %get3A_110 : vector<16xf32>
          %lt3A = vector.broadcast %scan3A_98 : f32 to vector<16xf32>
          %lt3A_111 = arith.cmpf olt, %min3A, %lt3A : vector<16xf32>
          %convert_element_type3A = arith.extui %lt3A_111 : vector<16xi1> to vector<16xi32>
          %reduce_sum3A = arith.constant true
          %reduce_sum3A_112 = vector.broadcast %reduce_sum3A : i1 to vector<16xi1>
          %reduce_sum3A_113 = tpu.scan <sum>, %convert_element_type3A masked %reduce_sum3A_112 : vector<16xi32>, vector<16xi1> -> vector<16xi32>
          %reduce_sum3A_114 = vector.extract %reduce_sum3A_113[15] : i32 from vector<16xi32>
          %gt3A = arith.constant 0 : i32
          %gt3A_115 = arith.cmpi sgt, %reduce_sum3A_114, %gt3A : i32
          %convert_element_type3A_116 = arith.extui %gt3A_115 : i1 to i32
          %cond3A = arith.constant 0 : i32
          %cond3A_117 = arith.constant 0 : i32
          %cond3A_118 = arith.cmpi ne, %convert_element_type3A_116, %cond3A_117 : i32
          %cond3A_119:5 = scf.if %cond3A_118 -> (vector<16xf32>, vector<16xi32>, vector<16xf32>, vector<16xi32>, f32) {
            %mul3A_120 = arith.constant 32 : i32
            %mul3A_121 = arith.muli %scan3A_93, %mul3A_120 : i32
            %add3A_122 = arith.addi %mul3A_34, %mul3A_121 : i32
            %add3A_123 = arith.constant 0 : i32
            %add3A_124 = arith.addi %add3A_122, %add3A_123 : i32
            %get3A_125 = arith.index_cast %add3A_124 : i32 to index
            %get3A_126 = tpu.vector_load %arg5[%get3A_125] {strides = array<i32>} : memref<40960xf32, #tpu.memory_space<vmem>>, vector<16xf32>,
            %mul3A_127 = arith.constant 32 : i32
            %mul3A_128 = arith.muli %scan3A_93, %mul3A_127 : i32
            %add3A_129 = arith.addi %mul3A_34, %mul3A_128 : i32
            %add3A_130 = arith.constant 0 : i32
            %add3A_131 = arith.addi %add3A_129, %add3A_130 : i32
            %get3A_132 = arith.index_cast %add3A_131 : i32 to index
            %get3A_133 = tpu.vector_load %arg6[%get3A_132] {strides = array<i32>} : memref<40960xi32, #tpu.memory_space<vmem>>, vector<16xi32>,
            %masked_sort3A_134 = arith.constant dense<true> : vector<16xi1>
            %masked_sort3A_135, %masked_sort3A_136, %masked_sort3A_137 = tpu.sort %get3A_126, %get3A_133 masked %masked_sort3A_134 : (vector<16xf32>, vector<16xi32>, vector<16xi1>) -> (vector<16xi1>, vector<16xf32>, vector<16xi32>)
            %rev3A_138 = arith.constant 15 : i32
            %rev3A_139 = vector.broadcast %rev3A_138 : i32 to vector<16xi32>
            %rev3A_140 = tpu.iota {dimensions = array<i32: 0>} : vector<16xi32>
            %rev3A_141 = arith.subi %rev3A_139, %rev3A_140 : vector<16xi32>
            %rev3A_142 = tpu.dynamic_gather %masked_sort3A_136[%rev3A_141] in [0] : vector<16xf32>, vector<16xi32> -> vector<16xf32>
            %rev3A_143 = arith.constant 15 : i32
            %rev3A_144 = vector.broadcast %rev3A_143 : i32 to vector<16xi32>
            %rev3A_145 = tpu.iota {dimensions = array<i32: 0>} : vector<16xi32>
            %rev3A_146 = arith.subi %rev3A_144, %rev3A_145 : vector<16xi32>
            %rev3A_147 = tpu.dynamic_gather %masked_sort3A_137[%rev3A_146] in [0] : vector<16xi32>, vector<16xi32> -> vector<16xi32>
            %le3A_148 = arith.cmpf ole, %scan3A_96, %rev3A_142 : vector<16xf32>
            %select_n3A_149 = arith.select %le3A_148, %scan3A_96, %rev3A_142 : vector<16xi1>, vector<16xf32>
            %select_n3A_150 = arith.select %le3A_148, %scan3A_97, %rev3A_147 : vector<16xi1>, vector<16xi32>
            %select_n3A_151 = arith.select %le3A_148, %rev3A_142, %scan3A_96 : vector<16xi1>, vector<16xf32>
            %select_n3A_152 = arith.select %le3A_148, %rev3A_147, %scan3A_97 : vector<16xi1>, vector<16xi32>
            %masked_sort3A_153 = arith.constant dense<true> : vector<16xi1>
            %masked_sort3A_154, %masked_sort3A_155, %masked_sort3A_156 = tpu.sort %select_n3A_149, %select_n3A_150 masked %masked_sort3A_153 : (vector<16xf32>, vector<16xi32>, vector<16xi1>) -> (vector<16xi1>, vector<16xf32>, vector<16xi32>)
            %masked_sort3A_157 = arith.constant dense<true> : vector<16xi1>
            %masked_sort3A_158, %masked_sort3A_159, %masked_sort3A_160 = tpu.sort %select_n3A_151, %select_n3A_152 masked %masked_sort3A_157 : (vector<16xf32>, vector<16xi32>, vector<16xi1>) -> (vector<16xi1>, vector<16xf32>, vector<16xi32>)
            %rev3A_161 = arith.constant 15 : i32
            %rev3A_162 = vector.broadcast %rev3A_161 : i32 to vector<16xi32>
            %rev3A_163 = tpu.iota {dimensions = array<i32: 0>} : vector<16xi32>
            %rev3A_164 = arith.subi %rev3A_162, %rev3A_163 : vector<16xi32>
            %rev3A_165 = tpu.dynamic_gather %masked_sort3A_155[%rev3A_164] in [0] : vector<16xf32>, vector<16xi32> -> vector<16xf32>
            %rev3A_166 = arith.constant 15 : i32
            %rev3A_167 = vector.broadcast %rev3A_166 : i32 to vector<16xi32>
            %rev3A_168 = tpu.iota {dimensions = array<i32: 0>} : vector<16xi32>
            %rev3A_169 = arith.subi %rev3A_167, %rev3A_168 : vector<16xi32>
            %rev3A_170 = tpu.dynamic_gather %masked_sort3A_156[%rev3A_169] in [0] : vector<16xi32>, vector<16xi32> -> vector<16xi32>
            %le3A_171 = arith.cmpf ole, %scan3A_94, %rev3A_165 : vector<16xf32>
            %select_n3A_172 = arith.select %le3A_171, %scan3A_94, %rev3A_165 : vector<16xi1>, vector<16xf32>
            %select_n3A_173 = arith.select %le3A_171, %scan3A_95, %rev3A_170 : vector<16xi1>, vector<16xi32>
            %select_n3A_174 = arith.select %le3A_171, %rev3A_165, %scan3A_94 : vector<16xi1>, vector<16xf32>
            %select_n3A_175 = arith.select %le3A_171, %rev3A_170, %scan3A_95 : vector<16xi1>, vector<16xi32>
            %masked_sort3A_176 = arith.constant dense<true> : vector<16xi1>
            %masked_sort3A_177, %masked_sort3A_178, %masked_sort3A_179 = tpu.sort %select_n3A_172, %select_n3A_173 masked %masked_sort3A_176 : (vector<16xf32>, vector<16xi32>, vector<16xi1>) -> (vector<16xi1>, vector<16xf32>, vector<16xi32>)
            %masked_sort3A_180 = arith.constant dense<true> : vector<16xi1>
            %masked_sort3A_181, %masked_sort3A_182, %masked_sort3A_183 = tpu.sort %select_n3A_174, %select_n3A_175 masked %masked_sort3A_180 : (vector<16xf32>, vector<16xi32>, vector<16xi1>) -> (vector<16xi1>, vector<16xf32>, vector<16xi32>)
            %mul3A_184 = arith.constant 32 : i32
            %mul3A_185 = arith.muli %scan3A_93, %mul3A_184 : i32
            %add3A_186 = arith.addi %mul3A_34, %mul3A_185 : i32
            %add3A_187 = arith.constant 16 : i32
            %add3A_188 = arith.addi %add3A_186, %add3A_187 : i32
            %get3A_189 = arith.index_cast %add3A_188 : i32 to index
            %get3A_190 = tpu.vector_load %arg5[%get3A_189] {strides = array<i32>} : memref<40960xf32, #tpu.memory_space<vmem>>, vector<16xf32>,
            %mul3A_191 = arith.constant 32 : i32
            %mul3A_192 = arith.muli %scan3A_93, %mul3A_191 : i32
            %add3A_193 = arith.addi %mul3A_34, %mul3A_192 : i32
            %add3A_194 = arith.constant 16 : i32
            %add3A_195 = arith.addi %add3A_193, %add3A_194 : i32
            %get3A_196 = arith.index_cast %add3A_195 : i32 to index
            %get3A_197 = tpu.vector_load %arg6[%get3A_196] {strides = array<i32>} : memref<40960xi32, #tpu.memory_space<vmem>>, vector<16xi32>,
            %masked_sort3A_198 = arith.constant dense<true> : vector<16xi1>
            %masked_sort3A_199, %masked_sort3A_200, %masked_sort3A_201 = tpu.sort %get3A_190, %get3A_197 masked %masked_sort3A_198 : (vector<16xf32>, vector<16xi32>, vector<16xi1>) -> (vector<16xi1>, vector<16xf32>, vector<16xi32>)
            %rev3A_202 = arith.constant 15 : i32
            %rev3A_203 = vector.broadcast %rev3A_202 : i32 to vector<16xi32>
            %rev3A_204 = tpu.iota {dimensions = array<i32: 0>} : vector<16xi32>
            %rev3A_205 = arith.subi %rev3A_203, %rev3A_204 : vector<16xi32>
            %rev3A_206 = tpu.dynamic_gather %masked_sort3A_200[%rev3A_205] in [0] : vector<16xf32>, vector<16xi32> -> vector<16xf32>
            %rev3A_207 = arith.constant 15 : i32
            %rev3A_208 = vector.broadcast %rev3A_207 : i32 to vector<16xi32>
            %rev3A_209 = tpu.iota {dimensions = array<i32: 0>} : vector<16xi32>
            %rev3A_210 = arith.subi %rev3A_208, %rev3A_209 : vector<16xi32>
            %rev3A_211 = tpu.dynamic_gather %masked_sort3A_201[%rev3A_210] in [0] : vector<16xi32>, vector<16xi32> -> vector<16xi32>
            %le3A_212 = arith.cmpf ole, %masked_sort3A_182, %rev3A_206 : vector<16xf32>
            %select_n3A_213 = arith.select %le3A_212, %masked_sort3A_182, %rev3A_206 : vector<16xi1>, vector<16xf32>
            %select_n3A_214 = arith.select %le3A_212, %masked_sort3A_183, %rev3A_211 : vector<16xi1>, vector<16xi32>
            %select_n3A_215 = arith.select %le3A_212, %rev3A_206, %masked_sort3A_182 : vector<16xi1>, vector<16xf32>
            %select_n3A_216 = arith.select %le3A_212, %rev3A_211, %masked_sort3A_183 : vector<16xi1>, vector<16xi32>
            %masked_sort3A_217 = arith.constant dense<true> : vector<16xi1>
            %masked_sort3A_218, %masked_sort3A_219, %masked_sort3A_220 = tpu.sort %select_n3A_213, %select_n3A_214 masked %masked_sort3A_217 : (vector<16xf32>, vector<16xi32>, vector<16xi1>) -> (vector<16xi1>, vector<16xf32>, vector<16xi32>)
            %masked_sort3A_221 = arith.constant dense<true> : vector<16xi1>
            %masked_sort3A_222, %masked_sort3A_223, %masked_sort3A_224 = tpu.sort %select_n3A_215, %select_n3A_216 masked %masked_sort3A_221 : (vector<16xf32>, vector<16xi32>, vector<16xi1>) -> (vector<16xi1>, vector<16xf32>, vector<16xi32>)
            %rev3A_225 = arith.constant 15 : i32
            %rev3A_226 = vector.broadcast %rev3A_225 : i32 to vector<16xi32>
            %rev3A_227 = tpu.iota {dimensions = array<i32: 0>} : vector<16xi32>
            %rev3A_228 = arith.subi %rev3A_226, %rev3A_227 : vector<16xi32>
            %rev3A_229 = tpu.dynamic_gather %masked_sort3A_219[%rev3A_228] in [0] : vector<16xf32>, vector<16xi32> -> vector<16xf32>
            %rev3A_230 = arith.constant 15 : i32
            %rev3A_231 = vector.broadcast %rev3A_230 : i32 to vector<16xi32>
            %rev3A_232 = tpu.iota {dimensions = array<i32: 0>} : vector<16xi32>
            %rev3A_233 = arith.subi %rev3A_231, %rev3A_232 : vector<16xi32>
            %rev3A_234 = tpu.dynamic_gather %masked_sort3A_220[%rev3A_233] in [0] : vector<16xi32>, vector<16xi32> -> vector<16xi32>
            %le3A_235 = arith.cmpf ole, %masked_sort3A_178, %rev3A_229 : vector<16xf32>
            %select_n3A_236 = arith.select %le3A_235, %masked_sort3A_178, %rev3A_229 : vector<16xi1>, vector<16xf32>
            %select_n3A_237 = arith.select %le3A_235, %masked_sort3A_179, %rev3A_234 : vector<16xi1>, vector<16xi32>
            %select_n3A_238 = arith.select %le3A_235, %rev3A_229, %masked_sort3A_178 : vector<16xi1>, vector<16xf32>
            %select_n3A_239 = arith.select %le3A_235, %rev3A_234, %masked_sort3A_179 : vector<16xi1>, vector<16xi32>
            %masked_sort3A_240 = arith.constant dense<true> : vector<16xi1>
            %masked_sort3A_241, %masked_sort3A_242, %masked_sort3A_243 = tpu.sort %select_n3A_236, %select_n3A_237 masked %masked_sort3A_240 : (vector<16xf32>, vector<16xi32>, vector<16xi1>) -> (vector<16xi1>, vector<16xf32>, vector<16xi32>)
            %masked_sort3A_244 = arith.constant dense<true> : vector<16xi1>
            %masked_sort3A_245, %masked_sort3A_246, %masked_sort3A_247 = tpu.sort %select_n3A_238, %select_n3A_239 masked %masked_sort3A_244 : (vector<16xf32>, vector<16xi32>, vector<16xi1>) -> (vector<16xi1>, vector<16xf32>, vector<16xi32>)
            %reduce_max3A_248 = arith.constant true
            %reduce_max3A_249 = vector.broadcast %reduce_max3A_248 : i1 to vector<16xi1>
            %reduce_max3A_250 = tpu.scan <max>, %masked_sort3A_246 masked %reduce_max3A_249 : vector<16xf32>, vector<16xi1> -> vector<16xf32>
            %reduce_max3A_251 = vector.extract %reduce_max3A_250[15] : f32 from vector<16xf32>
            scf.yield %masked_sort3A_242, %masked_sort3A_243, %masked_sort3A_246, %masked_sort3A_247, %reduce_max3A_251 : vector<16xf32>, vector<16xi32>, vector<16xf32>, vector<16xi32>, f32
          } else {
            scf.yield %scan3A_94, %scan3A_95, %scan3A_96, %scan3A_97, %scan3A_98 : vector<16xf32>, vector<16xi32>, vector<16xf32>, vector<16xi32>, f32
          }
          scf.yield %cond3A_119#0, %cond3A_119#1, %cond3A_119#2, %cond3A_119#3, %cond3A_119#4 : vector<16xf32>, vector<16xi32>, vector<16xf32>, vector<16xi32>, f32
        }
        %scan3A_81 = arith.constant 19 : i32
        %mul3A_82 = arith.constant 64 : i32
        %mul3A_83 = arith.muli %scan3A_11, %mul3A_82 : i32
        %add3A_84 = arith.addi %mul3A_83, %scan3A_31 : i32
        %mul3A_85 = arith.constant 32 : i32
        %mul3A_86 = arith.muli %add3A_84, %mul3A_85 : i32
        %swap3A = arith.index_cast %mul3A_86 : i32 to index
        %swap3A_87 = tpu.vector_load %arg7[%swap3A] {strides = array<i32>} : memref<4096xi32, #tpu.memory_space<vmem>>, vector<16xi32>,
        tpu.vector_store %arg7[%swap3A], %scan3A_80#1 {strides = array<i32>} : memref<4096xi32, #tpu.memory_space<vmem>>, vector<16xi32>,
        %add3A_88 = arith.constant 16 : i32
        %add3A_89 = arith.addi %mul3A_86, %add3A_88 : i32
        %swap3A_90 = arith.index_cast %add3A_89 : i32 to index
        %swap3A_91 = tpu.vector_load %arg7[%swap3A_90] {strides = array<i32>} : memref<4096xi32, #tpu.memory_space<vmem>>, vector<16xi32>,
        tpu.vector_store %arg7[%swap3A_90], %scan3A_80#3 {strides = array<i32>} : memref<4096xi32, #tpu.memory_space<vmem>>, vector<16xi32>,
        %scan3A_92 = arith.constant 0 : i32
        scf.yield %scan3A_92 : i32
      }
      %scan3A_29 = arith.constant 64 : i32
      %scan3A_30 = arith.constant 0 : i32
      scf.yield %scan3A_30 : i32
    }
    %scan3A_8 = arith.constant 2 : i32
    %mul3A_9 = arith.constant 32 : i32
    %mul3A_10 = arith.muli %mul3A_2, %mul3A_9 : i32
    "tpu.region"() ({
      %run_scoped3A = tpu.sem_alloc : memref<!tpu.dma_semaphore, #tpu.memory_space<semaphore_mem>>
      %dma_start3A = tpu.memref_slice %arg4[%mul3A_10] : memref<131072xi32, #tpu.memory_space<hbm>> -> memref<4096xi32, #tpu.memory_space<hbm>>
      %dma_start3A_11 = tpu.memref_slice %arg4[%mul3A_10] : memref<131072xi32, #tpu.memory_space<hbm>> -> memref<4096xi32, #tpu.memory_space<hbm>>
      tpu.enqueue_dma source(%arg7 : memref<4096xi32, #tpu.memory_space<vmem>>) target(%dma_start3A_11 : memref<4096xi32, #tpu.memory_space<hbm>>) target_semaphore(%run_scoped3A : memref<!tpu.dma_semaphore, #tpu.memory_space<semaphore_mem>>)
      %dma_wait3A = tpu.memref_slice %arg4[%mul3A_10] : memref<131072xi32, #tpu.memory_space<hbm>> -> memref<4096xi32, #tpu.memory_space<hbm>>
      %dma_wait3A_12 = tpu.memref_slice %arg4[%mul3A_10] : memref<131072xi32, #tpu.memory_space<hbm>> -> memref<4096xi32, #tpu.memory_space<hbm>>
      tpu.wait_dma2 semaphore(%run_scoped3A : memref<!tpu.dma_semaphore, #tpu.memory_space<semaphore_mem>>) src(%arg7 : memref<4096xi32, #tpu.memory_space<vmem>>) dst(%dma_wait3A_12 : memref<4096xi32, #tpu.memory_space<hbm>>)
      tpu.yield
    }) : () -> ()
    return
  }
}

module attributes {stable_mosaic.version = 14 : i64} {
  func.func @_fps_body(%arg0: memref<8x3x8192xf32, #tpu.memory_space<vmem>>, %arg1: memref<8x512xi32, #tpu.memory_space<vmem>>, %arg2: memref<8x512xf32, #tpu.memory_space<vmem>>, %arg3: memref<8x512xf32, #tpu.memory_space<vmem>>, %arg4: memref<8x512xf32, #tpu.memory_space<vmem>>) attributes {dimension_semantics = [], scalar_prefetch = 0 : i64, scratch_operands = 0 : i64, tpu.core_type = #tpu.core_type<tc>} {
    %get3A = arith.constant 0 : index
    %get3A_0 = arith.constant 0 : index
    %get3A_1 = arith.constant 0 : index
    %get3A_2 = vector.load %arg0[%get3A, %get3A_0, %get3A_1] : memref<8x3x8192xf32, #tpu.memory_space<vmem>>, vector<8x1x8192xf32>
    %get3A_3 = vector.shape_cast %get3A_2 : vector<8x1x8192xf32> to vector<8x8192xf32>
    %get3A_4 = arith.constant 0 : index
    %get3A_5 = arith.constant 1 : index
    %get3A_6 = arith.constant 0 : index
    %get3A_7 = vector.load %arg0[%get3A_4, %get3A_5, %get3A_6] : memref<8x3x8192xf32, #tpu.memory_space<vmem>>, vector<8x1x8192xf32>
    %get3A_8 = vector.shape_cast %get3A_7 : vector<8x1x8192xf32> to vector<8x8192xf32>
    %get3A_9 = arith.constant 0 : index
    %get3A_10 = arith.constant 2 : index
    %get3A_11 = arith.constant 0 : index
    %get3A_12 = vector.load %arg0[%get3A_9, %get3A_10, %get3A_11] : memref<8x3x8192xf32, #tpu.memory_space<vmem>>, vector<8x1x8192xf32>
    %get3A_13 = vector.shape_cast %get3A_12 : vector<8x1x8192xf32> to vector<8x8192xf32>
    %iota3A = tpu.iota {dimensions = array<i32: 1>} : vector<8x8192xi32>
    %iota3A_14 = tpu.iota {dimensions = array<i32: 1>} : vector<8x512xi32>
    %iota3A_15 = tpu.iota {dimensions = array<i32: 0>} : vector<8x512xi32>
    %mul3A = arith.constant 512 : i32
    %mul3A_16 = vector.broadcast %mul3A : i32 to vector<8x512xi32>
    %mul3A_17 = arith.muli %iota3A_15, %mul3A_16 : vector<8x512xi32>
    %add3A = arith.addi %iota3A_14, %mul3A_17 : vector<8x512xi32>
    %convert_element_type3A = arith.sitofp %add3A : vector<8x512xi32> to vector<8x512xf32>
    %broadcast_in_dim3A = arith.constant 1.000000e+10 : f32
    %broadcast_in_dim3A_18 = vector.broadcast %broadcast_in_dim3A : f32 to vector<8x8192xf32>
    %broadcast_in_dim3A_19 = arith.constant 0 : i32
    %broadcast_in_dim3A_20 = vector.broadcast %broadcast_in_dim3A_19 : i32 to vector<8x1xi32>
    %scan3A = arith.constant 0 : i32
    %scan3A_21 = arith.constant 512 : i32
    %scan3A_22 = arith.addi %scan3A, %scan3A_21 : i32
    %scan3A_23 = arith.constant 1 : i32
    %scan3A_24:6 = scf.for %scan3A_37 = %scan3A to %scan3A_22 step %scan3A_23 iter_args(%scan3A_38 = %broadcast_in_dim3A_18, %scan3A_39 = %broadcast_in_dim3A_20, %scan3A_40 = %add3A, %scan3A_41 = %convert_element_type3A, %scan3A_42 = %convert_element_type3A, %scan3A_43 = %convert_element_type3A) -> (vector<8x8192xf32>, vector<8x1xi32>, vector<8x512xi32>, vector<8x512xf32>, vector<8x512xf32>, vector<8x512xf32>)  : i32 {
      %eq3A = vector.broadcast %scan3A_39 : vector<8x1xi32> to vector<8x8192xi32>
      %eq3A_44 = arith.cmpi eq, %iota3A, %eq3A : vector<8x8192xi32>
      %jit3A = arith.constant 0.000000e+00 : f32
      %broadcast_in_dim3A_45 = vector.broadcast %jit3A : f32 to vector<8x8192xf32>
      %select_n3A = arith.select %eq3A_44, %get3A_3, %broadcast_in_dim3A_45 : vector<8x8192xi1>, vector<8x8192xf32>
      %reduce_sum3A = arith.constant dense<0.000000e+00> : vector<8xf32>
      %reduce_sum3A_46 = vector.multi_reduction <add>, %select_n3A, %reduce_sum3A [1] : vector<8x8192xf32> to vector<8xf32>
      %broadcast_in_dim3A_47 = vector.shape_cast %reduce_sum3A_46 : vector<8xf32> to vector<8x1xf32>
      %jit3A_48 = arith.constant 0.000000e+00 : f32
      %broadcast_in_dim3A_49 = vector.broadcast %jit3A_48 : f32 to vector<8x8192xf32>
      %select_n3A_50 = arith.select %eq3A_44, %get3A_8, %broadcast_in_dim3A_49 : vector<8x8192xi1>, vector<8x8192xf32>
      %reduce_sum3A_51 = arith.constant dense<0.000000e+00> : vector<8xf32>
      %reduce_sum3A_52 = vector.multi_reduction <add>, %select_n3A_50, %reduce_sum3A_51 [1] : vector<8x8192xf32> to vector<8xf32>
      %broadcast_in_dim3A_53 = vector.shape_cast %reduce_sum3A_52 : vector<8xf32> to vector<8x1xf32>
      %jit3A_54 = arith.constant 0.000000e+00 : f32
      %broadcast_in_dim3A_55 = vector.broadcast %jit3A_54 : f32 to vector<8x8192xf32>
      %select_n3A_56 = arith.select %eq3A_44, %get3A_13, %broadcast_in_dim3A_55 : vector<8x8192xi1>, vector<8x8192xf32>
      %reduce_sum3A_57 = arith.constant dense<0.000000e+00> : vector<8xf32>
      %reduce_sum3A_58 = vector.multi_reduction <add>, %select_n3A_56, %reduce_sum3A_57 [1] : vector<8x8192xf32> to vector<8xf32>
      %broadcast_in_dim3A_59 = vector.shape_cast %reduce_sum3A_58 : vector<8xf32> to vector<8x1xf32>
      %eq3A_60 = vector.broadcast %scan3A_37 : i32 to vector<8x512xi32>
      %eq3A_61 = arith.cmpi eq, %iota3A_14, %eq3A_60 : vector<8x512xi32>
      %broadcast_in_dim3A_62 = vector.shape_cast %scan3A_39 : vector<8x1xi32> to vector<8x1xi32>
      %broadcast_in_dim3A_63 = vector.broadcast %broadcast_in_dim3A_62 : vector<8x1xi32> to vector<8x512xi32>
      %select_n3A_64 = arith.select %eq3A_61, %broadcast_in_dim3A_63, %scan3A_40 : vector<8x512xi1>, vector<8x512xi32>
      %broadcast_in_dim3A_65 = vector.shape_cast %broadcast_in_dim3A_47 : vector<8x1xf32> to vector<8x1xf32>
      %broadcast_in_dim3A_66 = vector.broadcast %broadcast_in_dim3A_65 : vector<8x1xf32> to vector<8x512xf32>
      %select_n3A_67 = arith.select %eq3A_61, %broadcast_in_dim3A_66, %scan3A_41 : vector<8x512xi1>, vector<8x512xf32>
      %broadcast_in_dim3A_68 = vector.shape_cast %broadcast_in_dim3A_53 : vector<8x1xf32> to vector<8x1xf32>
      %broadcast_in_dim3A_69 = vector.broadcast %broadcast_in_dim3A_68 : vector<8x1xf32> to vector<8x512xf32>
      %select_n3A_70 = arith.select %eq3A_61, %broadcast_in_dim3A_69, %scan3A_42 : vector<8x512xi1>, vector<8x512xf32>
      %broadcast_in_dim3A_71 = vector.shape_cast %broadcast_in_dim3A_59 : vector<8x1xf32> to vector<8x1xf32>
      %broadcast_in_dim3A_72 = vector.broadcast %broadcast_in_dim3A_71 : vector<8x1xf32> to vector<8x512xf32>
      %select_n3A_73 = arith.select %eq3A_61, %broadcast_in_dim3A_72, %scan3A_43 : vector<8x512xi1>, vector<8x512xf32>
      %sub3A = vector.broadcast %broadcast_in_dim3A_47 : vector<8x1xf32> to vector<8x8192xf32>
      %sub3A_74 = arith.subf %get3A_3, %sub3A : vector<8x8192xf32>
      %integer_pow3A = arith.mulf %sub3A_74, %sub3A_74 : vector<8x8192xf32>
      %sub3A_75 = vector.broadcast %broadcast_in_dim3A_53 : vector<8x1xf32> to vector<8x8192xf32>
      %sub3A_76 = arith.subf %get3A_8, %sub3A_75 : vector<8x8192xf32>
      %integer_pow3A_77 = arith.mulf %sub3A_76, %sub3A_76 : vector<8x8192xf32>
      %add3A_78 = arith.addf %integer_pow3A, %integer_pow3A_77 : vector<8x8192xf32>
      %sub3A_79 = vector.broadcast %broadcast_in_dim3A_59 : vector<8x1xf32> to vector<8x8192xf32>
      %sub3A_80 = arith.subf %get3A_13, %sub3A_79 : vector<8x8192xf32>
      %integer_pow3A_81 = arith.mulf %sub3A_80, %sub3A_80 : vector<8x8192xf32>
      %add3A_82 = arith.addf %add3A_78, %integer_pow3A_81 : vector<8x8192xf32>
      %min3A = arith.minimumf %scan3A_38, %add3A_82 : vector<8x8192xf32>
      %reduce_max3A = arith.constant dense<0xFF800000> : vector<8xf32>
      %reduce_max3A_83 = vector.multi_reduction <maximumf>, %min3A, %reduce_max3A [1] : vector<8x8192xf32> to vector<8xf32>
      %broadcast_in_dim3A_84 = vector.shape_cast %reduce_max3A_83 : vector<8xf32> to vector<8x1xf32>
      %eq3A_85 = vector.broadcast %broadcast_in_dim3A_84 : vector<8x1xf32> to vector<8x8192xf32>
      %eq3A_86 = arith.cmpf oeq, %min3A, %eq3A_85 : vector<8x8192xf32>
      %jit3A_87 = arith.constant 8192 : i32
      %broadcast_in_dim3A_88 = vector.broadcast %jit3A_87 : i32 to vector<8x8192xi32>
      %select_n3A_89 = arith.select %eq3A_86, %iota3A, %broadcast_in_dim3A_88 : vector<8x8192xi1>, vector<8x8192xi32>
      %reduce_min3A = arith.constant dense<2147483647> : vector<8xi32>
      %reduce_min3A_90 = vector.multi_reduction <minsi>, %select_n3A_89, %reduce_min3A [1] : vector<8x8192xi32> to vector<8xi32>
      %broadcast_in_dim3A_91 = vector.shape_cast %reduce_min3A_90 : vector<8xi32> to vector<8x1xi32>
      scf.yield %min3A, %broadcast_in_dim3A_91, %select_n3A_64, %select_n3A_67, %select_n3A_70, %select_n3A_73 : vector<8x8192xf32>, vector<8x1xi32>, vector<8x512xi32>, vector<8x512xf32>, vector<8x512xf32>, vector<8x512xf32>
    }
    %scan3A_25 = arith.constant 512 : i32
    %swap3A = arith.constant 0 : index
    %swap3A_26 = arith.constant 0 : index
    %swap3A_27 = vector.load %arg1[%swap3A, %swap3A_26] : memref<8x512xi32, #tpu.memory_space<vmem>>, vector<8x512xi32>
    tpu.vector_store %arg1[%swap3A, %swap3A_26], %scan3A_24#2 {strides = array<i32>} : memref<8x512xi32, #tpu.memory_space<vmem>>, vector<8x512xi32>,
    %swap3A_28 = arith.constant 0 : index
    %swap3A_29 = arith.constant 0 : index
    %swap3A_30 = vector.load %arg2[%swap3A_28, %swap3A_29] : memref<8x512xf32, #tpu.memory_space<vmem>>, vector<8x512xf32>
    tpu.vector_store %arg2[%swap3A_28, %swap3A_29], %scan3A_24#3 {strides = array<i32>} : memref<8x512xf32, #tpu.memory_space<vmem>>, vector<8x512xf32>,
    %swap3A_31 = arith.constant 0 : index
    %swap3A_32 = arith.constant 0 : index
    %swap3A_33 = vector.load %arg3[%swap3A_31, %swap3A_32] : memref<8x512xf32, #tpu.memory_space<vmem>>, vector<8x512xf32>
    tpu.vector_store %arg3[%swap3A_31, %swap3A_32], %scan3A_24#4 {strides = array<i32>} : memref<8x512xf32, #tpu.memory_space<vmem>>, vector<8x512xf32>,
    %swap3A_34 = arith.constant 0 : index
    %swap3A_35 = arith.constant 0 : index
    %swap3A_36 = vector.load %arg4[%swap3A_34, %swap3A_35] : memref<8x512xf32, #tpu.memory_space<vmem>>, vector<8x512xf32>
    tpu.vector_store %arg4[%swap3A_34, %swap3A_35], %scan3A_24#5 {strides = array<i32>} : memref<8x512xf32, #tpu.memory_space<vmem>>, vector<8x512xf32>,
    return
  }
}

module attributes {stable_mosaic.version = 14 : i64} {
  func.func @_topk_body(%arg0: i32, %arg1: i32, %arg2: memref<1x64x3xf32, #tpu.memory_space<vmem>>, %arg3: memref<1x3x8192xf32, #tpu.memory_space<vmem>>, %arg4: memref<1x64x640xf32, #tpu.memory_space<vmem>>, %arg5: memref<1x64x640xi32, #tpu.memory_space<vmem>>) attributes {dimension_semantics = [#tpu.dimension_semantics<arbitrary>, #tpu.dimension_semantics<arbitrary>], iteration_bounds = array<i64: 8, 8>, scalar_prefetch = 0 : i64, scratch_operands = 0 : i64, tpu.core_type = #tpu.core_type<tc>, window_params = [{transform_indices = @transform_0, window_bounds = array<i64: 1, 64, 3>}, {transform_indices = @transform_1, window_bounds = array<i64: 1, 3, 8192>}, {transform_indices = @transform_2, window_bounds = array<i64: 1, 64, 640>}, {transform_indices = @transform_3, window_bounds = array<i64: 1, 64, 640>}]} {
    %get3A = arith.constant 0 : index
    %get3A_0 = arith.constant 0 : index
    %get3A_1 = arith.constant 0 : index
    %get3A_2 = vector.load %arg2[%get3A, %get3A_0, %get3A_1] : memref<1x64x3xf32, #tpu.memory_space<vmem>>, vector<1x64x3xf32>
    %get3A_3 = vector.shape_cast %get3A_2 : vector<1x64x3xf32> to vector<64x3xf32>
    %get3A_4 = arith.constant 0 : index
    %get3A_5 = arith.constant 0 : index
    %get3A_6 = arith.constant 0 : index
    %get3A_7 = vector.load %arg3[%get3A_4, %get3A_5, %get3A_6] : memref<1x3x8192xf32, #tpu.memory_space<vmem>>, vector<1x3x8192xf32>
    %get3A_8 = vector.shape_cast %get3A_7 : vector<1x3x8192xf32> to vector<3x8192xf32>
    %slice3A = vector.extract_strided_slice %get3A_3 {offsets = [0, 0], sizes = [64, 1], strides = [1, 1]} : vector<64x3xf32> to vector<64x1xf32>
    %slice3A_9 = vector.extract_strided_slice %get3A_3 {offsets = [0, 0], sizes = [64, 1], strides = [1, 1]} : vector<64x3xf32> to vector<64x1xf32>
    %mul3A = arith.mulf %slice3A, %slice3A_9 : vector<64x1xf32>
    %slice3A_10 = vector.extract_strided_slice %get3A_3 {offsets = [0, 1], sizes = [64, 1], strides = [1, 1]} : vector<64x3xf32> to vector<64x1xf32>
    %slice3A_11 = vector.extract_strided_slice %get3A_3 {offsets = [0, 1], sizes = [64, 1], strides = [1, 1]} : vector<64x3xf32> to vector<64x1xf32>
    %mul3A_12 = arith.mulf %slice3A_10, %slice3A_11 : vector<64x1xf32>
    %add3A = arith.addf %mul3A, %mul3A_12 : vector<64x1xf32>
    %slice3A_13 = vector.extract_strided_slice %get3A_3 {offsets = [0, 2], sizes = [64, 1], strides = [1, 1]} : vector<64x3xf32> to vector<64x1xf32>
    %slice3A_14 = vector.extract_strided_slice %get3A_3 {offsets = [0, 2], sizes = [64, 1], strides = [1, 1]} : vector<64x3xf32> to vector<64x1xf32>
    %mul3A_15 = arith.mulf %slice3A_13, %slice3A_14 : vector<64x1xf32>
    %add3A_16 = arith.addf %add3A, %mul3A_15 : vector<64x1xf32>
    %slice3A_17 = vector.extract_strided_slice %get3A_8 {offsets = [0, 0], sizes = [1, 8192], strides = [1, 1]} : vector<3x8192xf32> to vector<1x8192xf32>
    %slice3A_18 = vector.extract_strided_slice %get3A_8 {offsets = [0, 0], sizes = [1, 8192], strides = [1, 1]} : vector<3x8192xf32> to vector<1x8192xf32>
    %mul3A_19 = arith.mulf %slice3A_17, %slice3A_18 : vector<1x8192xf32>
    %slice3A_20 = vector.extract_strided_slice %get3A_8 {offsets = [1, 0], sizes = [1, 8192], strides = [1, 1]} : vector<3x8192xf32> to vector<1x8192xf32>
    %slice3A_21 = vector.extract_strided_slice %get3A_8 {offsets = [1, 0], sizes = [1, 8192], strides = [1, 1]} : vector<3x8192xf32> to vector<1x8192xf32>
    %mul3A_22 = arith.mulf %slice3A_20, %slice3A_21 : vector<1x8192xf32>
    %add3A_23 = arith.addf %mul3A_19, %mul3A_22 : vector<1x8192xf32>
    %slice3A_24 = vector.extract_strided_slice %get3A_8 {offsets = [2, 0], sizes = [1, 8192], strides = [1, 1]} : vector<3x8192xf32> to vector<1x8192xf32>
    %slice3A_25 = vector.extract_strided_slice %get3A_8 {offsets = [2, 0], sizes = [1, 8192], strides = [1, 1]} : vector<3x8192xf32> to vector<1x8192xf32>
    %mul3A_26 = arith.mulf %slice3A_24, %slice3A_25 : vector<1x8192xf32>
    %add3A_27 = arith.addf %add3A_23, %mul3A_26 : vector<1x8192xf32>
    %dot_general3A = arith.constant dense<0.000000e+00> : vector<64x8192xf32>
    %dot_general3A_28 = tpu.matmul %get3A_3, %get3A_8, %dot_general3A {dimension_numbers = #tpu.dot_dimension_numbers<[1], [0], [0], [1], [0, 0, 1, 1], [], []>, transpose_lhs_hint = false} : vector<64x3xf32>, vector<3x8192xf32>, vector<64x8192xf32> -> vector<64x8192xf32>
    %mul3A_29 = arith.constant -2.000000e+00 : f32
    %mul3A_30 = vector.broadcast %mul3A_29 : f32 to vector<64x8192xf32>
    %mul3A_31 = arith.mulf %mul3A_30, %dot_general3A_28 : vector<64x8192xf32>
    %add3A_32 = vector.broadcast %add3A_16 : vector<64x1xf32> to vector<64x8192xf32>
    %add3A_33 = arith.addf %mul3A_31, %add3A_32 : vector<64x8192xf32>
    %add3A_34 = vector.broadcast %add3A_27 : vector<1x8192xf32> to vector<64x8192xf32>
    %add3A_35 = arith.addf %add3A_33, %add3A_34 : vector<64x8192xf32>
    %reshape3A = vector.shape_cast %add3A_35 : vector<64x8192xf32> to vector<64x64x128xf32>
    %iota3A = tpu.iota {dimensions = array<i32: 1>} : vector<64x64x128xi32>
    %mul3A_36 = arith.constant 128 : i32
    %mul3A_37 = vector.broadcast %mul3A_36 : i32 to vector<64x64x128xi32>
    %mul3A_38 = arith.muli %iota3A, %mul3A_37 : vector<64x64x128xi32>
    %iota3A_39 = tpu.iota {dimensions = array<i32: 2>} : vector<64x64x128xi32>
    %add3A_40 = arith.addi %mul3A_38, %iota3A_39 : vector<64x64x128xi32>
    %slice3A_41 = vector.extract_strided_slice %reshape3A {offsets = [0, 0, 0], sizes = [64, 32, 128], strides = [1, 1, 1]} : vector<64x64x128xf32> to vector<64x32x128xf32>
    %slice3A_42 = vector.extract_strided_slice %reshape3A {offsets = [0, 32, 0], sizes = [64, 32, 128], strides = [1, 1, 1]} : vector<64x64x128xf32> to vector<64x32x128xf32>
    %le3A = arith.cmpf ole, %slice3A_41, %slice3A_42 : vector<64x32x128xf32>
    %slice3A_43 = vector.extract_strided_slice %add3A_40 {offsets = [0, 0, 0], sizes = [64, 32, 128], strides = [1, 1, 1]} : vector<64x64x128xi32> to vector<64x32x128xi32>
    %slice3A_44 = vector.extract_strided_slice %add3A_40 {offsets = [0, 32, 0], sizes = [64, 32, 128], strides = [1, 1, 1]} : vector<64x64x128xi32> to vector<64x32x128xi32>
    %select_n3A = arith.select %le3A, %slice3A_43, %slice3A_44 : vector<64x32x128xi1>, vector<64x32x128xi32>
    %slice3A_45 = vector.extract_strided_slice %reshape3A {offsets = [0, 0, 0], sizes = [64, 32, 128], strides = [1, 1, 1]} : vector<64x64x128xf32> to vector<64x32x128xf32>
    %slice3A_46 = vector.extract_strided_slice %reshape3A {offsets = [0, 32, 0], sizes = [64, 32, 128], strides = [1, 1, 1]} : vector<64x64x128xf32> to vector<64x32x128xf32>
    %select_n3A_47 = arith.select %le3A, %slice3A_45, %slice3A_46 : vector<64x32x128xi1>, vector<64x32x128xf32>
    %slice3A_48 = vector.extract_strided_slice %select_n3A_47 {offsets = [0, 0, 0], sizes = [64, 16, 128], strides = [1, 1, 1]} : vector<64x32x128xf32> to vector<64x16x128xf32>
    %slice3A_49 = vector.extract_strided_slice %select_n3A_47 {offsets = [0, 16, 0], sizes = [64, 16, 128], strides = [1, 1, 1]} : vector<64x32x128xf32> to vector<64x16x128xf32>
    %le3A_50 = arith.cmpf ole, %slice3A_48, %slice3A_49 : vector<64x16x128xf32>
    %slice3A_51 = vector.extract_strided_slice %select_n3A {offsets = [0, 0, 0], sizes = [64, 16, 128], strides = [1, 1, 1]} : vector<64x32x128xi32> to vector<64x16x128xi32>
    %slice3A_52 = vector.extract_strided_slice %select_n3A {offsets = [0, 16, 0], sizes = [64, 16, 128], strides = [1, 1, 1]} : vector<64x32x128xi32> to vector<64x16x128xi32>
    %select_n3A_53 = arith.select %le3A_50, %slice3A_51, %slice3A_52 : vector<64x16x128xi1>, vector<64x16x128xi32>
    %slice3A_54 = vector.extract_strided_slice %select_n3A_47 {offsets = [0, 0, 0], sizes = [64, 16, 128], strides = [1, 1, 1]} : vector<64x32x128xf32> to vector<64x16x128xf32>
    %slice3A_55 = vector.extract_strided_slice %select_n3A_47 {offsets = [0, 16, 0], sizes = [64, 16, 128], strides = [1, 1, 1]} : vector<64x32x128xf32> to vector<64x16x128xf32>
    %select_n3A_56 = arith.select %le3A_50, %slice3A_54, %slice3A_55 : vector<64x16x128xi1>, vector<64x16x128xf32>
    %slice3A_57 = vector.extract_strided_slice %select_n3A_56 {offsets = [0, 0, 0], sizes = [64, 8, 128], strides = [1, 1, 1]} : vector<64x16x128xf32> to vector<64x8x128xf32>
    %slice3A_58 = vector.extract_strided_slice %select_n3A_56 {offsets = [0, 8, 0], sizes = [64, 8, 128], strides = [1, 1, 1]} : vector<64x16x128xf32> to vector<64x8x128xf32>
    %le3A_59 = arith.cmpf ole, %slice3A_57, %slice3A_58 : vector<64x8x128xf32>
    %slice3A_60 = vector.extract_strided_slice %select_n3A_53 {offsets = [0, 0, 0], sizes = [64, 8, 128], strides = [1, 1, 1]} : vector<64x16x128xi32> to vector<64x8x128xi32>
    %slice3A_61 = vector.extract_strided_slice %select_n3A_53 {offsets = [0, 8, 0], sizes = [64, 8, 128], strides = [1, 1, 1]} : vector<64x16x128xi32> to vector<64x8x128xi32>
    %select_n3A_62 = arith.select %le3A_59, %slice3A_60, %slice3A_61 : vector<64x8x128xi1>, vector<64x8x128xi32>
    %slice3A_63 = vector.extract_strided_slice %select_n3A_56 {offsets = [0, 0, 0], sizes = [64, 8, 128], strides = [1, 1, 1]} : vector<64x16x128xf32> to vector<64x8x128xf32>
    %slice3A_64 = vector.extract_strided_slice %select_n3A_56 {offsets = [0, 8, 0], sizes = [64, 8, 128], strides = [1, 1, 1]} : vector<64x16x128xf32> to vector<64x8x128xf32>
    %select_n3A_65 = arith.select %le3A_59, %slice3A_63, %slice3A_64 : vector<64x8x128xi1>, vector<64x8x128xf32>
    %slice3A_66 = vector.extract_strided_slice %select_n3A_65 {offsets = [0, 0, 0], sizes = [64, 4, 128], strides = [1, 1, 1]} : vector<64x8x128xf32> to vector<64x4x128xf32>
    %slice3A_67 = vector.extract_strided_slice %select_n3A_65 {offsets = [0, 4, 0], sizes = [64, 4, 128], strides = [1, 1, 1]} : vector<64x8x128xf32> to vector<64x4x128xf32>
    %le3A_68 = arith.cmpf ole, %slice3A_66, %slice3A_67 : vector<64x4x128xf32>
    %slice3A_69 = vector.extract_strided_slice %select_n3A_62 {offsets = [0, 0, 0], sizes = [64, 4, 128], strides = [1, 1, 1]} : vector<64x8x128xi32> to vector<64x4x128xi32>
    %slice3A_70 = vector.extract_strided_slice %select_n3A_62 {offsets = [0, 4, 0], sizes = [64, 4, 128], strides = [1, 1, 1]} : vector<64x8x128xi32> to vector<64x4x128xi32>
    %select_n3A_71 = arith.select %le3A_68, %slice3A_69, %slice3A_70 : vector<64x4x128xi1>, vector<64x4x128xi32>
    %slice3A_72 = vector.extract_strided_slice %select_n3A_65 {offsets = [0, 0, 0], sizes = [64, 4, 128], strides = [1, 1, 1]} : vector<64x8x128xf32> to vector<64x4x128xf32>
    %slice3A_73 = vector.extract_strided_slice %select_n3A_65 {offsets = [0, 4, 0], sizes = [64, 4, 128], strides = [1, 1, 1]} : vector<64x8x128xf32> to vector<64x4x128xf32>
    %select_n3A_74 = arith.select %le3A_68, %slice3A_72, %slice3A_73 : vector<64x4x128xi1>, vector<64x4x128xf32>
    %slice3A_75 = vector.extract_strided_slice %select_n3A_74 {offsets = [0, 0, 0], sizes = [64, 2, 128], strides = [1, 1, 1]} : vector<64x4x128xf32> to vector<64x2x128xf32>
    %slice3A_76 = vector.extract_strided_slice %select_n3A_74 {offsets = [0, 2, 0], sizes = [64, 2, 128], strides = [1, 1, 1]} : vector<64x4x128xf32> to vector<64x2x128xf32>
    %le3A_77 = arith.cmpf ole, %slice3A_75, %slice3A_76 : vector<64x2x128xf32>
    %slice3A_78 = vector.extract_strided_slice %select_n3A_71 {offsets = [0, 0, 0], sizes = [64, 2, 128], strides = [1, 1, 1]} : vector<64x4x128xi32> to vector<64x2x128xi32>
    %slice3A_79 = vector.extract_strided_slice %select_n3A_71 {offsets = [0, 2, 0], sizes = [64, 2, 128], strides = [1, 1, 1]} : vector<64x4x128xi32> to vector<64x2x128xi32>
    %select_n3A_80 = arith.select %le3A_77, %slice3A_78, %slice3A_79 : vector<64x2x128xi1>, vector<64x2x128xi32>
    %slice3A_81 = vector.extract_strided_slice %select_n3A_74 {offsets = [0, 0, 0], sizes = [64, 2, 128], strides = [1, 1, 1]} : vector<64x4x128xf32> to vector<64x2x128xf32>
    %slice3A_82 = vector.extract_strided_slice %select_n3A_74 {offsets = [0, 2, 0], sizes = [64, 2, 128], strides = [1, 1, 1]} : vector<64x4x128xf32> to vector<64x2x128xf32>
    %select_n3A_83 = arith.select %le3A_77, %slice3A_81, %slice3A_82 : vector<64x2x128xi1>, vector<64x2x128xf32>
    %slice3A_84 = vector.extract_strided_slice %select_n3A_83 {offsets = [0, 0, 0], sizes = [64, 1, 128], strides = [1, 1, 1]} : vector<64x2x128xf32> to vector<64x1x128xf32>
    %slice3A_85 = vector.extract_strided_slice %select_n3A_83 {offsets = [0, 1, 0], sizes = [64, 1, 128], strides = [1, 1, 1]} : vector<64x2x128xf32> to vector<64x1x128xf32>
    %le3A_86 = arith.cmpf ole, %slice3A_84, %slice3A_85 : vector<64x1x128xf32>
    %slice3A_87 = vector.extract_strided_slice %select_n3A_80 {offsets = [0, 0, 0], sizes = [64, 1, 128], strides = [1, 1, 1]} : vector<64x2x128xi32> to vector<64x1x128xi32>
    %slice3A_88 = vector.extract_strided_slice %select_n3A_80 {offsets = [0, 1, 0], sizes = [64, 1, 128], strides = [1, 1, 1]} : vector<64x2x128xi32> to vector<64x1x128xi32>
    %select_n3A_89 = arith.select %le3A_86, %slice3A_87, %slice3A_88 : vector<64x1x128xi1>, vector<64x1x128xi32>
    %slice3A_90 = vector.extract_strided_slice %select_n3A_83 {offsets = [0, 0, 0], sizes = [64, 1, 128], strides = [1, 1, 1]} : vector<64x2x128xf32> to vector<64x1x128xf32>
    %slice3A_91 = vector.extract_strided_slice %select_n3A_83 {offsets = [0, 1, 0], sizes = [64, 1, 128], strides = [1, 1, 1]} : vector<64x2x128xf32> to vector<64x1x128xf32>
    %select_n3A_92 = arith.select %le3A_86, %slice3A_90, %slice3A_91 : vector<64x1x128xi1>, vector<64x1x128xf32>
    %squeeze3A = vector.shape_cast %select_n3A_92 : vector<64x1x128xf32> to vector<64x128xf32>
    %squeeze3A_93 = vector.shape_cast %select_n3A_89 : vector<64x1x128xi32> to vector<64x128xi32>
    %broadcast_in_dim3A = vector.shape_cast %squeeze3A_93 : vector<64x128xi32> to vector<64x1x128xi32>
    %eq3A = vector.broadcast %broadcast_in_dim3A : vector<64x1x128xi32> to vector<64x64x128xi32>
    %eq3A_94 = arith.cmpi eq, %add3A_40, %eq3A : vector<64x64x128xi32>
    %jit3A = arith.constant 1.000000e+30 : f32
    %broadcast_in_dim3A_95 = vector.broadcast %jit3A : f32 to vector<64x64x128xf32>
    %select_n3A_96 = arith.select %eq3A_94, %broadcast_in_dim3A_95, %reshape3A : vector<64x64x128xi1>, vector<64x64x128xf32>
    %slice3A_97 = vector.extract_strided_slice %select_n3A_96 {offsets = [0, 0, 0], sizes = [64, 32, 128], strides = [1, 1, 1]} : vector<64x64x128xf32> to vector<64x32x128xf32>
    %slice3A_98 = vector.extract_strided_slice %select_n3A_96 {offsets = [0, 32, 0], sizes = [64, 32, 128], strides = [1, 1, 1]} : vector<64x64x128xf32> to vector<64x32x128xf32>
    %le3A_99 = arith.cmpf ole, %slice3A_97, %slice3A_98 : vector<64x32x128xf32>
    %slice3A_100 = vector.extract_strided_slice %add3A_40 {offsets = [0, 0, 0], sizes = [64, 32, 128], strides = [1, 1, 1]} : vector<64x64x128xi32> to vector<64x32x128xi32>
    %slice3A_101 = vector.extract_strided_slice %add3A_40 {offsets = [0, 32, 0], sizes = [64, 32, 128], strides = [1, 1, 1]} : vector<64x64x128xi32> to vector<64x32x128xi32>
    %select_n3A_102 = arith.select %le3A_99, %slice3A_100, %slice3A_101 : vector<64x32x128xi1>, vector<64x32x128xi32>
    %slice3A_103 = vector.extract_strided_slice %select_n3A_96 {offsets = [0, 0, 0], sizes = [64, 32, 128], strides = [1, 1, 1]} : vector<64x64x128xf32> to vector<64x32x128xf32>
    %slice3A_104 = vector.extract_strided_slice %select_n3A_96 {offsets = [0, 32, 0], sizes = [64, 32, 128], strides = [1, 1, 1]} : vector<64x64x128xf32> to vector<64x32x128xf32>
    %select_n3A_105 = arith.select %le3A_99, %slice3A_103, %slice3A_104 : vector<64x32x128xi1>, vector<64x32x128xf32>
    %slice3A_106 = vector.extract_strided_slice %select_n3A_105 {offsets = [0, 0, 0], sizes = [64, 16, 128], strides = [1, 1, 1]} : vector<64x32x128xf32> to vector<64x16x128xf32>
    %slice3A_107 = vector.extract_strided_slice %select_n3A_105 {offsets = [0, 16, 0], sizes = [64, 16, 128], strides = [1, 1, 1]} : vector<64x32x128xf32> to vector<64x16x128xf32>
    %le3A_108 = arith.cmpf ole, %slice3A_106, %slice3A_107 : vector<64x16x128xf32>
    %slice3A_109 = vector.extract_strided_slice %select_n3A_102 {offsets = [0, 0, 0], sizes = [64, 16, 128], strides = [1, 1, 1]} : vector<64x32x128xi32> to vector<64x16x128xi32>
    %slice3A_110 = vector.extract_strided_slice %select_n3A_102 {offsets = [0, 16, 0], sizes = [64, 16, 128], strides = [1, 1, 1]} : vector<64x32x128xi32> to vector<64x16x128xi32>
    %select_n3A_111 = arith.select %le3A_108, %slice3A_109, %slice3A_110 : vector<64x16x128xi1>, vector<64x16x128xi32>
    %slice3A_112 = vector.extract_strided_slice %select_n3A_105 {offsets = [0, 0, 0], sizes = [64, 16, 128], strides = [1, 1, 1]} : vector<64x32x128xf32> to vector<64x16x128xf32>
    %slice3A_113 = vector.extract_strided_slice %select_n3A_105 {offsets = [0, 16, 0], sizes = [64, 16, 128], strides = [1, 1, 1]} : vector<64x32x128xf32> to vector<64x16x128xf32>
    %select_n3A_114 = arith.select %le3A_108, %slice3A_112, %slice3A_113 : vector<64x16x128xi1>, vector<64x16x128xf32>
    %slice3A_115 = vector.extract_strided_slice %select_n3A_114 {offsets = [0, 0, 0], sizes = [64, 8, 128], strides = [1, 1, 1]} : vector<64x16x128xf32> to vector<64x8x128xf32>
    %slice3A_116 = vector.extract_strided_slice %select_n3A_114 {offsets = [0, 8, 0], sizes = [64, 8, 128], strides = [1, 1, 1]} : vector<64x16x128xf32> to vector<64x8x128xf32>
    %le3A_117 = arith.cmpf ole, %slice3A_115, %slice3A_116 : vector<64x8x128xf32>
    %slice3A_118 = vector.extract_strided_slice %select_n3A_111 {offsets = [0, 0, 0], sizes = [64, 8, 128], strides = [1, 1, 1]} : vector<64x16x128xi32> to vector<64x8x128xi32>
    %slice3A_119 = vector.extract_strided_slice %select_n3A_111 {offsets = [0, 8, 0], sizes = [64, 8, 128], strides = [1, 1, 1]} : vector<64x16x128xi32> to vector<64x8x128xi32>
    %select_n3A_120 = arith.select %le3A_117, %slice3A_118, %slice3A_119 : vector<64x8x128xi1>, vector<64x8x128xi32>
    %slice3A_121 = vector.extract_strided_slice %select_n3A_114 {offsets = [0, 0, 0], sizes = [64, 8, 128], strides = [1, 1, 1]} : vector<64x16x128xf32> to vector<64x8x128xf32>
    %slice3A_122 = vector.extract_strided_slice %select_n3A_114 {offsets = [0, 8, 0], sizes = [64, 8, 128], strides = [1, 1, 1]} : vector<64x16x128xf32> to vector<64x8x128xf32>
    %select_n3A_123 = arith.select %le3A_117, %slice3A_121, %slice3A_122 : vector<64x8x128xi1>, vector<64x8x128xf32>
    %slice3A_124 = vector.extract_strided_slice %select_n3A_123 {offsets = [0, 0, 0], sizes = [64, 4, 128], strides = [1, 1, 1]} : vector<64x8x128xf32> to vector<64x4x128xf32>
    %slice3A_125 = vector.extract_strided_slice %select_n3A_123 {offsets = [0, 4, 0], sizes = [64, 4, 128], strides = [1, 1, 1]} : vector<64x8x128xf32> to vector<64x4x128xf32>
    %le3A_126 = arith.cmpf ole, %slice3A_124, %slice3A_125 : vector<64x4x128xf32>
    %slice3A_127 = vector.extract_strided_slice %select_n3A_120 {offsets = [0, 0, 0], sizes = [64, 4, 128], strides = [1, 1, 1]} : vector<64x8x128xi32> to vector<64x4x128xi32>
    %slice3A_128 = vector.extract_strided_slice %select_n3A_120 {offsets = [0, 4, 0], sizes = [64, 4, 128], strides = [1, 1, 1]} : vector<64x8x128xi32> to vector<64x4x128xi32>
    %select_n3A_129 = arith.select %le3A_126, %slice3A_127, %slice3A_128 : vector<64x4x128xi1>, vector<64x4x128xi32>
    %slice3A_130 = vector.extract_strided_slice %select_n3A_123 {offsets = [0, 0, 0], sizes = [64, 4, 128], strides = [1, 1, 1]} : vector<64x8x128xf32> to vector<64x4x128xf32>
    %slice3A_131 = vector.extract_strided_slice %select_n3A_123 {offsets = [0, 4, 0], sizes = [64, 4, 128], strides = [1, 1, 1]} : vector<64x8x128xf32> to vector<64x4x128xf32>
    %select_n3A_132 = arith.select %le3A_126, %slice3A_130, %slice3A_131 : vector<64x4x128xi1>, vector<64x4x128xf32>
    %slice3A_133 = vector.extract_strided_slice %select_n3A_132 {offsets = [0, 0, 0], sizes = [64, 2, 128], strides = [1, 1, 1]} : vector<64x4x128xf32> to vector<64x2x128xf32>
    %slice3A_134 = vector.extract_strided_slice %select_n3A_132 {offsets = [0, 2, 0], sizes = [64, 2, 128], strides = [1, 1, 1]} : vector<64x4x128xf32> to vector<64x2x128xf32>
    %le3A_135 = arith.cmpf ole, %slice3A_133, %slice3A_134 : vector<64x2x128xf32>
    %slice3A_136 = vector.extract_strided_slice %select_n3A_129 {offsets = [0, 0, 0], sizes = [64, 2, 128], strides = [1, 1, 1]} : vector<64x4x128xi32> to vector<64x2x128xi32>
    %slice3A_137 = vector.extract_strided_slice %select_n3A_129 {offsets = [0, 2, 0], sizes = [64, 2, 128], strides = [1, 1, 1]} : vector<64x4x128xi32> to vector<64x2x128xi32>
    %select_n3A_138 = arith.select %le3A_135, %slice3A_136, %slice3A_137 : vector<64x2x128xi1>, vector<64x2x128xi32>
    %slice3A_139 = vector.extract_strided_slice %select_n3A_132 {offsets = [0, 0, 0], sizes = [64, 2, 128], strides = [1, 1, 1]} : vector<64x4x128xf32> to vector<64x2x128xf32>
    %slice3A_140 = vector.extract_strided_slice %select_n3A_132 {offsets = [0, 2, 0], sizes = [64, 2, 128], strides = [1, 1, 1]} : vector<64x4x128xf32> to vector<64x2x128xf32>
    %select_n3A_141 = arith.select %le3A_135, %slice3A_139, %slice3A_140 : vector<64x2x128xi1>, vector<64x2x128xf32>
    %slice3A_142 = vector.extract_strided_slice %select_n3A_141 {offsets = [0, 0, 0], sizes = [64, 1, 128], strides = [1, 1, 1]} : vector<64x2x128xf32> to vector<64x1x128xf32>
    %slice3A_143 = vector.extract_strided_slice %select_n3A_141 {offsets = [0, 1, 0], sizes = [64, 1, 128], strides = [1, 1, 1]} : vector<64x2x128xf32> to vector<64x1x128xf32>
    %le3A_144 = arith.cmpf ole, %slice3A_142, %slice3A_143 : vector<64x1x128xf32>
    %slice3A_145 = vector.extract_strided_slice %select_n3A_138 {offsets = [0, 0, 0], sizes = [64, 1, 128], strides = [1, 1, 1]} : vector<64x2x128xi32> to vector<64x1x128xi32>
    %slice3A_146 = vector.extract_strided_slice %select_n3A_138 {offsets = [0, 1, 0], sizes = [64, 1, 128], strides = [1, 1, 1]} : vector<64x2x128xi32> to vector<64x1x128xi32>
    %select_n3A_147 = arith.select %le3A_144, %slice3A_145, %slice3A_146 : vector<64x1x128xi1>, vector<64x1x128xi32>
    %slice3A_148 = vector.extract_strided_slice %select_n3A_141 {offsets = [0, 0, 0], sizes = [64, 1, 128], strides = [1, 1, 1]} : vector<64x2x128xf32> to vector<64x1x128xf32>
    %slice3A_149 = vector.extract_strided_slice %select_n3A_141 {offsets = [0, 1, 0], sizes = [64, 1, 128], strides = [1, 1, 1]} : vector<64x2x128xf32> to vector<64x1x128xf32>
    %select_n3A_150 = arith.select %le3A_144, %slice3A_148, %slice3A_149 : vector<64x1x128xi1>, vector<64x1x128xf32>
    %squeeze3A_151 = vector.shape_cast %select_n3A_150 : vector<64x1x128xf32> to vector<64x128xf32>
    %squeeze3A_152 = vector.shape_cast %select_n3A_147 : vector<64x1x128xi32> to vector<64x128xi32>
    %broadcast_in_dim3A_153 = vector.shape_cast %squeeze3A_152 : vector<64x128xi32> to vector<64x1x128xi32>
    %eq3A_154 = vector.broadcast %broadcast_in_dim3A_153 : vector<64x1x128xi32> to vector<64x64x128xi32>
    %eq3A_155 = arith.cmpi eq, %add3A_40, %eq3A_154 : vector<64x64x128xi32>
    %jit3A_156 = arith.constant 1.000000e+30 : f32
    %broadcast_in_dim3A_157 = vector.broadcast %jit3A_156 : f32 to vector<64x64x128xf32>
    %select_n3A_158 = arith.select %eq3A_155, %broadcast_in_dim3A_157, %select_n3A_96 : vector<64x64x128xi1>, vector<64x64x128xf32>
    %slice3A_159 = vector.extract_strided_slice %select_n3A_158 {offsets = [0, 0, 0], sizes = [64, 32, 128], strides = [1, 1, 1]} : vector<64x64x128xf32> to vector<64x32x128xf32>
    %slice3A_160 = vector.extract_strided_slice %select_n3A_158 {offsets = [0, 32, 0], sizes = [64, 32, 128], strides = [1, 1, 1]} : vector<64x64x128xf32> to vector<64x32x128xf32>
    %le3A_161 = arith.cmpf ole, %slice3A_159, %slice3A_160 : vector<64x32x128xf32>
    %slice3A_162 = vector.extract_strided_slice %add3A_40 {offsets = [0, 0, 0], sizes = [64, 32, 128], strides = [1, 1, 1]} : vector<64x64x128xi32> to vector<64x32x128xi32>
    %slice3A_163 = vector.extract_strided_slice %add3A_40 {offsets = [0, 32, 0], sizes = [64, 32, 128], strides = [1, 1, 1]} : vector<64x64x128xi32> to vector<64x32x128xi32>
    %select_n3A_164 = arith.select %le3A_161, %slice3A_162, %slice3A_163 : vector<64x32x128xi1>, vector<64x32x128xi32>
    %slice3A_165 = vector.extract_strided_slice %select_n3A_158 {offsets = [0, 0, 0], sizes = [64, 32, 128], strides = [1, 1, 1]} : vector<64x64x128xf32> to vector<64x32x128xf32>
    %slice3A_166 = vector.extract_strided_slice %select_n3A_158 {offsets = [0, 32, 0], sizes = [64, 32, 128], strides = [1, 1, 1]} : vector<64x64x128xf32> to vector<64x32x128xf32>
    %select_n3A_167 = arith.select %le3A_161, %slice3A_165, %slice3A_166 : vector<64x32x128xi1>, vector<64x32x128xf32>
    %slice3A_168 = vector.extract_strided_slice %select_n3A_167 {offsets = [0, 0, 0], sizes = [64, 16, 128], strides = [1, 1, 1]} : vector<64x32x128xf32> to vector<64x16x128xf32>
    %slice3A_169 = vector.extract_strided_slice %select_n3A_167 {offsets = [0, 16, 0], sizes = [64, 16, 128], strides = [1, 1, 1]} : vector<64x32x128xf32> to vector<64x16x128xf32>
    %le3A_170 = arith.cmpf ole, %slice3A_168, %slice3A_169 : vector<64x16x128xf32>
    %slice3A_171 = vector.extract_strided_slice %select_n3A_164 {offsets = [0, 0, 0], sizes = [64, 16, 128], strides = [1, 1, 1]} : vector<64x32x128xi32> to vector<64x16x128xi32>
    %slice3A_172 = vector.extract_strided_slice %select_n3A_164 {offsets = [0, 16, 0], sizes = [64, 16, 128], strides = [1, 1, 1]} : vector<64x32x128xi32> to vector<64x16x128xi32>
    %select_n3A_173 = arith.select %le3A_170, %slice3A_171, %slice3A_172 : vector<64x16x128xi1>, vector<64x16x128xi32>
    %slice3A_174 = vector.extract_strided_slice %select_n3A_167 {offsets = [0, 0, 0], sizes = [64, 16, 128], strides = [1, 1, 1]} : vector<64x32x128xf32> to vector<64x16x128xf32>
    %slice3A_175 = vector.extract_strided_slice %select_n3A_167 {offsets = [0, 16, 0], sizes = [64, 16, 128], strides = [1, 1, 1]} : vector<64x32x128xf32> to vector<64x16x128xf32>
    %select_n3A_176 = arith.select %le3A_170, %slice3A_174, %slice3A_175 : vector<64x16x128xi1>, vector<64x16x128xf32>
    %slice3A_177 = vector.extract_strided_slice %select_n3A_176 {offsets = [0, 0, 0], sizes = [64, 8, 128], strides = [1, 1, 1]} : vector<64x16x128xf32> to vector<64x8x128xf32>
    %slice3A_178 = vector.extract_strided_slice %select_n3A_176 {offsets = [0, 8, 0], sizes = [64, 8, 128], strides = [1, 1, 1]} : vector<64x16x128xf32> to vector<64x8x128xf32>
    %le3A_179 = arith.cmpf ole, %slice3A_177, %slice3A_178 : vector<64x8x128xf32>
    %slice3A_180 = vector.extract_strided_slice %select_n3A_173 {offsets = [0, 0, 0], sizes = [64, 8, 128], strides = [1, 1, 1]} : vector<64x16x128xi32> to vector<64x8x128xi32>
    %slice3A_181 = vector.extract_strided_slice %select_n3A_173 {offsets = [0, 8, 0], sizes = [64, 8, 128], strides = [1, 1, 1]} : vector<64x16x128xi32> to vector<64x8x128xi32>
    %select_n3A_182 = arith.select %le3A_179, %slice3A_180, %slice3A_181 : vector<64x8x128xi1>, vector<64x8x128xi32>
    %slice3A_183 = vector.extract_strided_slice %select_n3A_176 {offsets = [0, 0, 0], sizes = [64, 8, 128], strides = [1, 1, 1]} : vector<64x16x128xf32> to vector<64x8x128xf32>
    %slice3A_184 = vector.extract_strided_slice %select_n3A_176 {offsets = [0, 8, 0], sizes = [64, 8, 128], strides = [1, 1, 1]} : vector<64x16x128xf32> to vector<64x8x128xf32>
    %select_n3A_185 = arith.select %le3A_179, %slice3A_183, %slice3A_184 : vector<64x8x128xi1>, vector<64x8x128xf32>
    %slice3A_186 = vector.extract_strided_slice %select_n3A_185 {offsets = [0, 0, 0], sizes = [64, 4, 128], strides = [1, 1, 1]} : vector<64x8x128xf32> to vector<64x4x128xf32>
    %slice3A_187 = vector.extract_strided_slice %select_n3A_185 {offsets = [0, 4, 0], sizes = [64, 4, 128], strides = [1, 1, 1]} : vector<64x8x128xf32> to vector<64x4x128xf32>
    %le3A_188 = arith.cmpf ole, %slice3A_186, %slice3A_187 : vector<64x4x128xf32>
    %slice3A_189 = vector.extract_strided_slice %select_n3A_182 {offsets = [0, 0, 0], sizes = [64, 4, 128], strides = [1, 1, 1]} : vector<64x8x128xi32> to vector<64x4x128xi32>
    %slice3A_190 = vector.extract_strided_slice %select_n3A_182 {offsets = [0, 4, 0], sizes = [64, 4, 128], strides = [1, 1, 1]} : vector<64x8x128xi32> to vector<64x4x128xi32>
    %select_n3A_191 = arith.select %le3A_188, %slice3A_189, %slice3A_190 : vector<64x4x128xi1>, vector<64x4x128xi32>
    %slice3A_192 = vector.extract_strided_slice %select_n3A_185 {offsets = [0, 0, 0], sizes = [64, 4, 128], strides = [1, 1, 1]} : vector<64x8x128xf32> to vector<64x4x128xf32>
    %slice3A_193 = vector.extract_strided_slice %select_n3A_185 {offsets = [0, 4, 0], sizes = [64, 4, 128], strides = [1, 1, 1]} : vector<64x8x128xf32> to vector<64x4x128xf32>
    %select_n3A_194 = arith.select %le3A_188, %slice3A_192, %slice3A_193 : vector<64x4x128xi1>, vector<64x4x128xf32>
    %slice3A_195 = vector.extract_strided_slice %select_n3A_194 {offsets = [0, 0, 0], sizes = [64, 2, 128], strides = [1, 1, 1]} : vector<64x4x128xf32> to vector<64x2x128xf32>
    %slice3A_196 = vector.extract_strided_slice %select_n3A_194 {offsets = [0, 2, 0], sizes = [64, 2, 128], strides = [1, 1, 1]} : vector<64x4x128xf32> to vector<64x2x128xf32>
    %le3A_197 = arith.cmpf ole, %slice3A_195, %slice3A_196 : vector<64x2x128xf32>
    %slice3A_198 = vector.extract_strided_slice %select_n3A_191 {offsets = [0, 0, 0], sizes = [64, 2, 128], strides = [1, 1, 1]} : vector<64x4x128xi32> to vector<64x2x128xi32>
    %slice3A_199 = vector.extract_strided_slice %select_n3A_191 {offsets = [0, 2, 0], sizes = [64, 2, 128], strides = [1, 1, 1]} : vector<64x4x128xi32> to vector<64x2x128xi32>
    %select_n3A_200 = arith.select %le3A_197, %slice3A_198, %slice3A_199 : vector<64x2x128xi1>, vector<64x2x128xi32>
    %slice3A_201 = vector.extract_strided_slice %select_n3A_194 {offsets = [0, 0, 0], sizes = [64, 2, 128], strides = [1, 1, 1]} : vector<64x4x128xf32> to vector<64x2x128xf32>
    %slice3A_202 = vector.extract_strided_slice %select_n3A_194 {offsets = [0, 2, 0], sizes = [64, 2, 128], strides = [1, 1, 1]} : vector<64x4x128xf32> to vector<64x2x128xf32>
    %select_n3A_203 = arith.select %le3A_197, %slice3A_201, %slice3A_202 : vector<64x2x128xi1>, vector<64x2x128xf32>
    %slice3A_204 = vector.extract_strided_slice %select_n3A_203 {offsets = [0, 0, 0], sizes = [64, 1, 128], strides = [1, 1, 1]} : vector<64x2x128xf32> to vector<64x1x128xf32>
    %slice3A_205 = vector.extract_strided_slice %select_n3A_203 {offsets = [0, 1, 0], sizes = [64, 1, 128], strides = [1, 1, 1]} : vector<64x2x128xf32> to vector<64x1x128xf32>
    %le3A_206 = arith.cmpf ole, %slice3A_204, %slice3A_205 : vector<64x1x128xf32>
    %slice3A_207 = vector.extract_strided_slice %select_n3A_200 {offsets = [0, 0, 0], sizes = [64, 1, 128], strides = [1, 1, 1]} : vector<64x2x128xi32> to vector<64x1x128xi32>
    %slice3A_208 = vector.extract_strided_slice %select_n3A_200 {offsets = [0, 1, 0], sizes = [64, 1, 128], strides = [1, 1, 1]} : vector<64x2x128xi32> to vector<64x1x128xi32>
    %select_n3A_209 = arith.select %le3A_206, %slice3A_207, %slice3A_208 : vector<64x1x128xi1>, vector<64x1x128xi32>
    %slice3A_210 = vector.extract_strided_slice %select_n3A_203 {offsets = [0, 0, 0], sizes = [64, 1, 128], strides = [1, 1, 1]} : vector<64x2x128xf32> to vector<64x1x128xf32>
    %slice3A_211 = vector.extract_strided_slice %select_n3A_203 {offsets = [0, 1, 0], sizes = [64, 1, 128], strides = [1, 1, 1]} : vector<64x2x128xf32> to vector<64x1x128xf32>
    %select_n3A_212 = arith.select %le3A_206, %slice3A_210, %slice3A_211 : vector<64x1x128xi1>, vector<64x1x128xf32>
    %squeeze3A_213 = vector.shape_cast %select_n3A_212 : vector<64x1x128xf32> to vector<64x128xf32>
    %squeeze3A_214 = vector.shape_cast %select_n3A_209 : vector<64x1x128xi32> to vector<64x128xi32>
    %broadcast_in_dim3A_215 = vector.shape_cast %squeeze3A_214 : vector<64x128xi32> to vector<64x1x128xi32>
    %eq3A_216 = vector.broadcast %broadcast_in_dim3A_215 : vector<64x1x128xi32> to vector<64x64x128xi32>
    %eq3A_217 = arith.cmpi eq, %add3A_40, %eq3A_216 : vector<64x64x128xi32>
    %jit3A_218 = arith.constant 1.000000e+30 : f32
    %broadcast_in_dim3A_219 = vector.broadcast %jit3A_218 : f32 to vector<64x64x128xf32>
    %select_n3A_220 = arith.select %eq3A_217, %broadcast_in_dim3A_219, %select_n3A_158 : vector<64x64x128xi1>, vector<64x64x128xf32>
    %slice3A_221 = vector.extract_strided_slice %select_n3A_220 {offsets = [0, 0, 0], sizes = [64, 32, 128], strides = [1, 1, 1]} : vector<64x64x128xf32> to vector<64x32x128xf32>
    %slice3A_222 = vector.extract_strided_slice %select_n3A_220 {offsets = [0, 32, 0], sizes = [64, 32, 128], strides = [1, 1, 1]} : vector<64x64x128xf32> to vector<64x32x128xf32>
    %le3A_223 = arith.cmpf ole, %slice3A_221, %slice3A_222 : vector<64x32x128xf32>
    %slice3A_224 = vector.extract_strided_slice %add3A_40 {offsets = [0, 0, 0], sizes = [64, 32, 128], strides = [1, 1, 1]} : vector<64x64x128xi32> to vector<64x32x128xi32>
    %slice3A_225 = vector.extract_strided_slice %add3A_40 {offsets = [0, 32, 0], sizes = [64, 32, 128], strides = [1, 1, 1]} : vector<64x64x128xi32> to vector<64x32x128xi32>
    %select_n3A_226 = arith.select %le3A_223, %slice3A_224, %slice3A_225 : vector<64x32x128xi1>, vector<64x32x128xi32>
    %slice3A_227 = vector.extract_strided_slice %select_n3A_220 {offsets = [0, 0, 0], sizes = [64, 32, 128], strides = [1, 1, 1]} : vector<64x64x128xf32> to vector<64x32x128xf32>
    %slice3A_228 = vector.extract_strided_slice %select_n3A_220 {offsets = [0, 32, 0], sizes = [64, 32, 128], strides = [1, 1, 1]} : vector<64x64x128xf32> to vector<64x32x128xf32>
    %select_n3A_229 = arith.select %le3A_223, %slice3A_227, %slice3A_228 : vector<64x32x128xi1>, vector<64x32x128xf32>
    %slice3A_230 = vector.extract_strided_slice %select_n3A_229 {offsets = [0, 0, 0], sizes = [64, 16, 128], strides = [1, 1, 1]} : vector<64x32x128xf32> to vector<64x16x128xf32>
    %slice3A_231 = vector.extract_strided_slice %select_n3A_229 {offsets = [0, 16, 0], sizes = [64, 16, 128], strides = [1, 1, 1]} : vector<64x32x128xf32> to vector<64x16x128xf32>
    %le3A_232 = arith.cmpf ole, %slice3A_230, %slice3A_231 : vector<64x16x128xf32>
    %slice3A_233 = vector.extract_strided_slice %select_n3A_226 {offsets = [0, 0, 0], sizes = [64, 16, 128], strides = [1, 1, 1]} : vector<64x32x128xi32> to vector<64x16x128xi32>
    %slice3A_234 = vector.extract_strided_slice %select_n3A_226 {offsets = [0, 16, 0], sizes = [64, 16, 128], strides = [1, 1, 1]} : vector<64x32x128xi32> to vector<64x16x128xi32>
    %select_n3A_235 = arith.select %le3A_232, %slice3A_233, %slice3A_234 : vector<64x16x128xi1>, vector<64x16x128xi32>
    %slice3A_236 = vector.extract_strided_slice %select_n3A_229 {offsets = [0, 0, 0], sizes = [64, 16, 128], strides = [1, 1, 1]} : vector<64x32x128xf32> to vector<64x16x128xf32>
    %slice3A_237 = vector.extract_strided_slice %select_n3A_229 {offsets = [0, 16, 0], sizes = [64, 16, 128], strides = [1, 1, 1]} : vector<64x32x128xf32> to vector<64x16x128xf32>
    %select_n3A_238 = arith.select %le3A_232, %slice3A_236, %slice3A_237 : vector<64x16x128xi1>, vector<64x16x128xf32>
    %slice3A_239 = vector.extract_strided_slice %select_n3A_238 {offsets = [0, 0, 0], sizes = [64, 8, 128], strides = [1, 1, 1]} : vector<64x16x128xf32> to vector<64x8x128xf32>
    %slice3A_240 = vector.extract_strided_slice %select_n3A_238 {offsets = [0, 8, 0], sizes = [64, 8, 128], strides = [1, 1, 1]} : vector<64x16x128xf32> to vector<64x8x128xf32>
    %le3A_241 = arith.cmpf ole, %slice3A_239, %slice3A_240 : vector<64x8x128xf32>
    %slice3A_242 = vector.extract_strided_slice %select_n3A_235 {offsets = [0, 0, 0], sizes = [64, 8, 128], strides = [1, 1, 1]} : vector<64x16x128xi32> to vector<64x8x128xi32>
    %slice3A_243 = vector.extract_strided_slice %select_n3A_235 {offsets = [0, 8, 0], sizes = [64, 8, 128], strides = [1, 1, 1]} : vector<64x16x128xi32> to vector<64x8x128xi32>
    %select_n3A_244 = arith.select %le3A_241, %slice3A_242, %slice3A_243 : vector<64x8x128xi1>, vector<64x8x128xi32>
    %slice3A_245 = vector.extract_strided_slice %select_n3A_238 {offsets = [0, 0, 0], sizes = [64, 8, 128], strides = [1, 1, 1]} : vector<64x16x128xf32> to vector<64x8x128xf32>
    %slice3A_246 = vector.extract_strided_slice %select_n3A_238 {offsets = [0, 8, 0], sizes = [64, 8, 128], strides = [1, 1, 1]} : vector<64x16x128xf32> to vector<64x8x128xf32>
    %select_n3A_247 = arith.select %le3A_241, %slice3A_245, %slice3A_246 : vector<64x8x128xi1>, vector<64x8x128xf32>
    %slice3A_248 = vector.extract_strided_slice %select_n3A_247 {offsets = [0, 0, 0], sizes = [64, 4, 128], strides = [1, 1, 1]} : vector<64x8x128xf32> to vector<64x4x128xf32>
    %slice3A_249 = vector.extract_strided_slice %select_n3A_247 {offsets = [0, 4, 0], sizes = [64, 4, 128], strides = [1, 1, 1]} : vector<64x8x128xf32> to vector<64x4x128xf32>
    %le3A_250 = arith.cmpf ole, %slice3A_248, %slice3A_249 : vector<64x4x128xf32>
    %slice3A_251 = vector.extract_strided_slice %select_n3A_244 {offsets = [0, 0, 0], sizes = [64, 4, 128], strides = [1, 1, 1]} : vector<64x8x128xi32> to vector<64x4x128xi32>
    %slice3A_252 = vector.extract_strided_slice %select_n3A_244 {offsets = [0, 4, 0], sizes = [64, 4, 128], strides = [1, 1, 1]} : vector<64x8x128xi32> to vector<64x4x128xi32>
    %select_n3A_253 = arith.select %le3A_250, %slice3A_251, %slice3A_252 : vector<64x4x128xi1>, vector<64x4x128xi32>
    %slice3A_254 = vector.extract_strided_slice %select_n3A_247 {offsets = [0, 0, 0], sizes = [64, 4, 128], strides = [1, 1, 1]} : vector<64x8x128xf32> to vector<64x4x128xf32>
    %slice3A_255 = vector.extract_strided_slice %select_n3A_247 {offsets = [0, 4, 0], sizes = [64, 4, 128], strides = [1, 1, 1]} : vector<64x8x128xf32> to vector<64x4x128xf32>
    %select_n3A_256 = arith.select %le3A_250, %slice3A_254, %slice3A_255 : vector<64x4x128xi1>, vector<64x4x128xf32>
    %slice3A_257 = vector.extract_strided_slice %select_n3A_256 {offsets = [0, 0, 0], sizes = [64, 2, 128], strides = [1, 1, 1]} : vector<64x4x128xf32> to vector<64x2x128xf32>
    %slice3A_258 = vector.extract_strided_slice %select_n3A_256 {offsets = [0, 2, 0], sizes = [64, 2, 128], strides = [1, 1, 1]} : vector<64x4x128xf32> to vector<64x2x128xf32>
    %le3A_259 = arith.cmpf ole, %slice3A_257, %slice3A_258 : vector<64x2x128xf32>
    %slice3A_260 = vector.extract_strided_slice %select_n3A_253 {offsets = [0, 0, 0], sizes = [64, 2, 128], strides = [1, 1, 1]} : vector<64x4x128xi32> to vector<64x2x128xi32>
    %slice3A_261 = vector.extract_strided_slice %select_n3A_253 {offsets = [0, 2, 0], sizes = [64, 2, 128], strides = [1, 1, 1]} : vector<64x4x128xi32> to vector<64x2x128xi32>
    %select_n3A_262 = arith.select %le3A_259, %slice3A_260, %slice3A_261 : vector<64x2x128xi1>, vector<64x2x128xi32>
    %slice3A_263 = vector.extract_strided_slice %select_n3A_256 {offsets = [0, 0, 0], sizes = [64, 2, 128], strides = [1, 1, 1]} : vector<64x4x128xf32> to vector<64x2x128xf32>
    %slice3A_264 = vector.extract_strided_slice %select_n3A_256 {offsets = [0, 2, 0], sizes = [64, 2, 128], strides = [1, 1, 1]} : vector<64x4x128xf32> to vector<64x2x128xf32>
    %select_n3A_265 = arith.select %le3A_259, %slice3A_263, %slice3A_264 : vector<64x2x128xi1>, vector<64x2x128xf32>
    %slice3A_266 = vector.extract_strided_slice %select_n3A_265 {offsets = [0, 0, 0], sizes = [64, 1, 128], strides = [1, 1, 1]} : vector<64x2x128xf32> to vector<64x1x128xf32>
    %slice3A_267 = vector.extract_strided_slice %select_n3A_265 {offsets = [0, 1, 0], sizes = [64, 1, 128], strides = [1, 1, 1]} : vector<64x2x128xf32> to vector<64x1x128xf32>
    %le3A_268 = arith.cmpf ole, %slice3A_266, %slice3A_267 : vector<64x1x128xf32>
    %slice3A_269 = vector.extract_strided_slice %select_n3A_262 {offsets = [0, 0, 0], sizes = [64, 1, 128], strides = [1, 1, 1]} : vector<64x2x128xi32> to vector<64x1x128xi32>
    %slice3A_270 = vector.extract_strided_slice %select_n3A_262 {offsets = [0, 1, 0], sizes = [64, 1, 128], strides = [1, 1, 1]} : vector<64x2x128xi32> to vector<64x1x128xi32>
    %select_n3A_271 = arith.select %le3A_268, %slice3A_269, %slice3A_270 : vector<64x1x128xi1>, vector<64x1x128xi32>
    %slice3A_272 = vector.extract_strided_slice %select_n3A_265 {offsets = [0, 0, 0], sizes = [64, 1, 128], strides = [1, 1, 1]} : vector<64x2x128xf32> to vector<64x1x128xf32>
    %slice3A_273 = vector.extract_strided_slice %select_n3A_265 {offsets = [0, 1, 0], sizes = [64, 1, 128], strides = [1, 1, 1]} : vector<64x2x128xf32> to vector<64x1x128xf32>
    %select_n3A_274 = arith.select %le3A_268, %slice3A_272, %slice3A_273 : vector<64x1x128xi1>, vector<64x1x128xf32>
    %squeeze3A_275 = vector.shape_cast %select_n3A_274 : vector<64x1x128xf32> to vector<64x128xf32>
    %squeeze3A_276 = vector.shape_cast %select_n3A_271 : vector<64x1x128xi32> to vector<64x128xi32>
    %broadcast_in_dim3A_277 = vector.shape_cast %squeeze3A_276 : vector<64x128xi32> to vector<64x1x128xi32>
    %eq3A_278 = vector.broadcast %broadcast_in_dim3A_277 : vector<64x1x128xi32> to vector<64x64x128xi32>
    %eq3A_279 = arith.cmpi eq, %add3A_40, %eq3A_278 : vector<64x64x128xi32>
    %jit3A_280 = arith.constant 1.000000e+30 : f32
    %broadcast_in_dim3A_281 = vector.broadcast %jit3A_280 : f32 to vector<64x64x128xf32>
    %select_n3A_282 = arith.select %eq3A_279, %broadcast_in_dim3A_281, %select_n3A_220 : vector<64x64x128xi1>, vector<64x64x128xf32>
    %slice3A_283 = vector.extract_strided_slice %select_n3A_282 {offsets = [0, 0, 0], sizes = [64, 32, 128], strides = [1, 1, 1]} : vector<64x64x128xf32> to vector<64x32x128xf32>
    %slice3A_284 = vector.extract_strided_slice %select_n3A_282 {offsets = [0, 32, 0], sizes = [64, 32, 128], strides = [1, 1, 1]} : vector<64x64x128xf32> to vector<64x32x128xf32>
    %le3A_285 = arith.cmpf ole, %slice3A_283, %slice3A_284 : vector<64x32x128xf32>
    %slice3A_286 = vector.extract_strided_slice %add3A_40 {offsets = [0, 0, 0], sizes = [64, 32, 128], strides = [1, 1, 1]} : vector<64x64x128xi32> to vector<64x32x128xi32>
    %slice3A_287 = vector.extract_strided_slice %add3A_40 {offsets = [0, 32, 0], sizes = [64, 32, 128], strides = [1, 1, 1]} : vector<64x64x128xi32> to vector<64x32x128xi32>
    %select_n3A_288 = arith.select %le3A_285, %slice3A_286, %slice3A_287 : vector<64x32x128xi1>, vector<64x32x128xi32>
    %slice3A_289 = vector.extract_strided_slice %select_n3A_282 {offsets = [0, 0, 0], sizes = [64, 32, 128], strides = [1, 1, 1]} : vector<64x64x128xf32> to vector<64x32x128xf32>
    %slice3A_290 = vector.extract_strided_slice %select_n3A_282 {offsets = [0, 32, 0], sizes = [64, 32, 128], strides = [1, 1, 1]} : vector<64x64x128xf32> to vector<64x32x128xf32>
    %select_n3A_291 = arith.select %le3A_285, %slice3A_289, %slice3A_290 : vector<64x32x128xi1>, vector<64x32x128xf32>
    %slice3A_292 = vector.extract_strided_slice %select_n3A_291 {offsets = [0, 0, 0], sizes = [64, 16, 128], strides = [1, 1, 1]} : vector<64x32x128xf32> to vector<64x16x128xf32>
    %slice3A_293 = vector.extract_strided_slice %select_n3A_291 {offsets = [0, 16, 0], sizes = [64, 16, 128], strides = [1, 1, 1]} : vector<64x32x128xf32> to vector<64x16x128xf32>
    %le3A_294 = arith.cmpf ole, %slice3A_292, %slice3A_293 : vector<64x16x128xf32>
    %slice3A_295 = vector.extract_strided_slice %select_n3A_288 {offsets = [0, 0, 0], sizes = [64, 16, 128], strides = [1, 1, 1]} : vector<64x32x128xi32> to vector<64x16x128xi32>
    %slice3A_296 = vector.extract_strided_slice %select_n3A_288 {offsets = [0, 16, 0], sizes = [64, 16, 128], strides = [1, 1, 1]} : vector<64x32x128xi32> to vector<64x16x128xi32>
    %select_n3A_297 = arith.select %le3A_294, %slice3A_295, %slice3A_296 : vector<64x16x128xi1>, vector<64x16x128xi32>
    %slice3A_298 = vector.extract_strided_slice %select_n3A_291 {offsets = [0, 0, 0], sizes = [64, 16, 128], strides = [1, 1, 1]} : vector<64x32x128xf32> to vector<64x16x128xf32>
    %slice3A_299 = vector.extract_strided_slice %select_n3A_291 {offsets = [0, 16, 0], sizes = [64, 16, 128], strides = [1, 1, 1]} : vector<64x32x128xf32> to vector<64x16x128xf32>
    %select_n3A_300 = arith.select %le3A_294, %slice3A_298, %slice3A_299 : vector<64x16x128xi1>, vector<64x16x128xf32>
    %slice3A_301 = vector.extract_strided_slice %select_n3A_300 {offsets = [0, 0, 0], sizes = [64, 8, 128], strides = [1, 1, 1]} : vector<64x16x128xf32> to vector<64x8x128xf32>
    %slice3A_302 = vector.extract_strided_slice %select_n3A_300 {offsets = [0, 8, 0], sizes = [64, 8, 128], strides = [1, 1, 1]} : vector<64x16x128xf32> to vector<64x8x128xf32>
    %le3A_303 = arith.cmpf ole, %slice3A_301, %slice3A_302 : vector<64x8x128xf32>
    %slice3A_304 = vector.extract_strided_slice %select_n3A_297 {offsets = [0, 0, 0], sizes = [64, 8, 128], strides = [1, 1, 1]} : vector<64x16x128xi32> to vector<64x8x128xi32>
    %slice3A_305 = vector.extract_strided_slice %select_n3A_297 {offsets = [0, 8, 0], sizes = [64, 8, 128], strides = [1, 1, 1]} : vector<64x16x128xi32> to vector<64x8x128xi32>
    %select_n3A_306 = arith.select %le3A_303, %slice3A_304, %slice3A_305 : vector<64x8x128xi1>, vector<64x8x128xi32>
    %slice3A_307 = vector.extract_strided_slice %select_n3A_300 {offsets = [0, 0, 0], sizes = [64, 8, 128], strides = [1, 1, 1]} : vector<64x16x128xf32> to vector<64x8x128xf32>
    %slice3A_308 = vector.extract_strided_slice %select_n3A_300 {offsets = [0, 8, 0], sizes = [64, 8, 128], strides = [1, 1, 1]} : vector<64x16x128xf32> to vector<64x8x128xf32>
    %select_n3A_309 = arith.select %le3A_303, %slice3A_307, %slice3A_308 : vector<64x8x128xi1>, vector<64x8x128xf32>
    %slice3A_310 = vector.extract_strided_slice %select_n3A_309 {offsets = [0, 0, 0], sizes = [64, 4, 128], strides = [1, 1, 1]} : vector<64x8x128xf32> to vector<64x4x128xf32>
    %slice3A_311 = vector.extract_strided_slice %select_n3A_309 {offsets = [0, 4, 0], sizes = [64, 4, 128], strides = [1, 1, 1]} : vector<64x8x128xf32> to vector<64x4x128xf32>
    %le3A_312 = arith.cmpf ole, %slice3A_310, %slice3A_311 : vector<64x4x128xf32>
    %slice3A_313 = vector.extract_strided_slice %select_n3A_306 {offsets = [0, 0, 0], sizes = [64, 4, 128], strides = [1, 1, 1]} : vector<64x8x128xi32> to vector<64x4x128xi32>
    %slice3A_314 = vector.extract_strided_slice %select_n3A_306 {offsets = [0, 4, 0], sizes = [64, 4, 128], strides = [1, 1, 1]} : vector<64x8x128xi32> to vector<64x4x128xi32>
    %select_n3A_315 = arith.select %le3A_312, %slice3A_313, %slice3A_314 : vector<64x4x128xi1>, vector<64x4x128xi32>
    %slice3A_316 = vector.extract_strided_slice %select_n3A_309 {offsets = [0, 0, 0], sizes = [64, 4, 128], strides = [1, 1, 1]} : vector<64x8x128xf32> to vector<64x4x128xf32>
    %slice3A_317 = vector.extract_strided_slice %select_n3A_309 {offsets = [0, 4, 0], sizes = [64, 4, 128], strides = [1, 1, 1]} : vector<64x8x128xf32> to vector<64x4x128xf32>
    %select_n3A_318 = arith.select %le3A_312, %slice3A_316, %slice3A_317 : vector<64x4x128xi1>, vector<64x4x128xf32>
    %slice3A_319 = vector.extract_strided_slice %select_n3A_318 {offsets = [0, 0, 0], sizes = [64, 2, 128], strides = [1, 1, 1]} : vector<64x4x128xf32> to vector<64x2x128xf32>
    %slice3A_320 = vector.extract_strided_slice %select_n3A_318 {offsets = [0, 2, 0], sizes = [64, 2, 128], strides = [1, 1, 1]} : vector<64x4x128xf32> to vector<64x2x128xf32>
    %le3A_321 = arith.cmpf ole, %slice3A_319, %slice3A_320 : vector<64x2x128xf32>
    %slice3A_322 = vector.extract_strided_slice %select_n3A_315 {offsets = [0, 0, 0], sizes = [64, 2, 128], strides = [1, 1, 1]} : vector<64x4x128xi32> to vector<64x2x128xi32>
    %slice3A_323 = vector.extract_strided_slice %select_n3A_315 {offsets = [0, 2, 0], sizes = [64, 2, 128], strides = [1, 1, 1]} : vector<64x4x128xi32> to vector<64x2x128xi32>
    %select_n3A_324 = arith.select %le3A_321, %slice3A_322, %slice3A_323 : vector<64x2x128xi1>, vector<64x2x128xi32>
    %slice3A_325 = vector.extract_strided_slice %select_n3A_318 {offsets = [0, 0, 0], sizes = [64, 2, 128], strides = [1, 1, 1]} : vector<64x4x128xf32> to vector<64x2x128xf32>
    %slice3A_326 = vector.extract_strided_slice %select_n3A_318 {offsets = [0, 2, 0], sizes = [64, 2, 128], strides = [1, 1, 1]} : vector<64x4x128xf32> to vector<64x2x128xf32>
    %select_n3A_327 = arith.select %le3A_321, %slice3A_325, %slice3A_326 : vector<64x2x128xi1>, vector<64x2x128xf32>
    %slice3A_328 = vector.extract_strided_slice %select_n3A_327 {offsets = [0, 0, 0], sizes = [64, 1, 128], strides = [1, 1, 1]} : vector<64x2x128xf32> to vector<64x1x128xf32>
    %slice3A_329 = vector.extract_strided_slice %select_n3A_327 {offsets = [0, 1, 0], sizes = [64, 1, 128], strides = [1, 1, 1]} : vector<64x2x128xf32> to vector<64x1x128xf32>
    %le3A_330 = arith.cmpf ole, %slice3A_328, %slice3A_329 : vector<64x1x128xf32>
    %slice3A_331 = vector.extract_strided_slice %select_n3A_324 {offsets = [0, 0, 0], sizes = [64, 1, 128], strides = [1, 1, 1]} : vector<64x2x128xi32> to vector<64x1x128xi32>
    %slice3A_332 = vector.extract_strided_slice %select_n3A_324 {offsets = [0, 1, 0], sizes = [64, 1, 128], strides = [1, 1, 1]} : vector<64x2x128xi32> to vector<64x1x128xi32>
    %select_n3A_333 = arith.select %le3A_330, %slice3A_331, %slice3A_332 : vector<64x1x128xi1>, vector<64x1x128xi32>
    %slice3A_334 = vector.extract_strided_slice %select_n3A_327 {offsets = [0, 0, 0], sizes = [64, 1, 128], strides = [1, 1, 1]} : vector<64x2x128xf32> to vector<64x1x128xf32>
    %slice3A_335 = vector.extract_strided_slice %select_n3A_327 {offsets = [0, 1, 0], sizes = [64, 1, 128], strides = [1, 1, 1]} : vector<64x2x128xf32> to vector<64x1x128xf32>
    %select_n3A_336 = arith.select %le3A_330, %slice3A_334, %slice3A_335 : vector<64x1x128xi1>, vector<64x1x128xf32>
    %squeeze3A_337 = vector.shape_cast %select_n3A_336 : vector<64x1x128xf32> to vector<64x128xf32>
    %squeeze3A_338 = vector.shape_cast %select_n3A_333 : vector<64x1x128xi32> to vector<64x128xi32>
    %concatenate3A = tpu.concatenate %squeeze3A, %squeeze3A_151, %squeeze3A_213, %squeeze3A_275, %squeeze3A_337 in 1 : vector<64x128xf32>, vector<64x128xf32>, vector<64x128xf32>, vector<64x128xf32>, vector<64x128xf32> -> vector<64x640xf32>
    %swap3A = arith.constant 0 : index
    %swap3A_339 = arith.constant 0 : index
    %swap3A_340 = arith.constant 0 : index
    %swap3A_341 = vector.load %arg4[%swap3A, %swap3A_339, %swap3A_340] : memref<1x64x640xf32, #tpu.memory_space<vmem>>, vector<1x64x640xf32>
    %swap3A_342 = vector.shape_cast %swap3A_341 : vector<1x64x640xf32> to vector<64x640xf32>
    %swap3A_343 = vector.shape_cast %concatenate3A : vector<64x640xf32> to vector<1x64x640xf32>
    tpu.vector_store %arg4[%swap3A, %swap3A_339, %swap3A_340], %swap3A_343 {strides = array<i32>} : memref<1x64x640xf32, #tpu.memory_space<vmem>>, vector<1x64x640xf32>,
    %concatenate3A_344 = tpu.concatenate %squeeze3A_93, %squeeze3A_152, %squeeze3A_214, %squeeze3A_276, %squeeze3A_338 in 1 : vector<64x128xi32>, vector<64x128xi32>, vector<64x128xi32>, vector<64x128xi32>, vector<64x128xi32> -> vector<64x640xi32>
    %swap3A_345 = arith.constant 0 : index
    %swap3A_346 = arith.constant 0 : index
    %swap3A_347 = arith.constant 0 : index
    %swap3A_348 = vector.load %arg5[%swap3A_345, %swap3A_346, %swap3A_347] : memref<1x64x640xi32, #tpu.memory_space<vmem>>, vector<1x64x640xi32>
    %swap3A_349 = vector.shape_cast %swap3A_348 : vector<1x64x640xi32> to vector<64x640xi32>
    %swap3A_350 = vector.shape_cast %concatenate3A_344 : vector<64x640xi32> to vector<1x64x640xi32>
    tpu.vector_store %arg5[%swap3A_345, %swap3A_346, %swap3A_347], %swap3A_350 {strides = array<i32>} : memref<1x64x640xi32, #tpu.memory_space<vmem>>, vector<1x64x640xi32>,
    return
  }
  func.func @transform_0(%arg0: i32, %arg1: i32) -> (i32, i32, i32) {
    %c0_i32 = arith.constant 0 : i32
    %c0_i32_0 = arith.constant 0 : i32
    return %arg0, %arg1, %c0_i32 : i32, i32, i32
  }
  func.func @transform_1(%arg0: i32, %arg1: i32) -> (i32, i32, i32) {
    %c0_i32 = arith.constant 0 : i32
    %c0_i32_0 = arith.constant 0 : i32
    %c0_i32_1 = arith.constant 0 : i32
    return %arg0, %c0_i32, %c0_i32_0 : i32, i32, i32
  }
  func.func @transform_2(%arg0: i32, %arg1: i32) -> (i32, i32, i32) {
    %c0_i32 = arith.constant 0 : i32
    %c0_i32_0 = arith.constant 0 : i32
    return %arg0, %arg1, %c0_i32 : i32, i32, i32
  }
  func.func @transform_3(%arg0: i32, %arg1: i32) -> (i32, i32, i32) {
    %c0_i32 = arith.constant 0 : i32
    %c0_i32_0 = arith.constant 0 : i32
    return %arg0, %arg1, %c0_i32 : i32, i32, i32
  }
}

module attributes {stable_mosaic.version = 14 : i64} {
  func.func @_pass1_body(%arg0: i32, %arg1: memref<2048x8xf32, #tpu.memory_space<vmem>>, %arg2: memref<8x128xf32, #tpu.memory_space<vmem>>, %arg3: memref<1x128xf32, #tpu.memory_space<vmem>>, %arg4: memref<1x128xf32, #tpu.memory_space<vmem>>, %arg5: memref<128x256xbf16, #tpu.memory_space<vmem>>, %arg6: memref<1x256xf32, #tpu.memory_space<vmem>>, %arg7: memref<256x512xbf16, #tpu.memory_space<vmem>>, %arg8: memref<256x512xbf16, #tpu.memory_space<vmem>>, %arg9: memref<1x512xf32, #tpu.memory_space<vmem>>, %arg10: memref<8x512xf32, #tpu.memory_space<vmem>>) attributes {dimension_semantics = [#tpu.dimension_semantics<arbitrary>], iteration_bounds = array<i64: 64>, scalar_prefetch = 0 : i64, scratch_operands = 0 : i64, tpu.core_type = #tpu.core_type<tc>, window_params = [{transform_indices = @transform_0, window_bounds = array<i64: 2048, 8>}, {pipeline_mode = #tpu.pipeline_mode<synchronous>, transform_indices = @transform_1, window_bounds = array<i64: 8, 128>}, {pipeline_mode = #tpu.pipeline_mode<synchronous>, transform_indices = @transform_2, window_bounds = array<i64: 1, 128>}, {pipeline_mode = #tpu.pipeline_mode<synchronous>, transform_indices = @transform_3, window_bounds = array<i64: 1, 128>}, {pipeline_mode = #tpu.pipeline_mode<synchronous>, transform_indices = @transform_4, window_bounds = array<i64: 128, 256>}, {pipeline_mode = #tpu.pipeline_mode<synchronous>, transform_indices = @transform_5, window_bounds = array<i64: 1, 256>}, {pipeline_mode = #tpu.pipeline_mode<synchronous>, transform_indices = @transform_6, window_bounds = array<i64: 256, 512>}, {pipeline_mode = #tpu.pipeline_mode<synchronous>, transform_indices = @transform_7, window_bounds = array<i64: 256, 512>}, {pipeline_mode = #tpu.pipeline_mode<synchronous>, transform_indices = @transform_8, window_bounds = array<i64: 1, 512>}, {pipeline_mode = #tpu.pipeline_mode<synchronous>, transform_indices = @transform_9, window_bounds = array<i64: 8, 512>}]} {
    %get3A = arith.constant 0 : index
    %get3A_0 = arith.constant 0 : index
    %get3A_1 = vector.load %arg1[%get3A, %get3A_0] : memref<2048x8xf32, #tpu.memory_space<vmem>>, vector<2048x8xf32>
    %get3A_2 = arith.constant 0 : index
    %get3A_3 = arith.constant 0 : index
    %get3A_4 = vector.load %arg2[%get3A_2, %get3A_3] : memref<8x128xf32, #tpu.memory_space<vmem>>, vector<8x128xf32>
    %dot_general3A = arith.constant dense<0.000000e+00> : vector<2048x128xf32>
    %dot_general3A_5 = tpu.matmul %get3A_1, %get3A_4, %dot_general3A {dimension_numbers = #tpu.dot_dimension_numbers<[1], [0], [0], [1], [0, 0, 1, 1], [], []>, transpose_lhs_hint = false} : vector<2048x8xf32>, vector<8x128xf32>, vector<2048x128xf32> -> vector<2048x128xf32>
    %get3A_6 = arith.constant 0 : index
    %get3A_7 = arith.constant 0 : index
    %get3A_8 = vector.load %arg3[%get3A_6, %get3A_7] : memref<1x128xf32, #tpu.memory_space<vmem>>, vector<1x128xf32>
    %mul3A = vector.broadcast %get3A_8 : vector<1x128xf32> to vector<2048x128xf32>
    %mul3A_9 = arith.mulf %dot_general3A_5, %mul3A : vector<2048x128xf32>
    %get3A_10 = arith.constant 0 : index
    %get3A_11 = arith.constant 0 : index
    %get3A_12 = vector.load %arg4[%get3A_10, %get3A_11] : memref<1x128xf32, #tpu.memory_space<vmem>>, vector<1x128xf32>
    %add3A = vector.broadcast %get3A_12 : vector<1x128xf32> to vector<2048x128xf32>
    %add3A_13 = arith.addf %mul3A_9, %add3A : vector<2048x128xf32>
    %max3A = arith.constant 0.000000e+00 : f32
    %max3A_14 = vector.broadcast %max3A : f32 to vector<2048x128xf32>
    %max3A_15 = arith.maximumf %add3A_13, %max3A_14 : vector<2048x128xf32>
    %convert_element_type3A = arith.truncf %max3A_15 : vector<2048x128xf32> to vector<2048x128xbf16>
    %get3A_16 = arith.constant 0 : index
    %get3A_17 = arith.constant 0 : index
    %get3A_18 = vector.load %arg5[%get3A_16, %get3A_17] : memref<128x256xbf16, #tpu.memory_space<vmem>>, vector<128x256xbf16>
    %dot_general3A_19 = arith.constant dense<0.000000e+00> : vector<2048x256xf32>
    %dot_general3A_20 = tpu.matmul %convert_element_type3A, %get3A_18, %dot_general3A_19 {dimension_numbers = #tpu.dot_dimension_numbers<[1], [0], [0], [1], [0, 0, 1, 1], [], []>, transpose_lhs_hint = false} : vector<2048x128xbf16>, vector<128x256xbf16>, vector<2048x256xf32> -> vector<2048x256xf32>
    %get3A_21 = arith.constant 0 : index
    %get3A_22 = arith.constant 0 : index
    %get3A_23 = vector.load %arg6[%get3A_21, %get3A_22] : memref<1x256xf32, #tpu.memory_space<vmem>>, vector<1x256xf32>
    %add3A_24 = vector.broadcast %get3A_23 : vector<1x256xf32> to vector<2048x256xf32>
    %add3A_25 = arith.addf %dot_general3A_20, %add3A_24 : vector<2048x256xf32>
    %reshape3A = vector.shape_cast %add3A_25 : vector<2048x256xf32> to vector<64x32x256xf32>
    %reduce_max3A = arith.constant dense<0xFF800000> : vector<64x256xf32>
    %reduce_max3A_26 = vector.multi_reduction <maximumf>, %reshape3A, %reduce_max3A [1] : vector<64x32x256xf32> to vector<64x256xf32>
    %convert_element_type3A_27 = arith.truncf %reduce_max3A_26 : vector<64x256xf32> to vector<64x256xbf16>
    %get3A_28 = arith.constant 0 : index
    %get3A_29 = arith.constant 0 : index
    %get3A_30 = vector.load %arg7[%get3A_28, %get3A_29] : memref<256x512xbf16, #tpu.memory_space<vmem>>, vector<256x512xbf16>
    %dot_general3A_31 = arith.constant dense<0.000000e+00> : vector<64x512xf32>
    %dot_general3A_32 = tpu.matmul %convert_element_type3A_27, %get3A_30, %dot_general3A_31 {dimension_numbers = #tpu.dot_dimension_numbers<[1], [0], [0], [1], [0, 0, 1, 1], [], []>, transpose_lhs_hint = false} : vector<64x256xbf16>, vector<256x512xbf16>, vector<64x512xf32> -> vector<64x512xf32>
    %convert_element_type3A_33 = arith.truncf %add3A_25 : vector<2048x256xf32> to vector<2048x256xbf16>
    %get3A_34 = arith.constant 0 : index
    %get3A_35 = arith.constant 0 : index
    %get3A_36 = vector.load %arg8[%get3A_34, %get3A_35] : memref<256x512xbf16, #tpu.memory_space<vmem>>, vector<256x512xbf16>
    %dot_general3A_37 = arith.constant dense<0.000000e+00> : vector<2048x512xf32>
    %dot_general3A_38 = tpu.matmul %convert_element_type3A_33, %get3A_36, %dot_general3A_37 {dimension_numbers = #tpu.dot_dimension_numbers<[1], [0], [0], [1], [0, 0, 1, 1], [], []>, transpose_lhs_hint = false} : vector<2048x256xbf16>, vector<256x512xbf16>, vector<2048x512xf32> -> vector<2048x512xf32>
    %get3A_39 = arith.constant 0 : index
    %get3A_40 = arith.constant 0 : index
    %get3A_41 = vector.load %arg9[%get3A_39, %get3A_40] : memref<1x512xf32, #tpu.memory_space<vmem>>, vector<1x512xf32>
    %add3A_42 = vector.broadcast %get3A_41 : vector<1x512xf32> to vector<2048x512xf32>
    %add3A_43 = arith.addf %dot_general3A_38, %add3A_42 : vector<2048x512xf32>
    %reshape3A_44 = vector.shape_cast %dot_general3A_32 : vector<64x512xf32> to vector<64x1x512xf32>
    %broadcast_in_dim3A = vector.shape_cast %reshape3A_44 : vector<64x1x512xf32> to vector<64x1x512xf32>
    %broadcast_in_dim3A_45 = vector.broadcast %broadcast_in_dim3A : vector<64x1x512xf32> to vector<64x32x512xf32>
    %reshape3A_46 = vector.shape_cast %broadcast_in_dim3A_45 : vector<64x32x512xf32> to vector<2048x512xf32>
    %add3A_47 = arith.addf %add3A_43, %reshape3A_46 : vector<2048x512xf32>
    %reduce_sum3A = arith.constant dense<0.000000e+00> : vector<512xf32>
    %reduce_sum3A_48 = vector.multi_reduction <add>, %add3A_47, %reduce_sum3A [0] : vector<2048x512xf32> to vector<512xf32>
    %broadcast_in_dim3A_49 = vector.shape_cast %reduce_sum3A_48 : vector<512xf32> to vector<1x512xf32>
    %mul3A_50 = arith.mulf %add3A_47, %add3A_47 : vector<2048x512xf32>
    %reduce_sum3A_51 = arith.constant dense<0.000000e+00> : vector<512xf32>
    %reduce_sum3A_52 = vector.multi_reduction <add>, %mul3A_50, %reduce_sum3A_51 [0] : vector<2048x512xf32> to vector<512xf32>
    %broadcast_in_dim3A_53 = vector.shape_cast %reduce_sum3A_52 : vector<512xf32> to vector<1x512xf32>
    %concatenate3A = tpu.concatenate %broadcast_in_dim3A_49, %broadcast_in_dim3A_53 in 0 : vector<1x512xf32>, vector<1x512xf32> -> vector<2x512xf32>
    %eq3A = arith.constant 0 : i32
    %eq3A_54 = arith.cmpi eq, %arg0, %eq3A : i32
    %convert_element_type3A_55 = arith.extui %eq3A_54 : i1 to i32
    %cond3A = arith.constant 0 : i32
    %cond3A_56 = arith.cmpi ne, %convert_element_type3A_55, %cond3A : i32
    scf.if %cond3A_56 {
      %broadcast_in_dim3A_63 = arith.constant 0.000000e+00 : f32
      %broadcast_in_dim3A_64 = vector.broadcast %broadcast_in_dim3A_63 : f32 to vector<8x512xf32>
      %swap3A_65 = arith.constant 0 : index
      %swap3A_66 = arith.constant 0 : index
      %swap3A_67 = vector.load %arg10[%swap3A_65, %swap3A_66] : memref<8x512xf32, #tpu.memory_space<vmem>>, vector<8x512xf32>
      tpu.vector_store %arg10[%swap3A_65, %swap3A_66], %broadcast_in_dim3A_64 {strides = array<i32>} : memref<8x512xf32, #tpu.memory_space<vmem>>, vector<8x512xf32>,
    } else {
    }
    %get3A_57 = arith.constant 0 : index
    %get3A_58 = arith.constant 0 : index
    %get3A_59 = vector.load %arg10[%get3A_57, %get3A_58] : memref<8x512xf32, #tpu.memory_space<vmem>>, vector<2x512xf32>
    %add3A_60 = arith.addf %get3A_59, %concatenate3A : vector<2x512xf32>
    %swap3A = arith.constant 0 : index
    %swap3A_61 = arith.constant 0 : index
    %swap3A_62 = vector.load %arg10[%swap3A, %swap3A_61] : memref<8x512xf32, #tpu.memory_space<vmem>>, vector<2x512xf32>
    tpu.vector_store %arg10[%swap3A, %swap3A_61], %add3A_60 {strides = array<i32>} : memref<8x512xf32, #tpu.memory_space<vmem>>, vector<2x512xf32>,
    return
  }
  func.func @transform_0(%arg0: i32) -> (i32, i32) {
    %c0_i32 = arith.constant 0 : i32
    %c0_i32_0 = arith.constant 0 : i32
    return %arg0, %c0_i32 : i32, i32
  }
  func.func @transform_1(%arg0: i32) -> (i32, i32) {
    %c0_i32 = arith.constant 0 : i32
    %c0_i32_0 = arith.constant 0 : i32
    %c0_i32_1 = arith.constant 0 : i32
    return %c0_i32, %c0_i32_0 : i32, i32
  }
  func.func @transform_2(%arg0: i32) -> (i32, i32) {
    %c0_i32 = arith.constant 0 : i32
    %c0_i32_0 = arith.constant 0 : i32
    %c0_i32_1 = arith.constant 0 : i32
    return %c0_i32, %c0_i32_0 : i32, i32
  }
  func.func @transform_3(%arg0: i32) -> (i32, i32) {
    %c0_i32 = arith.constant 0 : i32
    %c0_i32_0 = arith.constant 0 : i32
    %c0_i32_1 = arith.constant 0 : i32
    return %c0_i32, %c0_i32_0 : i32, i32
  }
  func.func @transform_4(%arg0: i32) -> (i32, i32) {
    %c0_i32 = arith.constant 0 : i32
    %c0_i32_0 = arith.constant 0 : i32
    %c0_i32_1 = arith.constant 0 : i32
    return %c0_i32, %c0_i32_0 : i32, i32
  }
  func.func @transform_5(%arg0: i32) -> (i32, i32) {
    %c0_i32 = arith.constant 0 : i32
    %c0_i32_0 = arith.constant 0 : i32
    %c0_i32_1 = arith.constant 0 : i32
    return %c0_i32, %c0_i32_0 : i32, i32
  }
  func.func @transform_6(%arg0: i32) -> (i32, i32) {
    %c0_i32 = arith.constant 0 : i32
    %c0_i32_0 = arith.constant 0 : i32
    %c0_i32_1 = arith.constant 0 : i32
    return %c0_i32, %c0_i32_0 : i32, i32
  }
  func.func @transform_7(%arg0: i32) -> (i32, i32) {
    %c0_i32 = arith.constant 0 : i32
    %c0_i32_0 = arith.constant 0 : i32
    %c0_i32_1 = arith.constant 0 : i32
    return %c0_i32, %c0_i32_0 : i32, i32
  }
  func.func @transform_8(%arg0: i32) -> (i32, i32) {
    %c0_i32 = arith.constant 0 : i32
    %c0_i32_0 = arith.constant 0 : i32
    %c0_i32_1 = arith.constant 0 : i32
    return %c0_i32, %c0_i32_0 : i32, i32
  }
  func.func @transform_9(%arg0: i32) -> (i32, i32) {
    %c0_i32 = arith.constant 0 : i32
    %c0_i32_0 = arith.constant 0 : i32
    %c0_i32_1 = arith.constant 0 : i32
    return %c0_i32, %c0_i32_0 : i32, i32
  }
}

module attributes {stable_mosaic.version = 14 : i64} {
  func.func @_pass2_body(%arg0: i32, %arg1: memref<2048x8xf32, #tpu.memory_space<vmem>>, %arg2: memref<8x128xf32, #tpu.memory_space<vmem>>, %arg3: memref<1x128xf32, #tpu.memory_space<vmem>>, %arg4: memref<1x128xf32, #tpu.memory_space<vmem>>, %arg5: memref<128x256xbf16, #tpu.memory_space<vmem>>, %arg6: memref<1x256xf32, #tpu.memory_space<vmem>>, %arg7: memref<256x512xbf16, #tpu.memory_space<vmem>>, %arg8: memref<256x512xbf16, #tpu.memory_space<vmem>>, %arg9: memref<1x512xf32, #tpu.memory_space<vmem>>, %arg10: memref<1x512xf32, #tpu.memory_space<vmem>>, %arg11: memref<1x512xf32, #tpu.memory_space<vmem>>, %arg12: memref<512x384xbf16, #tpu.memory_space<vmem>>, %arg13: memref<1x384xf32, #tpu.memory_space<vmem>>, %arg14: memref<64x384xf32, #tpu.memory_space<vmem>>) attributes {dimension_semantics = [#tpu.dimension_semantics<arbitrary>], iteration_bounds = array<i64: 64>, scalar_prefetch = 0 : i64, scratch_operands = 0 : i64, tpu.core_type = #tpu.core_type<tc>, window_params = [{transform_indices = @transform_0, window_bounds = array<i64: 2048, 8>}, {pipeline_mode = #tpu.pipeline_mode<synchronous>, transform_indices = @transform_1, window_bounds = array<i64: 8, 128>}, {pipeline_mode = #tpu.pipeline_mode<synchronous>, transform_indices = @transform_2, window_bounds = array<i64: 1, 128>}, {pipeline_mode = #tpu.pipeline_mode<synchronous>, transform_indices = @transform_3, window_bounds = array<i64: 1, 128>}, {pipeline_mode = #tpu.pipeline_mode<synchronous>, transform_indices = @transform_4, window_bounds = array<i64: 128, 256>}, {pipeline_mode = #tpu.pipeline_mode<synchronous>, transform_indices = @transform_5, window_bounds = array<i64: 1, 256>}, {pipeline_mode = #tpu.pipeline_mode<synchronous>, transform_indices = @transform_6, window_bounds = array<i64: 256, 512>}, {pipeline_mode = #tpu.pipeline_mode<synchronous>, transform_indices = @transform_7, window_bounds = array<i64: 256, 512>}, {pipeline_mode = #tpu.pipeline_mode<synchronous>, transform_indices = @transform_8, window_bounds = array<i64: 1, 512>}, {pipeline_mode = #tpu.pipeline_mode<synchronous>, transform_indices = @transform_9, window_bounds = array<i64: 1, 512>}, {pipeline_mode = #tpu.pipeline_mode<synchronous>, transform_indices = @transform_10, window_bounds = array<i64: 1, 512>}, {pipeline_mode = #tpu.pipeline_mode<synchronous>, transform_indices = @transform_11, window_bounds = array<i64: 512, 384>}, {pipeline_mode = #tpu.pipeline_mode<synchronous>, transform_indices = @transform_12, window_bounds = array<i64: 1, 384>}, {transform_indices = @transform_13, window_bounds = array<i64: 64, 384>}]} {
    %get3A = arith.constant 0 : index
    %get3A_0 = arith.constant 0 : index
    %get3A_1 = vector.load %arg1[%get3A, %get3A_0] : memref<2048x8xf32, #tpu.memory_space<vmem>>, vector<2048x8xf32>
    %get3A_2 = arith.constant 0 : index
    %get3A_3 = arith.constant 0 : index
    %get3A_4 = vector.load %arg2[%get3A_2, %get3A_3] : memref<8x128xf32, #tpu.memory_space<vmem>>, vector<8x128xf32>
    %dot_general3A = arith.constant dense<0.000000e+00> : vector<2048x128xf32>
    %dot_general3A_5 = tpu.matmul %get3A_1, %get3A_4, %dot_general3A {dimension_numbers = #tpu.dot_dimension_numbers<[1], [0], [0], [1], [0, 0, 1, 1], [], []>, transpose_lhs_hint = false} : vector<2048x8xf32>, vector<8x128xf32>, vector<2048x128xf32> -> vector<2048x128xf32>
    %get3A_6 = arith.constant 0 : index
    %get3A_7 = arith.constant 0 : index
    %get3A_8 = vector.load %arg3[%get3A_6, %get3A_7] : memref<1x128xf32, #tpu.memory_space<vmem>>, vector<1x128xf32>
    %mul3A = vector.broadcast %get3A_8 : vector<1x128xf32> to vector<2048x128xf32>
    %mul3A_9 = arith.mulf %dot_general3A_5, %mul3A : vector<2048x128xf32>
    %get3A_10 = arith.constant 0 : index
    %get3A_11 = arith.constant 0 : index
    %get3A_12 = vector.load %arg4[%get3A_10, %get3A_11] : memref<1x128xf32, #tpu.memory_space<vmem>>, vector<1x128xf32>
    %add3A = vector.broadcast %get3A_12 : vector<1x128xf32> to vector<2048x128xf32>
    %add3A_13 = arith.addf %mul3A_9, %add3A : vector<2048x128xf32>
    %max3A = arith.constant 0.000000e+00 : f32
    %max3A_14 = vector.broadcast %max3A : f32 to vector<2048x128xf32>
    %max3A_15 = arith.maximumf %add3A_13, %max3A_14 : vector<2048x128xf32>
    %convert_element_type3A = arith.truncf %max3A_15 : vector<2048x128xf32> to vector<2048x128xbf16>
    %get3A_16 = arith.constant 0 : index
    %get3A_17 = arith.constant 0 : index
    %get3A_18 = vector.load %arg5[%get3A_16, %get3A_17] : memref<128x256xbf16, #tpu.memory_space<vmem>>, vector<128x256xbf16>
    %dot_general3A_19 = arith.constant dense<0.000000e+00> : vector<2048x256xf32>
    %dot_general3A_20 = tpu.matmul %convert_element_type3A, %get3A_18, %dot_general3A_19 {dimension_numbers = #tpu.dot_dimension_numbers<[1], [0], [0], [1], [0, 0, 1, 1], [], []>, transpose_lhs_hint = false} : vector<2048x128xbf16>, vector<128x256xbf16>, vector<2048x256xf32> -> vector<2048x256xf32>
    %get3A_21 = arith.constant 0 : index
    %get3A_22 = arith.constant 0 : index
    %get3A_23 = vector.load %arg6[%get3A_21, %get3A_22] : memref<1x256xf32, #tpu.memory_space<vmem>>, vector<1x256xf32>
    %add3A_24 = vector.broadcast %get3A_23 : vector<1x256xf32> to vector<2048x256xf32>
    %add3A_25 = arith.addf %dot_general3A_20, %add3A_24 : vector<2048x256xf32>
    %reshape3A = vector.shape_cast %add3A_25 : vector<2048x256xf32> to vector<64x32x256xf32>
    %reduce_max3A = arith.constant dense<0xFF800000> : vector<64x256xf32>
    %reduce_max3A_26 = vector.multi_reduction <maximumf>, %reshape3A, %reduce_max3A [1] : vector<64x32x256xf32> to vector<64x256xf32>
    %convert_element_type3A_27 = arith.truncf %reduce_max3A_26 : vector<64x256xf32> to vector<64x256xbf16>
    %get3A_28 = arith.constant 0 : index
    %get3A_29 = arith.constant 0 : index
    %get3A_30 = vector.load %arg7[%get3A_28, %get3A_29] : memref<256x512xbf16, #tpu.memory_space<vmem>>, vector<256x512xbf16>
    %dot_general3A_31 = arith.constant dense<0.000000e+00> : vector<64x512xf32>
    %dot_general3A_32 = tpu.matmul %convert_element_type3A_27, %get3A_30, %dot_general3A_31 {dimension_numbers = #tpu.dot_dimension_numbers<[1], [0], [0], [1], [0, 0, 1, 1], [], []>, transpose_lhs_hint = false} : vector<64x256xbf16>, vector<256x512xbf16>, vector<64x512xf32> -> vector<64x512xf32>
    %convert_element_type3A_33 = arith.truncf %add3A_25 : vector<2048x256xf32> to vector<2048x256xbf16>
    %get3A_34 = arith.constant 0 : index
    %get3A_35 = arith.constant 0 : index
    %get3A_36 = vector.load %arg8[%get3A_34, %get3A_35] : memref<256x512xbf16, #tpu.memory_space<vmem>>, vector<256x512xbf16>
    %dot_general3A_37 = arith.constant dense<0.000000e+00> : vector<2048x512xf32>
    %dot_general3A_38 = tpu.matmul %convert_element_type3A_33, %get3A_36, %dot_general3A_37 {dimension_numbers = #tpu.dot_dimension_numbers<[1], [0], [0], [1], [0, 0, 1, 1], [], []>, transpose_lhs_hint = false} : vector<2048x256xbf16>, vector<256x512xbf16>, vector<2048x512xf32> -> vector<2048x512xf32>
    %get3A_39 = arith.constant 0 : index
    %get3A_40 = arith.constant 0 : index
    %get3A_41 = vector.load %arg9[%get3A_39, %get3A_40] : memref<1x512xf32, #tpu.memory_space<vmem>>, vector<1x512xf32>
    %add3A_42 = vector.broadcast %get3A_41 : vector<1x512xf32> to vector<2048x512xf32>
    %add3A_43 = arith.addf %dot_general3A_38, %add3A_42 : vector<2048x512xf32>
    %reshape3A_44 = vector.shape_cast %dot_general3A_32 : vector<64x512xf32> to vector<64x1x512xf32>
    %broadcast_in_dim3A = vector.shape_cast %reshape3A_44 : vector<64x1x512xf32> to vector<64x1x512xf32>
    %broadcast_in_dim3A_45 = vector.broadcast %broadcast_in_dim3A : vector<64x1x512xf32> to vector<64x32x512xf32>
    %reshape3A_46 = vector.shape_cast %broadcast_in_dim3A_45 : vector<64x32x512xf32> to vector<2048x512xf32>
    %add3A_47 = arith.addf %add3A_43, %reshape3A_46 : vector<2048x512xf32>
    %get3A_48 = arith.constant 0 : index
    %get3A_49 = arith.constant 0 : index
    %get3A_50 = vector.load %arg10[%get3A_48, %get3A_49] : memref<1x512xf32, #tpu.memory_space<vmem>>, vector<1x512xf32>
    %mul3A_51 = vector.broadcast %get3A_50 : vector<1x512xf32> to vector<2048x512xf32>
    %mul3A_52 = arith.mulf %add3A_47, %mul3A_51 : vector<2048x512xf32>
    %get3A_53 = arith.constant 0 : index
    %get3A_54 = arith.constant 0 : index
    %get3A_55 = vector.load %arg11[%get3A_53, %get3A_54] : memref<1x512xf32, #tpu.memory_space<vmem>>, vector<1x512xf32>
    %add3A_56 = vector.broadcast %get3A_55 : vector<1x512xf32> to vector<2048x512xf32>
    %add3A_57 = arith.addf %mul3A_52, %add3A_56 : vector<2048x512xf32>
    %max3A_58 = arith.constant 0.000000e+00 : f32
    %max3A_59 = vector.broadcast %max3A_58 : f32 to vector<2048x512xf32>
    %max3A_60 = arith.maximumf %add3A_57, %max3A_59 : vector<2048x512xf32>
    %convert_element_type3A_61 = arith.truncf %max3A_60 : vector<2048x512xf32> to vector<2048x512xbf16>
    %get3A_62 = arith.constant 0 : index
    %get3A_63 = arith.constant 0 : index
    %get3A_64 = vector.load %arg12[%get3A_62, %get3A_63] : memref<512x384xbf16, #tpu.memory_space<vmem>>, vector<512x384xbf16>
    %dot_general3A_65 = arith.constant dense<0.000000e+00> : vector<2048x384xf32>
    %dot_general3A_66 = tpu.matmul %convert_element_type3A_61, %get3A_64, %dot_general3A_65 {dimension_numbers = #tpu.dot_dimension_numbers<[1], [0], [0], [1], [0, 0, 1, 1], [], []>, transpose_lhs_hint = false} : vector<2048x512xbf16>, vector<512x384xbf16>, vector<2048x384xf32> -> vector<2048x384xf32>
    %get3A_67 = arith.constant 0 : index
    %get3A_68 = arith.constant 0 : index
    %get3A_69 = vector.load %arg13[%get3A_67, %get3A_68] : memref<1x384xf32, #tpu.memory_space<vmem>>, vector<1x384xf32>
    %add3A_70 = vector.broadcast %get3A_69 : vector<1x384xf32> to vector<2048x384xf32>
    %add3A_71 = arith.addf %dot_general3A_66, %add3A_70 : vector<2048x384xf32>
    %reshape3A_72 = vector.shape_cast %add3A_71 : vector<2048x384xf32> to vector<64x32x384xf32>
    %reduce_max3A_73 = arith.constant dense<0xFF800000> : vector<64x384xf32>
    %reduce_max3A_74 = vector.multi_reduction <maximumf>, %reshape3A_72, %reduce_max3A_73 [1] : vector<64x32x384xf32> to vector<64x384xf32>
    %swap3A = arith.constant 0 : index
    %swap3A_75 = arith.constant 0 : index
    %swap3A_76 = vector.load %arg14[%swap3A, %swap3A_75] : memref<64x384xf32, #tpu.memory_space<vmem>>, vector<64x384xf32>
    tpu.vector_store %arg14[%swap3A, %swap3A_75], %reduce_max3A_74 {strides = array<i32>} : memref<64x384xf32, #tpu.memory_space<vmem>>, vector<64x384xf32>,
    return
  }
  func.func @transform_0(%arg0: i32) -> (i32, i32) {
    %c0_i32 = arith.constant 0 : i32
    %c0_i32_0 = arith.constant 0 : i32
    return %arg0, %c0_i32 : i32, i32
  }
  func.func @transform_1(%arg0: i32) -> (i32, i32) {
    %c0_i32 = arith.constant 0 : i32
    %c0_i32_0 = arith.constant 0 : i32
    %c0_i32_1 = arith.constant 0 : i32
    return %c0_i32, %c0_i32_0 : i32, i32
  }
  func.func @transform_2(%arg0: i32) -> (i32, i32) {
    %c0_i32 = arith.constant 0 : i32
    %c0_i32_0 = arith.constant 0 : i32
    %c0_i32_1 = arith.constant 0 : i32
    return %c0_i32, %c0_i32_0 : i32, i32
  }
  func.func @transform_3(%arg0: i32) -> (i32, i32) {
    %c0_i32 = arith.constant 0 : i32
    %c0_i32_0 = arith.constant 0 : i32
    %c0_i32_1 = arith.constant 0 : i32
    return %c0_i32, %c0_i32_0 : i32, i32
  }
  func.func @transform_4(%arg0: i32) -> (i32, i32) {
    %c0_i32 = arith.constant 0 : i32
    %c0_i32_0 = arith.constant 0 : i32
    %c0_i32_1 = arith.constant 0 : i32
    return %c0_i32, %c0_i32_0 : i32, i32
  }
  func.func @transform_5(%arg0: i32) -> (i32, i32) {
    %c0_i32 = arith.constant 0 : i32
    %c0_i32_0 = arith.constant 0 : i32
    %c0_i32_1 = arith.constant 0 : i32
    return %c0_i32, %c0_i32_0 : i32, i32
  }
  func.func @transform_6(%arg0: i32) -> (i32, i32) {
    %c0_i32 = arith.constant 0 : i32
    %c0_i32_0 = arith.constant 0 : i32
    %c0_i32_1 = arith.constant 0 : i32
    return %c0_i32, %c0_i32_0 : i32, i32
  }
  func.func @transform_7(%arg0: i32) -> (i32, i32) {
    %c0_i32 = arith.constant 0 : i32
    %c0_i32_0 = arith.constant 0 : i32
    %c0_i32_1 = arith.constant 0 : i32
    return %c0_i32, %c0_i32_0 : i32, i32
  }
  func.func @transform_8(%arg0: i32) -> (i32, i32) {
    %c0_i32 = arith.constant 0 : i32
    %c0_i32_0 = arith.constant 0 : i32
    %c0_i32_1 = arith.constant 0 : i32
    return %c0_i32, %c0_i32_0 : i32, i32
  }
  func.func @transform_9(%arg0: i32) -> (i32, i32) {
    %c0_i32 = arith.constant 0 : i32
    %c0_i32_0 = arith.constant 0 : i32
    %c0_i32_1 = arith.constant 0 : i32
    return %c0_i32, %c0_i32_0 : i32, i32
  }
  func.func @transform_10(%arg0: i32) -> (i32, i32) {
    %c0_i32 = arith.constant 0 : i32
    %c0_i32_0 = arith.constant 0 : i32
    %c0_i32_1 = arith.constant 0 : i32
    return %c0_i32, %c0_i32_0 : i32, i32
  }
  func.func @transform_11(%arg0: i32) -> (i32, i32) {
    %c0_i32 = arith.constant 0 : i32
    %c0_i32_0 = arith.constant 0 : i32
    %c0_i32_1 = arith.constant 0 : i32
    return %c0_i32, %c0_i32_0 : i32, i32
  }
  func.func @transform_12(%arg0: i32) -> (i32, i32) {
    %c0_i32 = arith.constant 0 : i32
    %c0_i32_0 = arith.constant 0 : i32
    %c0_i32_1 = arith.constant 0 : i32
    return %c0_i32, %c0_i32_0 : i32, i32
  }
  func.func @transform_13(%arg0: i32) -> (i32, i32) {
    %c0_i32 = arith.constant 0 : i32
    %c0_i32_0 = arith.constant 0 : i32
    return %arg0, %c0_i32 : i32, i32
  }
}

</mosaic_0001>

<sc_bundles>
// kernel: kernel.11.cloned.1.call-start
scs
__scs_entry_jumppad:
0x0: {  	(pc) =	sbr.rel $0x88, $3  }
0x1: {  	(tag) =	ssettag $0x0;
	lr =	simm.s32 $0x1  }
0x2: {  	[smem:$0x3F94] =	sst lr;
	_ =	strace $0xD0000000  }
0x3: {  	_ = 	snop  }
0x4: {  	_ = 	snop  }
0x5: {  	_ = 	snop  }
0x6: {  	_ = 	snop  }
0x7: {  	_ = 	snop  }
__scs_overlays_trampoline_lowered:
0x8: {  	[smem:$0x3FA3] =	sst s0  }
0x9: {  	[smem:$0x3FA4] =	sst s1  }
0xa: {  	[smem:$0x3FA5] =	sst s2  }
0xb: {  	[smem:$0x3FA6] =	sst s3  }
0xc: {  	[smem:$0x3FA7] =	sst s4  }
0xd: {  	[smem:$0x3FA8] =	sst s5  }
0xe: {  	[smem:$0x3FA9] =	sst s6  }
0xf: {  	[smem:$0x3FAA] =	sst s7  }
0x10: {  	[smem:$0x3FAB] =	sst s8  }
0x11: {  	[smem:$0x3FAC] =	sst s9;
	s0 =	simm.s32 @!p0 $0x0  }
0x12: {  	s1 =	sld [smem:$0x3F92];
	s0 =	simm.s32 @p0 $0x1  }
0x13: {  	[smem:$0x3FAD] =	sst s0;
	s0 =	simm.s32 @!p1 $0x0  }
0x14: {  	s2 =	sld [smem:$0x3F91];
	s0 =	simm.s32 @p1 $0x1  }
0x15: {  	[smem:$0x3FAE] =	sst s0;
	s0 =	simm.s32 @!p2 $0x0  }
0x16: {  	s3 =	sld [smem:$0x3FDB];
	s0 =	simm.s32 @p2 $0x1  }
0x17: {  	s4 =	simm.s32 $0x1BF5;
	[smem:$0x3FB0] =	sst s0  }
0x18: {  	s0 =	sld [smem:$0x3F93];
	_ =	swait.ge [sflag:s4], $0x0  }
0x19: {  	s7 =	sld [smem:$0x3F94]  }
0x1a: {  	s8 =	sadd.s32 $0xFFFFE003, lr  }
0x1b: {  	s9 =	sadd.s32 $0xFFFFFEF7, lr;
	s5 =	simm.s32 $0xFFFFFFFF;
	p2 =	slt.u32 s8, $0xFFFFF086  }
0x1c: {  	p1 =	slt.u32 s9, $0xF7A;
	s5 =	simm.s32 @!p2 $0x0  }
0x1d: {  	s5 =	simm.s32 @p1 $0x1;
	p0 =	seq.s32 s7, s2  }
0x1e: {  	s7 =	smul.u32 @!p0 $0xF7A, s2;
	p2 =	seq.s32 @!p0 s5, $0x0  }
0x1f: {  	s9 =	smul.u32 $0xF7A, s1;
	s8 =	simm.s32 @!p0 $0x1BF5;
	p2 =	por !p2, p0  }
0x20: {  	[sflag:s8] =	ssyncset.s32 @!p0 $0xFFFFF086;
	s6 =	sadd.s32 @!p0 s3, s7;
	s7 =	simm.s32 @!p0 $0x108  }
0x21: {  	s3 =	sadd.s32 s3, s9;
	s6 =	sadd.s32 @!p0 $0x88, s6;
	s7 =	simm.s32 @p2 $0x1082  }
0x22: {  	[simem:s7], [sflag:s8] =	dma.local @!p0 [hbm:s6], $0xF7A  }
0x23: {  	s9 =	sor.u32 $0xD0000000, s2;
	s6 =	simm.s32 $0x108;
	_ =	swait.ge @!p0 [sflag:s8], $0x0  }
0x24: {  	s3 =	sadd.s32 $0x88, s3;
	s6 =	simm.s32 @!p1 $0x1082;
	[sflag:s4] =	ssyncset.s32 $0xFFFFF086  }
0x25: {  	[simem:s6], [sflag:s4] =	dma.local [hbm:s3], $0xF7A  }
0x26: {  	[smem:$0x3F94] =	sst s1;
	(tag) =	ssettag s2;
	_ =	strace s9  }
0x27: {  	s1 =	sld [smem:$0x3FA4]  }
0x28: {  	s2 =	sld [smem:$0x3FA5]  }
0x29: {  	s4 =	sld [smem:$0x3FA7]  }
0x2a: {  	p0 =	seq.s32 s5, $0x0;
	s5 =	sld [smem:$0x3FA8]  }
0x2b: {  	s6 =	sld [smem:$0x3FA9]  }
0x2c: {  	s7 =	sld [smem:$0x3FAA]  }
0x2d: {  	s3 =	simm.s32 $0x108;
	s8 =	sld [smem:$0x3FAB]  }
0x2e: {  	s3 =	simm.s32 @!p0 $0x1082;
	s9 =	sld [smem:$0x3FAC]  }
0x2f: {  	lr =	sadd.s32 s0, s3;
	s0 =	sld [smem:$0x3FA3]  }
0x30: {  	s3 =	sld [smem:$0x3FA6]  }
0x31: {  	[smem:$0x3FAF] =	sst s10  }
0x32: {  	s10 =	sld [smem:$0x3FAD];
	_ =	sdelay $0x3  }
0x33: {  	p0 =	seq.s32 s10, $0x1;
	s10 =	sld [smem:$0x3FAF];
	_ =	sdelay $0x3  }
0x34: {  	[smem:$0x3FAF] =	sst s10  }
0x35: {  	s10 =	sld [smem:$0x3FAE];
	_ =	sdelay $0x3  }
0x36: {  	p1 =	seq.s32 s10, $0x1;
	s10 =	sld [smem:$0x3FAF];
	_ =	sdelay $0x3  }
0x37: {  	[smem:$0x3FAF] =	sst s10  }
0x38: {  	s10 =	sld [smem:$0x3FB0]  }
0x39: {  	_ = 	snop;
	(pc) =	sbr.ind lr, $3  }
0x3a: {  	_ = 	snop  }
0x3b: {  	_ = 	snop  }
0x3c: {  	p2 =	seq.s32 s10, $0x1;
	s10 =	sld [smem:$0x3FAF]  }
0x3d: {  	_ =	shalt  }
0x3e: {  	_ =	shalt  }
0x3f: {  	_ =	shalt  }
0x40: {  	_ =	shalt  }
0x41: {  	_ =	shalt  }
0x42: {  	_ =	shalt  }
0x43: {  	_ =	shalt  }
0x44: {  	_ =	shalt  }
0x45: {  	_ =	shalt  }
0x46: {  	_ =	shalt  }
0x47: {  	_ =	shalt  }
0x48: {  	_ =	shalt  }
0x49: {  	_ =	shalt  }
0x4a: {  	_ =	shalt  }
0x4b: {  	_ =	shalt  }
0x4c: {  	_ =	shalt  }
0x4d: {  	_ =	shalt  }
0x4e: {  	_ =	shalt  }
0x4f: {  	_ =	shalt  }
0x50: {  	_ =	shalt  }
0x51: {  	_ =	shalt  }
0x52: {  	_ =	shalt  }
0x53: {  	_ =	shalt  }
0x54: {  	_ =	shalt  }
0x55: {  	_ =	shalt  }
0x56: {  	_ =	shalt  }
0x57: {  	_ =	shalt  }
0x58: {  	_ =	shalt  }
0x59: {  	_ =	shalt  }
0x5a: {  	_ =	shalt  }
0x5b: {  	_ =	shalt  }
0x5c: {  	_ =	shalt  }
0x5d: {  	_ =	shalt  }
0x5e: {  	_ =	shalt  }
0x5f: {  	_ =	shalt  }
0x60: {  	_ =	shalt  }
0x61: {  	_ =	shalt  }
0x62: {  	_ =	shalt  }
0x63: {  	_ =	shalt  }
0x64: {  	_ =	shalt  }
0x65: {  	_ =	shalt  }
0x66: {  	_ =	shalt  }
0x67: {  	_ =	shalt  }
0x68: {  	_ =	shalt  }
0x69: {  	_ =	shalt  }
0x6a: {  	_ =	shalt  }
0x6b: {  	_ =	shalt  }
0x6c: {  	_ =	shalt  }
0x6d: {  	_ =	shalt  }
0x6e: {  	_ =	shalt  }
0x6f: {  	_ =	shalt  }
0x70: {  	_ =	shalt  }
0x71: {  	_ =	shalt  }
0x72: {  	_ =	shalt  }
0x73: {  	_ =	shalt  }
0x74: {  	_ =	shalt  }
0x75: {  	_ =	shalt  }
0x76: {  	_ =	shalt  }
0x77: {  	_ =	shalt  }
0x78: {  	_ =	shalt  }
0x79: {  	_ =	shalt  }
0x7a: {  	_ =	shalt  }
0x7b: {  	_ =	shalt  }
0x7c: {  	_ =	shalt  }
0x7d: {  	_ =	shalt  }
0x7e: {  	_ =	shalt  }
0x7f: {  	_ =	shalt  }
0x80: {  	_ =	shalt  }
0x81: {  	_ =	shalt  }
0x82: {  	_ =	shalt  }
0x83: {  	_ =	shalt  }
0x84: {  	_ =	shalt  }
0x85: {  	_ =	shalt  }
0x86: {  	_ =	shalt  }
0x87: {  	_ =	shalt  }
.Lfunc_end0:
.L_simem_size_0:
called_computation.1_lowered:
.L_overlay_start_0:
0x88: {  	s2 =	sld [smem:$0x3FD9]  }
0x89: {  	s3 =	sld [smem:$0x3FFE];
	_ =	sdelay $0x1  }
0x8a: {  	s1 =	srdreg.scid  }
0x8b: {  	s0 =	sand.u32 $0x1, s1  }
0x8c: {  	s17 =	sshll.u32 s0, $0xA;
	s2 =	sadd.s32 s3, s2  }
0x8d: {  	s2 =	sadd.s32 s2, s17  }
0x8e: {  	[smem:$0x3FBB] =	sst s2  }
0x8f: {  	_ = 	snop  }
0x90: {  	s2 =	sld [smem:$0x3FD0];
	(tm) =	ssettm $0x1  }
0x91: {  	s18 =	sld [smem:$0x3FFB];
	_ =	sdelay $0x3  }
0x92: {  	_ =	strace s18  }
0x93: {  	s3 =	sld [smem:$0x3FFC];
	_ =	sdelay $0x3  }
0x94: {  	_ =	strace s3  }
0x95: {  	s3 =	sld [smem:$0x3FFD];
	_ =	sdelay $0x3  }
0x96: {  	_ =	strace s3  }
0x97: {  	_ =	strace $0x8FFFFFFF  }
0x98: {  	s19 =	sld [smem:$0x3FDB];
	_ =	sdelay $0x1  }
0x99: {  	s4 =	simm.s32 $_scs_section_size  }
0x9a: {  	s5 =	simm.s32 $_size__tile_overlayer_lowered;
	s6 =	simm.s32 $_tile_overlayer_lowered  }
0x9b: {  	s22 =	simm.s32 $0x1BFF;
	s21 =	sshll.u32 s6, $0x1;
	s3 =	sadd.s32 s4, s19  }
0x9c: {  	s7 =	simm.s32 $0x0;
	s20 =	sshll.u32 s5, $0x1;
	s5 =	sadd.s32 s21, s3  }
0x9d: {  	[timem:s7], [sflag:s22] =	dma.local [hbm:s5], s20  }
0x9e: {  	_ =	swait.ge [sflag:s22], s20  }
0x9f: {  	s4 =	ssub.s32 $0x0, s20;
	[sflag:s22] =	ssyncset.done $0x0  }
0xa0: {  	[sflag:s22] =	ssyncadd.s32 s4;
	_ =	sdelay $0x1  }
0xa1: {  	s23 =	simm.s32 $0x1B8B  }
0xa2: {  	_ =	swait.ge [sflag:s23], $0x1  }
0xa3: {  	[sflag:s23] =	ssyncset.done $0x0  }
0xa4: {  	s25 =	simm.s32 $0x1B8E;
	s24 =	sld [smem:$0x3FFE];
	[sflag:s23] =	ssyncadd.s32 $0xFFFFFFFF  }
0xa5: {  	s26 =	simm.s32 $execute0_lowered;
	[smem:$0x3FD2] =	sst s25  }
0xa6: {  	s5 =	sshll.u32 s26, $0x1;
	_ =	strace $0x80000049;
	[dreg:$0x1] =	wrdreg $0xFFFFFFFF  }
0xa7: {  	s28 =	simm.s32 $_size_execute0_lowered;
	s3 =	sadd.s32 s3, s5;
	[dreg:$0x0] =	wrdreg $0x0  }
0xa8: {  	s5 =	sshll.u32 s28, $0x1;
	[dreg:$0x2] =	wrdreg s3  }
0xa9: {  	[dreg:$0x3] =	wrdreg s5  }
0xaa: {  	[dreg:$0x4] =	wrdreg $0xC0  }
0xab: {  	_ =	task [dreg:s7], $0x5FFFF  }
0xac: {  	[dreg:$0x1] =	wrdreg $0xFFFFFFFF  }
0xad: {  	[dreg:$0x0] =	wrdreg $0x60  }
0xae: {  	[dreg:$0x2] =	wrdreg s24  }
0xaf: {  	[dreg:$0x3] =	wrdreg s2  }
0xb0: {  	[dreg:$0x4] =	wrdreg $0x9  }
0xb1: {  	_ =	task.clear_ibuf [dreg:s7], $0x5FFFF;
	_ =	strace $0x90000049  }
0xb2: {  	s29 =	simm.s32 $0x9;
	_ =	strace $0x8000004B  }
0xb3: {  	_ =	swait.ge [sflag:s29], $0x1  }
0xb4: {  	[sflag:s29] =	ssyncadd.s32 $0xFFFFFFFF  }
0xb5: {  	_ =	strace $0x9000004B  }
0xb6: {  	_ =	sfence  }
0xb7: {  	s30 =	sld [smem:$0x0];
	_ =	sdelay $0x2  }
0xb8: {  	s31 =	sshll.u32 s1, $0xD;
	s1 =	sshrl.u32 s1, $0x2  }
0xb9: {  	s3 =	sand.u32 $0x4000, s31;
	s1 =	sadd.s32 s1, s30  }
0xba: {  	s0 =	sor.u32 s3, s0;
	s1 =	sshll.u32 s1, $0x11  }
0xbb: {  	s0 =	sor.u32 s1, s0  }
0xbc: {  	s0 =	sadd.s32 $0x8F2B, s0  }
0xbd: {  	[sflag:s0] =	ssyncadd.remote.s32 $0x1  }
0xbe: {  	_ =	sfence.sel $0xFFFF  }
0xbf: {  	[dreg:$0x0] =	wrdreg $0xFFFFFFFF;
	(pc) =	sbr.abs _section_cstart, $3  }
0xc0: {  	[dreg:$0x1] =	wrdreg $0xFFFFFFFF  }
0xc1: {  	_ =	task.clear_ibuf [dreg:s7], $0x2FFFF;
	_ =	strace $0x9FFFFFFF  }
0xc2: {  	(tm) =	ssettm $0x7FFFFFFF  }
0xc3: {  	_ =	shalt  }
tec
execute0_lowered:
.L_overlay_start_1:
0x0: {  	(tag) =	ssettag $0x1  }
0x1: {  	s0 =	stileid.u32;
	s4 =	rddreg [dreg:$0x0]  }
0x2: {  	s1 =	srdreg.scid;
	s7 =	rddreg [dreg:$0x1];
	s12 =	simm.s32 $0x7180  }
0x3: {  	s13 =	simm.s32 $0xF180;
	s14 =	simm.s32 $0x0;
	s3 =	sand.u32 $0x1, s1  }
0x4: {  	s29 =	sshll.u32 s0, $0x1;
	s5 =	sshrl.u32 s0, $0x1;
	s1 =	rddreg [dreg:$0x2]  }
0x5: {  	s6 =	sor.u32 s3, s29;
	s8 =	sshll.u32 s5, $0x9;
	s5 =	smul.u32 $0xC00, s5  }
0x6: {  	s3 =	ssub.s32 $0x2, s3;
	s2 =	sshll.u32 s6, $0x7;
	s30 =	sshll.u32 s6, $0x9  }
0x7: {  	s10 =	sshll.u32 s6, $0x4;
	s11 =	sshrl.u32 s3, $0x1;
	s31 =	sshll.u32 s6, $0xC  }
0x8: {  	s9 =	sand.u32 $0x180, s2;
	s2 =	simm.s32 $0x0;
	s5 =	sadd.s32 s5, s4  }
0x9: {  	s10 =	sadd.s32 s10, s4;
	s11 =	ssub.s32 s3, s11;
	s8 =	sor.u32 s8, s9  }
0xa: {  	s7 =	sadd.s32 s7, s31;
	[smem:$0x7FF] =	sst s2;
	s8 =	smul.u32 $0x3, s8  }
0xb: {  	v0 =	vlaneseq.u32;
	vm0 =	vmmov $0x1;
	s9 =	sadd.s32 s30, s4;
	s3 =	sadd.s32 $0x1A7400, s5;
	s6 =	sadd.s32 $0x2E00, s10  }
0xc: {  	vm1 =	vcmask $0x324;
	vm2 =	vcmask $0x724;
	vm3 =	vcmask $0xB24;
	s10 =	simm.s32 $0x6000;
	_ =	strace $0x8000004A;
	s8 =	sshrl.u32 s8, $0x3  }
0xd: {  	vm4 =	vcmask $0xF24;
	vm5 =	vcmask $0x1324;
	vm6 =	vcmask $0x1724;
	s8 =	sadd.s32 s8, s4;
	s4 =	sadd.s32 $0xA2E00, s9;
	s9 =	simm.s32 $0x1  }
0xe: {  	vm7 =	vcmask $0x1B24;
	vm8 =	vcmask $0x1F24;
	v0 =	vmul.u32 $0x8, v0;
	s5 =	sadd.s32 $0xA6E00, s8;
	s8 =	smax.u32 s11, $0x1;
	s11 =	simm.s32 $0x7000  }
.LBB2_1:
0xf: {  	[tilespmem:s2], [sflag:$0x1] =	stream.linear.gather [hbm4b:s3+s2], $0x6000, $0x38;
	[tilespmem:$0xF200] =	vst v63  }
0x10: {  	_ =	swait.ge [sflag:s9], $0x6000  }
0x11: {  	[sflag:s9] =	ssyncset.done $0x0  }
0x12: {  	[sflag:s9] =	ssyncadd.s32 $0xFFFFA000  }
0x13: {  	[tilespmem:s10], [sflag:$0x1] =	stream.linear.gather [hbm4b:s4+s2], $0x1000, $0x38;
	[tilespmem:$0xF200] =	vst v63  }
0x14: {  	_ =	swait.ge [sflag:s9], $0x1000  }
0x15: {  	[sflag:s9] =	ssyncset.done $0x0  }
0x16: {  	[sflag:s9] =	ssyncadd.s32 $0xFFFFF000  }
0x17: {  	[tilespmem:s11], [sflag:$0x1] =	stream.linear.gather [hbm4b:s5+s2], $0x180, $0x38;
	[tilespmem:$0xF200] =	vst v63  }
0x18: {  	_ =	swait.ge [sflag:s9], $0x180  }
0x19: {  	[sflag:s9] =	ssyncset.done $0x0  }
0x1a: {  	s15 =	simm.s32 $0x0;
	[sflag:s9] =	ssyncadd.s32 $0xFFFFFE80  }
.LBB2_2:
0x1b: {  	p0 =	sne.s32 s15, $0x1FFC0  }
.Ltmp0:
0x1c: {  	_ = 	snop;
	(pc) =	sbr.rel @p0 .LBB2_2-.Ltmp0, $3  }
0x1d: {  	_ =	sdelay $0x1  }
0x1e: {  	s16 =	sshra.s32 s15, $0x2;
	v1 =	vimm.f32 $0.0e+00  }
0x1f: {  	s15 =	sadd.s32 $0x40, s15;
	[tilespmem:s16+$0x7180] =	vst v1  }
0x20: {  	s16 =	simm.s32 $0x6010  }
0x21: {  	v2 =	vld [tilespmem:s16+$0xFFFFFFF0];
	_ =	sdelay $0x1  }
0x22: {  	s15 =	simm.s32 $0x0  }
0x23: {  	v3 =	vmov s15  }
0x24: {  	v4 =	vadd.s32 $0x2, v3  }
0x25: {  	v5 =	vadd.s32 $0x1, v3;
	v2 =	vmul.u32 $0x3, v2;
	_ =	sdelay $0x1  }
0x26: {  	v6 =	vadd.s32 $0x1, v2  }
0x27: {  	v10 =	vld.idx.msk [tilespmem:v3+s11+$0x0], $0xffff;
	v7 =	vadd.s32 $0x2, v2  }
0x28: {  	v8 =	vld.idx.msk [tilespmem:v4+s11+$0x0], $0xffff  }
0x29: {  	v9 =	vld.idx.msk [tilespmem:v5+s11+$0x0], $0xffff  }
0x2a: {  	v3 =	vmov s15;
	v2 =	vld.idx.msk [tilespmem:v2+s2+$0x0], $0xffff  }
0x2b: {  	v3 =	vshll.u32 v3, $0x3;
	v4 =	vld.idx.msk [tilespmem:v6+s2+$0x0], $0xffff  }
0x2c: {  	v3 =	vor.u32 v0, v3;
	v5 =	vld.idx.msk [tilespmem:v7+s2+$0x0], $0xffff  }
0x2d: {  	v6 =	vor.u32 $0x1, v3  }
0x2e: {  	v7 =	vor.u32 $0x2, v3  }
0x2f: {  	v11 =	vsub.f32 v2, v10  }
0x30: {  	v2 =	vsub.f32 v4, v9  }
0x31: {  	v5 =	vsub.f32 v5, v8;
	[tilespmem:v3+s12+$0x0] =	vst.idx.msk $0xffff, v11  }
0x32: {  	[tilespmem:v6+s12+$0x0] =	vst.idx.msk $0xffff, v2  }
0x33: {  	[tilespmem:v7+s12+$0x0] =	vst.idx.msk $0xffff, v5  }
0x34: {  	v3 =	vld [tilespmem:s16+$0x0];
	_ =	sdelay $0x4  }
0x35: {  	v3 =	vmul.u32 $0x3, v3;
	_ =	sdelay $0x1  }
0x36: {  	s31 =	simm.s32 $0x10;
	v4 =	vadd.s32 $0x1, v3  }
0x37: {  	v17 =	vmov s31;
	v6 =	vadd.s32 $0x2, v3  }
0x38: {  	v17 =	vshll.u32 v17, $0x3  }
0x39: {  	v17 =	vor.u32 v0, v17  }
0x3a: {  	v20 =	vor.u32 $0x1, v17;
	v12 =	vmul.f32 v2, v2;
	v15 =	vmul.f32 v5, v11;
	v16 =	vld.idx.msk [tilespmem:v3+s2+$0x0], $0xffff  }
0x3b: {  	v21 =	vadd.f32 v11, v1;
	v13 =	vmul.f32 v2, v11;
	v7 =	vmul.f32 v11, v11;
	v19 =	vld.idx.msk [tilespmem:v4+s2+$0x0], $0xffff  }
0x3c: {  	v18 =	vmul.f32 v5, v2;
	v3 =	vadd.f32 v2, v1;
	v2 =	vadd.f32 v15, v1;
	v15 =	vld.idx.msk [tilespmem:v6+s2+$0x0], $0xffff  }
0x3d: {  	v22 =	vor.u32 $0x2, v17;
	v11 =	vadd.f32 v12, v1;
	v4 =	vadd.f32 v7, v1  }
0x3e: {  	v14 =	vmul.f32 v5, v5;
	v7 =	vadd.f32 v5, v1;
	v5 =	vadd.f32 v13, v1  }
0x3f: {  	v6 =	vadd.f32 v18, v1;
	v10 =	vsub.f32 v16, v10  }
0x40: {  	v13 =	vadd.f32 v14, v1;
	v9 =	vsub.f32 v19, v9  }
0x41: {  	v12 =	vsub.f32 v15, v8;
	[tilespmem:v17+s12+$0x0] =	vst.idx.msk $0xffff, v10;
	v8 =	vmul.f32 v10, v10  }
0x42: {  	v1 =	vadd.f32 v10, v21;
	[tilespmem:v20+s12+$0x0] =	vst.idx.msk $0xffff, v9;
	v15 =	vmul.f32 v9, v9  }
0x43: {  	s17 =	simm.s32 $0x3;
	s18 =	simm.s32 $0x6;
	s16 =	simm.s32 $0x6030;
	v16 =	vmul.f32 v12, v12;
	v14 =	vmul.f32 v9, v10;
	[tilespmem:v22+s12+$0x0] =	vst.idx.msk $0xffff, v12  }
.LBB2_4:
0x44: {  	p0 =	sne.s32 s18, $0x17D  }
0x45: {  	v17 =	vld [tilespmem:s16+$0xFFFFFFF0];
	v7 =	vadd.f32 v12, v7;
	v11 =	vadd.f32 v15, v11;
	v15 =	vmul.f32 v12, v9;
	s15 =	sadd.s32 $0x20, s15;
	s19 =	smov.u32 s18;
	s18 =	sadd.s32 $0x3, s18  }
0x46: {  	v10 =	vmul.f32 v12, v10;
	v13 =	vadd.f32 v16, v13;
	v5 =	vadd.f32 v14, v5  }
0x47: {  	v12 =	vmov s17;
	v3 =	vadd.f32 v9, v3;
	s17 =	smov.u32 s19;
	v6 =	vadd.f32 v15, v6  }
0x48: {  	v4 =	vadd.f32 v8, v4;
	v9 =	vadd.s32 $0x2, v12;
	v2 =	vadd.f32 v10, v2  }
0x49: {  	v8 =	vadd.s32 $0x1, v12  }
0x4a: {  	v10 =	vmul.u32 $0x3, v17;
	_ =	sdelay $0x1  }
0x4b: {  	v14 =	vadd.s32 $0x1, v10;
	v15 =	vadd.s32 $0x2, v10  }
0x4c: {  	v16 =	vld.idx.msk [tilespmem:v9+s11+$0x0], $0xffff  }
0x4d: {  	v8 =	vld.idx.msk [tilespmem:v8+s11+$0x0], $0xffff  }
0x4e: {  	v9 =	vld.idx.msk [tilespmem:v12+s11+$0x0], $0xffff  }
0x4f: {  	v10 =	vld.idx.msk [tilespmem:v10+s2+$0x0], $0xffff  }
0x50: {  	v12 =	vld.idx.msk [tilespmem:v14+s2+$0x0], $0xffff;
	v14 =	vmov s15  }
0x51: {  	v15 =	vld.idx.msk [tilespmem:v15+s2+$0x0], $0xffff;
	v14 =	vshll.u32 v14, $0x3  }
0x52: {  	v14 =	vor.u32 v0, v14  }
0x53: {  	v17 =	vor.u32 $0x1, v14  }
0x54: {  	v18 =	vor.u32 $0x2, v14  }
0x55: {  	v10 =	vsub.f32 v10, v9  }
0x56: {  	v12 =	vsub.f32 v12, v8  }
0x57: {  	v15 =	vsub.f32 v15, v16;
	[tilespmem:v14+s12+$0x0] =	vst.idx.msk $0xffff, v10;
	v14 =	vmul.f32 v10, v10  }
0x58: {  	v19 =	vmul.f32 v12, v10;
	[tilespmem:v17+s12+$0x0] =	vst.idx.msk $0xffff, v12;
	v17 =	vmul.f32 v12, v12  }
0x59: {  	v20 =	vmul.f32 v15, v12;
	[tilespmem:v18+s12+$0x0] =	vst.idx.msk $0xffff, v15;
	v18 =	vmul.f32 v15, v15  }
0x5a: {  	v3 =	vadd.f32 v12, v3;
	v12 =	vmul.f32 v15, v10;
	v21 =	vld [tilespmem:s16+$0x0];
	_ =	sdelay $0x1  }
0x5b: {  	v2 =	vadd.f32 v12, v2;
	_ =	sdelay $0x2  }
0x5c: {  	v12 =	vmul.u32 $0x3, v21;
	_ =	sdelay $0x1  }
0x5d: {  	v21 =	vadd.s32 $0x1, v12;
	v22 =	vadd.s32 $0x2, v12;
	_ =	sdelay $0x3  }
0x5e: {  	s19 =	sadd.s32 $0x10, s15;
	v12 =	vld.idx.msk [tilespmem:v12+s2+$0x0], $0xffff  }
0x5f: {  	v23 =	vmov s19;
	v21 =	vld.idx.msk [tilespmem:v21+s2+$0x0], $0xffff  }
0x60: {  	v23 =	vshll.u32 v23, $0x3;
	v22 =	vld.idx.msk [tilespmem:v22+s2+$0x0], $0xffff  }
0x61: {  	v4 =	vadd.f32 v14, v4;
	v14 =	vor.u32 v0, v23  }
0x62: {  	v7 =	vadd.f32 v15, v7;
	v5 =	vadd.f32 v19, v5;
	v15 =	vor.u32 $0x1, v14  }
0x63: {  	v1 =	vadd.f32 v10, v1;
	v11 =	vadd.f32 v17, v11;
	v17 =	vor.u32 $0x2, v14  }
.Ltmp1:
0x64: {  	v6 =	vadd.f32 v20, v6;
	v10 =	vsub.f32 v12, v9;
	(pc) =	sbr.rel @p0 .LBB2_4-.Ltmp1, $4  }
0x65: {  	v13 =	vadd.f32 v18, v13;
	v9 =	vsub.f32 v21, v8  }
0x66: {  	v12 =	vsub.f32 v22, v16;
	v8 =	vmul.f32 v10, v10;
	[tilespmem:v14+s12+$0x0] =	vst.idx.msk $0xffff, v10  }
0x67: {  	v1 =	vadd.f32 v10, v1;
	[tilespmem:v15+s12+$0x0] =	vst.idx.msk $0xffff, v9;
	v15 =	vmul.f32 v9, v9  }
0x68: {  	s16 =	sadd.s32 $0x20, s16;
	v14 =	vmul.f32 v9, v10;
	v16 =	vmul.f32 v12, v12;
	[tilespmem:v17+s12+$0x0] =	vst.idx.msk $0xffff, v12  }
0x69: {  	v17 =	vld [tilespmem:s16+$0xFFFFFFF0];
	_ =	sdelay $0x2  }
0x6a: {  	v18 =	vmov s17  }
0x6b: {  	v19 =	vadd.s32 $0x2, v18  }
0x6c: {  	v20 =	vadd.s32 $0x1, v18;
	v17 =	vmul.u32 $0x3, v17;
	_ =	sdelay $0x1  }
0x6d: {  	v21 =	vadd.s32 $0x1, v17  }
0x6e: {  	v18 =	vld.idx.msk [tilespmem:v18+s11+$0x0], $0xffff;
	v22 =	vadd.s32 $0x2, v17  }
0x6f: {  	v19 =	vld.idx.msk [tilespmem:v19+s11+$0x0], $0xffff  }
0x70: {  	s15 =	sadd.s32 $0x20, s15;
	v20 =	vld.idx.msk [tilespmem:v20+s11+$0x0], $0xffff  }
0x71: {  	v23 =	vmov s15;
	v17 =	vld.idx.msk [tilespmem:v17+s2+$0x0], $0xffff  }
0x72: {  	v23 =	vshll.u32 v23, $0x3;
	v21 =	vld.idx.msk [tilespmem:v21+s2+$0x0], $0xffff  }
0x73: {  	v23 =	vor.u32 v0, v23;
	v22 =	vld.idx.msk [tilespmem:v22+s2+$0x0], $0xffff  }
0x74: {  	v24 =	vor.u32 $0x1, v23  }
0x75: {  	v25 =	vor.u32 $0x2, v23  }
0x76: {  	v17 =	vsub.f32 v17, v18  }
0x77: {  	v21 =	vsub.f32 v21, v20  }
0x78: {  	v22 =	vsub.f32 v22, v19;
	[tilespmem:v23+s12+$0x0] =	vst.idx.msk $0xffff, v17  }
0x79: {  	[tilespmem:v24+s12+$0x0] =	vst.idx.msk $0xffff, v21  }
0x7a: {  	[tilespmem:v25+s12+$0x0] =	vst.idx.msk $0xffff, v22  }
0x7b: {  	v23 =	vld [tilespmem:s16+$0x0];
	_ =	sdelay $0x4  }
0x7c: {  	v23 =	vmul.u32 $0x3, v23;
	_ =	sdelay $0x1  }
0x7d: {  	v36 =	vadd.s32 $0x1, v23  }
0x7e: {  	v37 =	vadd.s32 $0x2, v23;
	_ =	sdelay $0x2  }
0x7f: {  	v11 =	vadd.f32 v15, v11;
	v38 =	vmul.f32 v12, v9;
	v7 =	vadd.f32 v12, v7;
	v39 =	vld.idx.msk [tilespmem:v23+s2+$0x0], $0xffff  }
0x80: {  	v10 =	vmul.f32 v12, v10;
	v3 =	vadd.f32 v9, v3;
	v4 =	vadd.f32 v8, v4;
	v40 =	vld.idx.msk [tilespmem:v36+s2+$0x0], $0xffff  }
0x81: {  	v13 =	vadd.f32 v16, v13;
	v5 =	vadd.f32 v14, v5;
	v41 =	vld.idx.msk [tilespmem:v37+s2+$0x0], $0xffff  }
0x82: {  	v6 =	vadd.f32 v38, v6;
	v2 =	vadd.f32 v10, v2;
	v42 =	vmul.f32 v17, v17  }
0x83: {  	v1 =	vadd.f32 v17, v1;
	v43 =	vmul.f32 v21, v21;
	v44 =	vmul.f32 v21, v17  }
0x84: {  	v3 =	vadd.f32 v21, v3;
	v45 =	vmul.f32 v22, v22;
	v16 =	vsub.f32 v39, v18  }
0x85: {  	v46 =	vmul.f32 v22, v21;
	v7 =	vadd.f32 v22, v7;
	v12 =	vsub.f32 v40, v20  }
0x86: {  	v17 =	vmul.f32 v22, v17;
	v9 =	vsub.f32 v41, v19;
	v1 =	vadd.f32 v16, v1  }
0x87: {  	v4 =	vadd.f32 v42, v4;
	v47 =	vmul.f32 v16, v16;
	v3 =	vadd.f32 v12, v3  }
0x88: {  	v10 =	vadd.f32 v43, v11;
	v48 =	vmul.f32 v12, v12;
	v7 =	vadd.f32 v9, v7;
	(xrf2) =	vadd.scan.msk.f32 $0xffff, v1  }
0x89: {  	v49 =	vmul.f32 v9, v9;
	v1 =	vadd.f32 v45, v13;
	v4 =	vadd.f32 v47, v4;
	(xrf2) =	vadd.scan.msk.f32 $0xffff, v3  }
0x8a: {  	v50 =	vmul.f32 v12, v16;
	v3 =	vadd.f32 v44, v5;
	v51 =	vadd.f32 v48, v10;
	(xrf2) =	vadd.scan.msk.f32 $0xffff, v7  }
0x8b: {  	v2 =	vadd.f32 v17, v2;
	v52 =	vmul.f32 v9, v16;
	v1 =	vadd.f32 v49, v1;
	(xrf2) =	vadd.scan.msk.f32 $0xffff, v4  }
0x8c: {  	v53 =	vadd.f32 v46, v6;
	v54 =	vmul.f32 v9, v12;
	v3 =	vadd.f32 v50, v3;
	(xrf2) =	vadd.scan.msk.f32 $0xffff, v51  }
0x8d: {  	v2 =	vadd.f32 v52, v2;
	(xrf2) =	vadd.scan.msk.f32 $0xffff, v1  }
0x8e: {  	v1 =	vadd.f32 v54, v53;
	(xrf2) =	vadd.scan.msk.f32 $0xffff, v3  }
0x8f: {  	(xrf2) =	vadd.scan.msk.f32 $0xffff, v2  }
0x90: {  	(xrf2) =	vadd.scan.msk.f32 $0xffff, v1;
	_ =	sdelay $0x1  }
0x91: {  	v1, _, _ =	vpop (xrf2)  }
0x92: {  	s15 =	sadd.s32 $0x10, s15;
	v2, _, _ =	vpop (xrf2);
	v1 =	vbroadcast v1, $0xF  }
0x93: {  	v55 =	vmov s15;
	v3, _, _ =	vpop (xrf2);
	v2 =	vbroadcast v2, $0xF  }
0x94: {  	v4 =	vshll.u32 v55, $0x3;
	v56, _, _ =	vpop (xrf2);
	v1 =	vnsel vm0, $0x0, v1;
	v3 =	vbroadcast v3, $0xF  }
0x95: {  	v4 =	vor.u32 v0, v4;
	v57, _, _ =	vpop (xrf2);
	v1 =	vsel vm1, v1, v2;
	v2 =	vbroadcast v56, $0xF  }
0x96: {  	v59 =	vor.u32 $0x1, v4;
	v58, _, _ =	vpop (xrf2);
	v1 =	vsel vm2, v1, v3;
	v3 =	vbroadcast v57, $0xF  }
0x97: {  	v61 =	vor.u32 $0x2, v4;
	v60, _, _ =	vpop (xrf2);
	v1 =	vsel vm3, v1, v2;
	v2 =	vbroadcast v58, $0xF  }
0x98: {  	v62, _, _ =	vpop (xrf2);
	v1 =	vsel vm4, v1, v3;
	v3 =	vbroadcast v60, $0xF  }
0x99: {  	v1 =	vsel vm5, v1, v2;
	v2 =	vbroadcast v62, $0xF;
	v63, _, _ =	vpop (xrf2)  }
0x9a: {  	[tilespmem:v4+s12+$0x0] =	vst.idx.msk $0xffff, v16;
	v1 =	vsel vm6, v1, v3;
	v3 =	vbroadcast v63, $0xF  }
0x9b: {  	[tilespmem:v59+s12+$0x0] =	vst.idx.msk $0xffff, v12;
	v1 =	vsel vm7, v1, v2  }
0x9c: {  	[tilespmem:v61+s12+$0x0] =	vst.idx.msk $0xffff, v9;
	v1 =	vsel vm8, v1, v3  }
0x9d: {  	[tilespmem:$0xF180] =	vst v1  }
0x9e: {  	[hbm4b:s6+s2] =	stream.linear.scatter [tilespmem:s13], [sflag:$0x1], $0x80, $0x38;
	[tilespmem:$0xF200] =	vst v63  }
0x9f: {  	s14 =	sadd.s32 $0x1, s14;
	_ =	swait.ge [sflag:s9], $0x80  }
0xa0: {  	p0 =	sne.s32 s14, s8;
	[sflag:s9] =	ssyncset.done $0x0  }
.Ltmp2:
0xa1: {  	[sflag:s9] =	ssyncadd.s32 $0xFFFFFF80;
	(pc) =	sbr.rel @p0 .LBB2_1-.Ltmp2, $4  }
0xa2: {  	[hbm4b:s7+s2] =	stream.linear.scatter [tilespmem:s12], [sflag:$0x1], $0x8000, $0x38;
	[tilespmem:$0xF200] =	vst v63  }
0xa3: {  	_ =	swait.ge [sflag:s9], $0x8000  }
0xa4: {  	[sflag:s9] =	ssyncset.done $0x0  }
0xa5: {  	[sflag:s9] =	ssyncadd.s32 $0xFFFF8000  }
0xa6: {  	_ =	sfence.sel $0x180000  }
0xa7: {  	[bflag:$0x0] =	sbarrier.arrive $0xFFFF  }
0xa8: {  	p0 =	sne.s32 s0, $0x0;
	_ =	strace $0x9000004A  }
0xa9: {  	s0 =	sadd.s32 @!p0 $0x100000, s1;
	[bflag:$0x2] =	sbarrier.arrive $0xFFFF  }
0xaa: {  	[sflag:s0] =	ssyncadd.tile.s32 @!p0 $0x1;
	_ =	shalt  }
.Lfunc_end2:
_tile_overlayer_lowered:
.L_overlay_start_2:
0xab: {  	(tag) =	ssettag $0x2  }
0xac: {  	s0 =	rddreg [dreg:$0x0];
	s2 =	stileid.u32  }
0xad: {  	s1 =	rddreg [dreg:$0x1];
	p0 =	sne.s32 s2, $0x0  }
0xae: {  	s3 =	rddreg [dreg:$0x2];
	[bflag:$0x3] =	sbarrier.arrive $0xFFFF;
	s2 =	simm.s32 @!p0 $0x1C01  }
0xaf: {  	[timem:s3], [sflag:s2] =	dma.local @!p0 [hbm:s0], s1  }
0xb0: {  	s0 =	simm.s32 @!p0 $0x1  }
0xb1: {  	_ =	swait.ge @!p0 [sflag:s0], s1  }
0xb2: {  	s1 =	ssub.s32 @!p0 $0x0, s1;
	[sflag:s0] =	ssyncset.done @!p0 $0x0  }
0xb3: {  	[sflag:s0] =	ssyncadd.s32 @!p0 s1  }
0xb4: {  	[bflag:$0x3] =	sbarrier.arrive $0xFFFF  }
0xb5: {  	_ =	shalt  }

// kernel: kernel.8.cloned.1.call-start
scs
__scs_entry_jumppad:
0x0: {  	(pc) =	sbr.rel $0x88, $3  }
0x1: {  	(tag) =	ssettag $0x0;
	lr =	simm.s32 $0x1  }
0x2: {  	[smem:$0x3F94] =	sst lr;
	_ =	strace $0xD0000000  }
0x3: {  	_ = 	snop  }
0x4: {  	_ = 	snop  }
0x5: {  	_ = 	snop  }
0x6: {  	_ = 	snop  }
0x7: {  	_ = 	snop  }
__scs_overlays_trampoline_lowered:
0x8: {  	[smem:$0x3FA3] =	sst s0  }
0x9: {  	[smem:$0x3FA4] =	sst s1  }
0xa: {  	[smem:$0x3FA5] =	sst s2  }
0xb: {  	[smem:$0x3FA6] =	sst s3  }
0xc: {  	[smem:$0x3FA7] =	sst s4  }
0xd: {  	[smem:$0x3FA8] =	sst s5  }
0xe: {  	[smem:$0x3FA9] =	sst s6  }
0xf: {  	[smem:$0x3FAA] =	sst s7  }
0x10: {  	[smem:$0x3FAB] =	sst s8  }
0x11: {  	[smem:$0x3FAC] =	sst s9;
	s0 =	simm.s32 @!p0 $0x0  }
0x12: {  	s1 =	sld [smem:$0x3F92];
	s0 =	simm.s32 @p0 $0x1  }
0x13: {  	[smem:$0x3FAD] =	sst s0;
	s0 =	simm.s32 @!p1 $0x0  }
0x14: {  	s2 =	sld [smem:$0x3F91];
	s0 =	simm.s32 @p1 $0x1  }
0x15: {  	[smem:$0x3FAE] =	sst s0;
	s0 =	simm.s32 @!p2 $0x0  }
0x16: {  	s3 =	sld [smem:$0x3FDB];
	s0 =	simm.s32 @p2 $0x1  }
0x17: {  	s4 =	simm.s32 $0x1BF5;
	[smem:$0x3FB0] =	sst s0  }
0x18: {  	s0 =	sld [smem:$0x3F93];
	_ =	swait.ge [sflag:s4], $0x0  }
0x19: {  	s7 =	sld [smem:$0x3F94]  }
0x1a: {  	s8 =	sadd.s32 $0xFFFFE003, lr  }
0x1b: {  	s9 =	sadd.s32 $0xFFFFFEF7, lr;
	s5 =	simm.s32 $0xFFFFFFFF;
	p2 =	slt.u32 s8, $0xFFFFF086  }
0x1c: {  	p1 =	slt.u32 s9, $0xF7A;
	s5 =	simm.s32 @!p2 $0x0  }
0x1d: {  	s5 =	simm.s32 @p1 $0x1;
	p0 =	seq.s32 s7, s2  }
0x1e: {  	s7 =	smul.u32 @!p0 $0xF7A, s2;
	p2 =	seq.s32 @!p0 s5, $0x0  }
0x1f: {  	s9 =	smul.u32 $0xF7A, s1;
	s8 =	simm.s32 @!p0 $0x1BF5;
	p2 =	por !p2, p0  }
0x20: {  	[sflag:s8] =	ssyncset.s32 @!p0 $0xFFFFF086;
	s6 =	sadd.s32 @!p0 s3, s7;
	s7 =	simm.s32 @!p0 $0x108  }
0x21: {  	s3 =	sadd.s32 s3, s9;
	s6 =	sadd.s32 @!p0 $0x88, s6;
	s7 =	simm.s32 @p2 $0x1082  }
0x22: {  	[simem:s7], [sflag:s8] =	dma.local @!p0 [hbm:s6], $0xF7A  }
0x23: {  	s9 =	sor.u32 $0xD0000000, s2;
	s6 =	simm.s32 $0x108;
	_ =	swait.ge @!p0 [sflag:s8], $0x0  }
0x24: {  	s3 =	sadd.s32 $0x88, s3;
	s6 =	simm.s32 @!p1 $0x1082;
	[sflag:s4] =	ssyncset.s32 $0xFFFFF086  }
0x25: {  	[simem:s6], [sflag:s4] =	dma.local [hbm:s3], $0xF7A  }
0x26: {  	[smem:$0x3F94] =	sst s1;
	(tag) =	ssettag s2;
	_ =	strace s9  }
0x27: {  	s1 =	sld [smem:$0x3FA4]  }
0x28: {  	s2 =	sld [smem:$0x3FA5]  }
0x29: {  	s4 =	sld [smem:$0x3FA7]  }
0x2a: {  	p0 =	seq.s32 s5, $0x0;
	s5 =	sld [smem:$0x3FA8]  }
0x2b: {  	s6 =	sld [smem:$0x3FA9]  }
0x2c: {  	s7 =	sld [smem:$0x3FAA]  }
0x2d: {  	s3 =	simm.s32 $0x108;
	s8 =	sld [smem:$0x3FAB]  }
0x2e: {  	s3 =	simm.s32 @!p0 $0x1082;
	s9 =	sld [smem:$0x3FAC]  }
0x2f: {  	lr =	sadd.s32 s0, s3;
	s0 =	sld [smem:$0x3FA3]  }
0x30: {  	s3 =	sld [smem:$0x3FA6]  }
0x31: {  	[smem:$0x3FAF] =	sst s10  }
0x32: {  	s10 =	sld [smem:$0x3FAD];
	_ =	sdelay $0x3  }
0x33: {  	p0 =	seq.s32 s10, $0x1;
	s10 =	sld [smem:$0x3FAF];
	_ =	sdelay $0x3  }
0x34: {  	[smem:$0x3FAF] =	sst s10  }
0x35: {  	s10 =	sld [smem:$0x3FAE];
	_ =	sdelay $0x3  }
0x36: {  	p1 =	seq.s32 s10, $0x1;
	s10 =	sld [smem:$0x3FAF];
	_ =	sdelay $0x3  }
0x37: {  	[smem:$0x3FAF] =	sst s10  }
0x38: {  	s10 =	sld [smem:$0x3FB0]  }
0x39: {  	_ = 	snop;
	(pc) =	sbr.ind lr, $3  }
0x3a: {  	_ = 	snop  }
0x3b: {  	_ = 	snop  }
0x3c: {  	p2 =	seq.s32 s10, $0x1;
	s10 =	sld [smem:$0x3FAF]  }
0x3d: {  	_ =	shalt  }
0x3e: {  	_ =	shalt  }
0x3f: {  	_ =	shalt  }
0x40: {  	_ =	shalt  }
0x41: {  	_ =	shalt  }
0x42: {  	_ =	shalt  }
0x43: {  	_ =	shalt  }
0x44: {  	_ =	shalt  }
0x45: {  	_ =	shalt  }
0x46: {  	_ =	shalt  }
0x47: {  	_ =	shalt  }
0x48: {  	_ =	shalt  }
0x49: {  	_ =	shalt  }
0x4a: {  	_ =	shalt  }
0x4b: {  	_ =	shalt  }
0x4c: {  	_ =	shalt  }
0x4d: {  	_ =	shalt  }
0x4e: {  	_ =	shalt  }
0x4f: {  	_ =	shalt  }
0x50: {  	_ =	shalt  }
0x51: {  	_ =	shalt  }
0x52: {  	_ =	shalt  }
0x53: {  	_ =	shalt  }
0x54: {  	_ =	shalt  }
0x55: {  	_ =	shalt  }
0x56: {  	_ =	shalt  }
0x57: {  	_ =	shalt  }
0x58: {  	_ =	shalt  }
0x59: {  	_ =	shalt  }
0x5a: {  	_ =	shalt  }
0x5b: {  	_ =	shalt  }
0x5c: {  	_ =	shalt  }
0x5d: {  	_ =	shalt  }
0x5e: {  	_ =	shalt  }
0x5f: {  	_ =	shalt  }
0x60: {  	_ =	shalt  }
0x61: {  	_ =	shalt  }
0x62: {  	_ =	shalt  }
0x63: {  	_ =	shalt  }
0x64: {  	_ =	shalt  }
0x65: {  	_ =	shalt  }
0x66: {  	_ =	shalt  }
0x67: {  	_ =	shalt  }
0x68: {  	_ =	shalt  }
0x69: {  	_ =	shalt  }
0x6a: {  	_ =	shalt  }
0x6b: {  	_ =	shalt  }
0x6c: {  	_ =	shalt  }
0x6d: {  	_ =	shalt  }
0x6e: {  	_ =	shalt  }
0x6f: {  	_ =	shalt  }
0x70: {  	_ =	shalt  }
0x71: {  	_ =	shalt  }
0x72: {  	_ =	shalt  }
0x73: {  	_ =	shalt  }
0x74: {  	_ =	shalt  }
0x75: {  	_ =	shalt  }
0x76: {  	_ =	shalt  }
0x77: {  	_ =	shalt  }
0x78: {  	_ =	shalt  }
0x79: {  	_ =	shalt  }
0x7a: {  	_ =	shalt  }
0x7b: {  	_ =	shalt  }
0x7c: {  	_ =	shalt  }
0x7d: {  	_ =	shalt  }
0x7e: {  	_ =	shalt  }
0x7f: {  	_ =	shalt  }
0x80: {  	_ =	shalt  }
0x81: {  	_ =	shalt  }
0x82: {  	_ =	shalt  }
0x83: {  	_ =	shalt  }
0x84: {  	_ =	shalt  }
0x85: {  	_ =	shalt  }
0x86: {  	_ =	shalt  }
0x87: {  	_ =	shalt  }
.Lfunc_end0:
.L_simem_size_0:
called_computation_lowered:
.L_overlay_start_0:
0x88: {  	s2 =	sld [smem:$0x3FD9]  }
0x89: {  	s3 =	sld [smem:$0x3FFE];
	_ =	sdelay $0x1  }
0x8a: {  	s1 =	srdreg.scid  }
0x8b: {  	s0 =	sand.u32 $0x1, s1  }
0x8c: {  	s16 =	sshll.u32 s0, $0xA;
	s2 =	sadd.s32 s3, s2  }
0x8d: {  	s2 =	sadd.s32 s2, s16  }
0x8e: {  	[smem:$0x3FBB] =	sst s2  }
0x8f: {  	_ = 	snop  }
0x90: {  	(tm) =	ssettm $0x1  }
0x91: {  	s17 =	sld [smem:$0x3FFB];
	_ =	sdelay $0x3  }
0x92: {  	_ =	strace s17  }
0x93: {  	s2 =	sld [smem:$0x3FFC];
	_ =	sdelay $0x3  }
0x94: {  	_ =	strace s2  }
0x95: {  	s2 =	sld [smem:$0x3FFD];
	_ =	sdelay $0x3  }
0x96: {  	_ =	strace s2  }
0x97: {  	_ =	strace $0x8FFFFFFF  }
0x98: {  	s18 =	sld [smem:$0x3FDB];
	_ =	sdelay $0x1  }
0x99: {  	s19 =	simm.s32 $_scs_section_size  }
0x9a: {  	s4 =	simm.s32 $_size__tile_overlayer_lowered;
	s5 =	simm.s32 $_tile_overlayer_lowered  }
0x9b: {  	s22 =	simm.s32 $0x1BFF;
	s21 =	sshll.u32 s5, $0x1;
	s2 =	sadd.s32 s19, s18  }
0x9c: {  	s6 =	simm.s32 $0x0;
	s20 =	sshll.u32 s4, $0x1;
	s4 =	sadd.s32 s21, s2  }
0x9d: {  	[timem:s6], [sflag:s22] =	dma.local [hbm:s4], s20  }
0x9e: {  	_ =	swait.ge [sflag:s22], s20  }
0x9f: {  	s3 =	ssub.s32 $0x0, s20;
	[sflag:s22] =	ssyncset.done $0x0  }
0xa0: {  	[sflag:s22] =	ssyncadd.s32 s3;
	_ =	sdelay $0x1  }
0xa1: {  	s23 =	simm.s32 $0x1B8B  }
0xa2: {  	_ =	swait.ge [sflag:s23], $0x1  }
0xa3: {  	[sflag:s23] =	ssyncset.done $0x0  }
0xa4: {  	s25 =	simm.s32 $0x1B8E;
	s24 =	sld [smem:$0x3FFE];
	[sflag:s23] =	ssyncadd.s32 $0xFFFFFFFF  }
0xa5: {  	s26 =	simm.s32 $execute0_lowered;
	[smem:$0x3FD2] =	sst s25  }
0xa6: {  	s4 =	sshll.u32 s26, $0x1;
	_ =	strace $0x80000046;
	[dreg:$0x1] =	wrdreg $0xFFFFFFFF  }
0xa7: {  	s28 =	simm.s32 $_size_execute0_lowered;
	s2 =	sadd.s32 s2, s4;
	[dreg:$0x0] =	wrdreg $0x0  }
0xa8: {  	s4 =	sshll.u32 s28, $0x1;
	[dreg:$0x2] =	wrdreg s2  }
0xa9: {  	[dreg:$0x3] =	wrdreg s4  }
0xaa: {  	[dreg:$0x4] =	wrdreg $0xC0  }
0xab: {  	_ =	task [dreg:s6], $0x5FFFF  }
0xac: {  	[dreg:$0x1] =	wrdreg $0xFFFFFFFF  }
0xad: {  	[dreg:$0x0] =	wrdreg $0x60  }
0xae: {  	[dreg:$0x2] =	wrdreg s24  }
0xaf: {  	[dreg:$0x3] =	wrdreg $0x9  }
0xb0: {  	_ =	task.clear_ibuf [dreg:s6], $0x4FFFF;
	_ =	strace $0x90000046  }
0xb1: {  	s29 =	simm.s32 $0x9;
	_ =	strace $0x80000048  }
0xb2: {  	_ =	swait.ge [sflag:s29], $0x1  }
0xb3: {  	[sflag:s29] =	ssyncadd.s32 $0xFFFFFFFF  }
0xb4: {  	_ =	strace $0x90000048  }
0xb5: {  	_ =	sfence  }
0xb6: {  	s30 =	sld [smem:$0x0];
	_ =	sdelay $0x2  }
0xb7: {  	s31 =	sshll.u32 s1, $0xD;
	s1 =	sshrl.u32 s1, $0x2  }
0xb8: {  	s3 =	sand.u32 $0x4000, s31;
	s1 =	sadd.s32 s1, s30  }
0xb9: {  	s0 =	sor.u32 s3, s0;
	s1 =	sshll.u32 s1, $0x11  }
0xba: {  	s0 =	sor.u32 s1, s0  }
0xbb: {  	s0 =	sadd.s32 $0x8F2B, s0  }
0xbc: {  	[sflag:s0] =	ssyncadd.remote.s32 $0x1  }
0xbd: {  	_ =	sfence.sel $0xFFFF  }
0xbe: {  	[dreg:$0x0] =	wrdreg $0xFFFFFFFF;
	(pc) =	sbr.abs _section_cstart, $3  }
0xbf: {  	[dreg:$0x1] =	wrdreg $0xFFFFFFFF  }
0xc0: {  	_ =	task.clear_ibuf [dreg:s6], $0x2FFFF;
	_ =	strace $0x9FFFFFFF  }
0xc1: {  	(tm) =	ssettm $0x7FFFFFFF  }
tec
execute0_lowered:
.L_overlay_start_1:
0x0: {  	(tag) =	ssettag $0x1  }
0x1: {  	s5 =	rddreg [dreg:$0x0]  }
0x2: {  	s0 =	rddreg [dreg:$0x1];
	s2 =	simm.s32 $0x0  }
0x3: {  	s3 =	srdreg.scid;
	s1 =	stileid.u32;
	s10 =	simm.s32 $0x14000  }
0x4: {  	s11 =	simm.s32 $0x0;
	s4 =	sand.u32 $0x1, s3;
	s6 =	sshll.u32 s1, $0x1  }
0x5: {  	[smem:$0x7FF] =	sst s2;
	s3 =	sadd.s32 $0x52E00, s5;
	s6 =	sor.u32 s4, s6  }
0x6: {  	v0 =	vlaneseq.u32;
	_ =	strace $0x80000047;
	s7 =	ssub.s32 $0x2, s4;
	s8 =	sshll.u32 s6, $0x9  }
0x7: {  	v0 =	vmul.u32 $0xFFFFFFFF, v0;
	s4 =	sadd.s32 $0x2E00, s5;
	s9 =	sshrl.u32 s7, $0x1;
	s8 =	sadd.s32 s8, s5  }
0x8: {  	s7 =	ssub.s32 s7, s9;
	s5 =	sshll.u32 s6, $0x7;
	s9 =	simm.s32 $0xA000  }
0x9: {  	v1 =	vimm.s32 $0x0;
	v0 =	vadd.s32 $0xF, v0;
	s6 =	sadd.s32 $0xA2E00, s8;
	s7 =	smax.u32 s7, $0x1;
	s8 =	simm.s32 $0x1  }
.LBB2_1:
0xa: {  	p1 =	por $0x1, $0x1;
	s12 =	simm.s32 $0x0  }
.LBB2_2:
0xb: {  	s13 =	sor.u32 s5, s12  }
0xc: {  	s14 =	smul.u32 $0x50, s13;
	_ =	sdelay $0x1  }
0xd: {  	s13 =	simm.s32 $0x0;
	s15 =	sadd.s32 s3, s14  }
0xe: {  	[tilespmem:s13], [sflag:$0x1] =	stream.linear.gather [hbm4b:s15+s13], $0xA000, $0x38;
	[tilespmem:$0x15000] =	vst v63  }
0xf: {  	_ =	swait.ge [sflag:s8], $0xA000  }
0x10: {  	[sflag:s8] =	ssyncset.done $0x0  }
0x11: {  	s14 =	sadd.s32 s4, s14;
	[sflag:s8] =	ssyncadd.s32 $0xFFFF6000  }
0x12: {  	[tilespmem:s9], [sflag:$0x1] =	stream.linear.gather [hbm4b:s14+s13], $0xA000, $0x38;
	[tilespmem:$0x15000] =	vst v63  }
0x13: {  	_ =	swait.ge [sflag:s8], $0xA000  }
0x14: {  	[sflag:s8] =	ssyncset.done $0x0  }
0x15: {  	p0 =	por p1, p1;
	s14 =	simm.s32 $0x0;
	[sflag:s8] =	ssyncadd.s32 $0xFFFF6000  }
.LBB2_3:
0x16: {  	s15 =	smul.u32 $0x280, s14;
	_ =	sdelay $0x1  }
0x17: {  	v2 =	vld [tilespmem:s15+$0x0]  }
0x18: {  	v3 =	vld [tilespmem:s15+$0xA000]  }
0x19: {  	v4 =	vld [tilespmem:s15+$0x10]  }
0x1a: {  	v5 =	vld [tilespmem:s15+$0xA010];
	_ =	sdelay $0x3  }
0x1b: {  	(xrf1) =	vsort.ascd.msk.f32 $0xffff, v2, v3  }
0x1c: {  	(xrf1) =	vsort.ascd.msk.f32 $0xffff, v4, v5;
	_ =	sdelay $0xc  }
0x1d: {  	v2, v3, _ =	vpop (xrf1)  }
0x1e: {  	v4, v5, _ =	vpop (xrf1)  }
0x1f: {  	v4 =	vperm.xlane v4, v0  }
0x20: {  	v5 =	vperm.xlane v5, v0  }
0x21: {  	vm0 =	vle.f32 v2, v4  }
0x22: {  	v6 =	vsel vm0, v2, v4;
	v7 =	vsel vm0, v3, v5  }
0x23: {  	v2 =	vsel vm0, v4, v2;
	v3 =	vsel vm0, v5, v3;
	(xrf1) =	vsort.ascd.msk.f32 $0xffff, v6, v7  }
0x24: {  	(xrf1) =	vsort.ascd.msk.f32 $0xffff, v2, v3;
	_ =	sdelay $0xc  }
0x25: {  	v3, v6, _ =	vpop (xrf1)  }
0x26: {  	v2, v4, _ =	vpop (xrf1)  }
0x27: {  	(xrf0) =	vmax.scan.msk.f32 $0xffff, v2;
	_ =	sdelay $0x5  }
0x28: {  	v5, _, _ =	vpop (xrf0)  }
0x29: {  	(v2sf) =	vpush v5, $0xF;
	_ =	sdelay $0x5  }
0x2a: {  	s29 =	simm.s32 $0x20;
	s16 =	sadd.s32 $0x20, s13  }
0x2b: {  	s16 =	sand.u32 $0x1FF80, s16;
	s15 =	sand.u32 $0x60, s29  }
0x2c: {  	s16 =	sor.u32 s15, s16  }
0x2d: {  	v7 =	vld [tilespmem:s16+$0x10]  }
0x2e: {  	v5 =	vld [tilespmem:s16+$0x0];
	_ =	sdelay $0x4  }
0x2f: {  	v8 =	vmin.f32 v5, v7;
	s15 =	spop (v2sf)  }
0x30: {  	vm15 =	vlt.f32 v8, s15  }
0x31: {  	v8 =	vsel vm15, $0x1, v1  }
0x32: {  	(xrf0) =	vadd.scan.msk.s32 $0xffff, v8;
	_ =	sdelay $0x5  }
0x33: {  	v8, _, _ =	vpop (xrf0)  }
0x34: {  	(v2sf) =	vpush v8, $0xF;
	_ =	sdelay $0xe  }
0x35: {  	s17 =	spop (v2sf)  }
0x36: {  	p1 =	slt.s32 s17, $0x1  }
0x37: {  	v8 =	vld @!p1 [tilespmem:s16+$0xA000];
	_ =	sdelay $0x4  }
0x38: {  	(xrf1) =	vsort.ascd.msk.f32 @!p1 $0xffff, v5, v8;
	_ =	sdelay $0xa  }
0x39: {  	v5 =	vlaneseq.u32 @!p1  }
0x3a: {  	s16 =	sor.u32 $0x10, s16;
	v5 =	vmul.u32 @!p1 $0xFFFFFFFF, v5  }
0x3b: {  	v8 =	vld @!p1 [tilespmem:s16+$0xA000]  }
0x3c: {  	v5 =	vadd.s32 @!p1 $0xF, v5;
	v9, v10, _ =	vpop @!p1 (xrf1)  }
0x3d: {  	v9 =	vperm.xlane @!p1 v9, v5  }
0x3e: {  	v10 =	vperm.xlane @!p1 v10, v5  }
0x3f: {  	vm0 =	vle.f32 @!p1 v2, v9  }
0x40: {  	(xrf1) =	vsort.ascd.msk.f32 @!p1 $0xffff, v7, v8;
	v7 =	vsel @!p1 vm0, v2, v9;
	v8 =	vsel @!p1 vm0, v4, v10  }
0x41: {  	(xrf1) =	vsort.ascd.msk.f32 @!p1 $0xffff, v7, v8;
	_ =	sdelay $0xc  }
0x42: {  	v7, v8, _ =	vpop @!p1 (xrf1)  }
0x43: {  	v9, v10, _ =	vpop @!p1 (xrf1)  }
0x44: {  	v9 =	vperm.xlane @!p1 v9, v5  }
0x45: {  	v10 =	vperm.xlane @!p1 v10, v5  }
0x46: {  	vm0 =	vle.f32 @!p1 v3, v9  }
0x47: {  	v11 =	vsel @!p1 vm0, v9, v3;
	v12 =	vsel @!p1 vm0, v10, v6  }
0x48: {  	(xrf1) =	vsort.ascd.msk.f32 @!p1 $0xffff, v11, v12;
	_ =	sdelay $0xc  }
0x49: {  	v7 =	vperm.xlane @!p1 v7, v5  }
0x4a: {  	v8 =	vperm.xlane @!p1 v8, v5;
	v11, v12, _ =	vpop @!p1 (xrf1)  }
0x4b: {  	vm1 =	vle.f32 @!p1 v11, v7  }
0x4c: {  	v7 =	vsel @!p1 vm1, v11, v7;
	v8 =	vsel @!p1 vm1, v12, v8  }
0x4d: {  	(xrf1) =	vsort.ascd.msk.f32 @!p1 $0xffff, v7, v8  }
0x4e: {  	v7 =	vsel @!p1 vm0, v3, v9;
	v8 =	vsel @!p1 vm0, v6, v10  }
0x4f: {  	(xrf1) =	vsort.ascd.msk.f32 @!p1 $0xffff, v7, v8;
	_ =	sdelay $0xb  }
0x50: {  	v7, v8, _ =	vpop @!p1 (xrf1)  }
0x51: {  	v7 =	vperm.xlane @!p1 v7, v5  }
0x52: {  	v5 =	vperm.xlane @!p1 v8, v5;
	v8, v9, _ =	vpop @!p1 (xrf1)  }
0x53: {  	vm0 =	vle.f32 @!p1 v8, v7  }
0x54: {  	v10 =	vsel @!p1 vm0, v7, v8;
	v11 =	vsel @!p1 vm0, v5, v9  }
0x55: {  	(xrf1) =	vsort.ascd.msk.f32 @!p1 $0xffff, v10, v11;
	_ =	sdelay $0x9  }
0x56: {  	v7 =	vsel @!p1 vm0, v8, v7  }
0x57: {  	v5 =	vsel @!p1 vm0, v9, v5;
	_ =	sdelay $0x2  }
0x58: {  	(xrf1) =	vsort.ascd.msk.f32 @!p1 $0xffff, v7, v5;
	v5, v7, _ =	vpop @!p1 (xrf1)  }
0x59: {  	(xrf0) =	vmax.scan.msk.f32 @!p1 $0xffff, v5;
	_ =	sdelay $0x5  }
0x5a: {  	v10, _, _ =	vpop @!p1 (xrf0)  }
0x5b: {  	(v2sf) =	vpush @!p1 v10, $0xF;
	_ =	sdelay $0x6  }
0x5c: {  	s30 =	simm.s32 $0x40;
	s31 =	sadd.s32 $0x40, s13  }
0x5d: {  	s17 =	sand.u32 $0x1FF80, s31;
	s16 =	sand.u32 $0x60, s30  }
0x5e: {  	s18 =	sor.u32 s16, s17  }
0x5f: {  	v8, v9, _ =	vpop @!p1 (xrf1);
	v5 =	vpsel p1, v2, v5;
	v2 =	vpsel p1, v4, v7;
	v7 =	vld [tilespmem:s18+$0x0]  }
0x60: {  	s16 =	simm.s32 $0x60;
	v4 =	vpsel p1, v3, v8;
	v3 =	vpsel p1, v6, v9;
	v6 =	vld [tilespmem:s18+$0x10]  }
.LBB2_4:
0x61: {  	_ =	sdelay $0x1  }
0x62: {  	s19 =	smov.u32 s15  }
0x63: {  	s17 =	smov.u32 s16;
	s16 =	sadd.s32 $0x20, s16;
	s15 =	spop @!p1 (v2sf)  }
0x64: {  	p2 =	sne.s32 s16, $0x280;
	v8 =	vmin.f32 v7, v6;
	s15 =	smov.u32 @p1 s19  }
0x65: {  	vm0 =	vlt.f32 v8, s15  }
0x66: {  	v8 =	vsel vm0, $0x1, v1  }
0x67: {  	(xrf0) =	vadd.scan.msk.s32 $0xffff, v8;
	_ =	sdelay $0x5  }
0x68: {  	v8, _, _ =	vpop (xrf0)  }
0x69: {  	(v2sf) =	vpush v8, $0xF;
	_ =	sdelay $0xe  }
0x6a: {  	s19 =	spop (v2sf)  }
0x6b: {  	p1 =	slt.s32 s19, $0x1  }
0x6c: {  	s19 =	sor.u32 $0x10, s18;
	v8 =	vld @!p1 [tilespmem:s18+$0xA000];
	v9 =	vlaneseq.u32 @!p1  }
0x6d: {  	v9 =	vmul.u32 @!p1 $0xFFFFFFFF, v9;
	v10 =	vld @!p1 [tilespmem:s19+$0xA000];
	_ =	sdelay $0x3  }
0x6e: {  	(xrf1) =	vsort.ascd.msk.f32 @!p1 $0xffff, v7, v8  }
0x6f: {  	(xrf1) =	vsort.ascd.msk.f32 @!p1 $0xffff, v6, v10;
	_ =	sdelay $0xb  }
0x70: {  	v6 =	vadd.s32 @!p1 $0xF, v9  }
0x71: {  	v7, v8, _ =	vpop @!p1 (xrf1)  }
0x72: {  	v7 =	vperm.xlane @!p1 v7, v6;
	v8 =	vperm.xlane @!p1 v8, v6;
	v9, v10, _ =	vpop @!p1 (xrf1)  }
0x73: {  	v9 =	vperm.xlane @!p1 v9, v6;
	v10 =	vperm.xlane @!p1 v10, v6  }
0x74: {  	vm0 =	vle.f32 @!p1 v5, v7  }
0x75: {  	v7 =	vsel @!p1 vm0, v5, v7;
	v8 =	vsel @!p1 vm0, v2, v8  }
0x76: {  	(xrf1) =	vsort.ascd.msk.f32 @!p1 $0xffff, v7, v8;
	_ =	sdelay $0xd  }
0x77: {  	v7, v8, _ =	vpop @!p1 (xrf1)  }
0x78: {  	v7 =	vperm.xlane @!p1 v7, v6;
	v8 =	vperm.xlane @!p1 v8, v6;
	_ =	sdelay $0x1  }
0x79: {  	vm0 =	vle.f32 @!p1 v4, v7  }
0x7a: {  	v11 =	vsel @!p1 vm0, v4, v7;
	v7 =	vsel @!p1 vm0, v7, v4;
	v12 =	vsel @!p1 vm0, v8, v3  }
0x7b: {  	v8 =	vsel @!p1 vm0, v3, v8;
	(xrf1) =	vsort.ascd.msk.f32 @!p1 $0xffff, v7, v12;
	_ =	sdelay $0xd  }
0x7c: {  	v7, v12, _ =	vpop @!p1 (xrf1)  }
0x7d: {  	vm0 =	vle.f32 @!p1 v7, v9  }
0x7e: {  	v7 =	vsel @!p1 vm0, v7, v9;
	v9 =	vsel @!p1 vm0, v12, v10  }
0x7f: {  	(xrf1) =	vsort.ascd.msk.f32 @!p1 $0xffff, v7, v9  }
0x80: {  	(xrf1) =	vsort.ascd.msk.f32 @!p1 $0xffff, v11, v8;
	_ =	sdelay $0xc  }
0x81: {  	v7, v8, _ =	vpop @!p1 (xrf1)  }
0x82: {  	v7 =	vperm.xlane @!p1 v7, v6;
	v6 =	vperm.xlane @!p1 v8, v6;
	v8, v9, _ =	vpop @!p1 (xrf1);
	_ =	sdelay $0x1  }
0x83: {  	vm0 =	vle.f32 @!p1 v8, v7  }
0x84: {  	v10 =	vsel @!p1 vm0, v8, v7;
	v7 =	vsel @!p1 vm0, v7, v8;
	v8 =	vsel @!p1 vm0, v6, v9  }
0x85: {  	v6 =	vsel @!p1 vm0, v9, v6;
	(xrf1) =	vsort.ascd.msk.f32 @!p1 $0xffff, v7, v8  }
0x86: {  	(xrf1) =	vsort.ascd.msk.f32 @!p1 $0xffff, v10, v6;
	_ =	sdelay $0xc  }
0x87: {  	v6, v7, _ =	vpop @!p1 (xrf1)  }
0x88: {  	v5 =	vpsel p1, v5, v6;
	v2 =	vpsel p1, v2, v7;
	v7, v8, _ =	vpop @!p1 (xrf1);
	(xrf0) =	vmax.scan.msk.f32 @!p1 $0xffff, v6  }
0x89: {  	v4 =	vpsel p1, v4, v7;
	v3 =	vpsel p1, v3, v8;
	_ =	sdelay $0x4  }
0x8a: {  	v6, _, _ =	vpop @!p1 (xrf0)  }
0x8b: {  	(v2sf) =	vpush @!p1 v6, $0xF;
	_ =	sdelay $0x6  }
.Ltmp0:
0x8c: {  	s18 =	sadd.s32 s17, s13;
	(pc) =	sbr.rel @p2 .LBB2_4-.Ltmp0, $4  }
0x8d: {  	s17 =	sand.u32 $0x60, s17;
	s18 =	sand.u32 $0x1FF80, s18  }
0x8e: {  	s18 =	sor.u32 s17, s18  }
0x8f: {  	v7 =	vld [tilespmem:s18+$0x0]  }
0x90: {  	v6 =	vld [tilespmem:s18+$0x10]  }
0x91: {  	_ =	sdelay $0x2  }
0x92: {  	s16 =	spop @!p1 (v2sf)  }
0x93: {  	v8 =	vmin.f32 v7, v6;
	s16 =	smov.u32 @p1 s15  }
0x94: {  	vm0 =	vlt.f32 v8, s16  }
0x95: {  	v8 =	vsel vm0, $0x1, v1  }
0x96: {  	(xrf0) =	vadd.scan.msk.s32 $0xffff, v8;
	_ =	sdelay $0x5  }
0x97: {  	v8, _, _ =	vpop (xrf0)  }
0x98: {  	(v2sf) =	vpush v8, $0xF;
	_ =	sdelay $0xe  }
0x99: {  	s30 =	spop (v2sf)  }
0x9a: {  	p1 =	slt.s32 s30, $0x1  }
0x9b: {  	v8 =	vld @!p1 [tilespmem:s18+$0xA000];
	_ =	sdelay $0x4  }
0x9c: {  	(xrf1) =	vsort.ascd.msk.f32 @!p1 $0xffff, v7, v8;
	_ =	sdelay $0xa  }
0x9d: {  	v7 =	vlaneseq.u32 @!p1  }
0x9e: {  	s15 =	sor.u32 $0x10, s18;
	v7 =	vmul.u32 @!p1 $0xFFFFFFFF, v7  }
0x9f: {  	v8 =	vld @!p1 [tilespmem:s15+$0xA000]  }
0xa0: {  	v7 =	vadd.s32 @!p1 $0xF, v7;
	v9, v10, _ =	vpop @!p1 (xrf1)  }
0xa1: {  	v9 =	vperm.xlane @!p1 v9, v7  }
0xa2: {  	v10 =	vperm.xlane @!p1 v10, v7  }
0xa3: {  	vm0 =	vle.f32 @!p1 v5, v9  }
0xa4: {  	(xrf1) =	vsort.ascd.msk.f32 @!p1 $0xffff, v6, v8;
	v5 =	vsel @!p1 vm0, v5, v9;
	v6 =	vsel @!p1 vm0, v2, v10  }
0xa5: {  	(xrf1) =	vsort.ascd.msk.f32 @!p1 $0xffff, v5, v6;
	_ =	sdelay $0xc  }
0xa6: {  	v5, v6, _ =	vpop @!p1 (xrf1)  }
0xa7: {  	v8, v9, _ =	vpop @!p1 (xrf1)  }
0xa8: {  	v8 =	vperm.xlane @!p1 v8, v7  }
0xa9: {  	v9 =	vperm.xlane @!p1 v9, v7  }
0xaa: {  	vm0 =	vle.f32 @!p1 v4, v8  }
0xab: {  	v10 =	vsel @!p1 vm0, v8, v4;
	v11 =	vsel @!p1 vm0, v9, v3  }
0xac: {  	(xrf1) =	vsort.ascd.msk.f32 @!p1 $0xffff, v10, v11;
	_ =	sdelay $0xc  }
0xad: {  	v5 =	vperm.xlane @!p1 v5, v7  }
0xae: {  	v6 =	vperm.xlane @!p1 v6, v7;
	v10, v11, _ =	vpop @!p1 (xrf1)  }
0xaf: {  	vm1 =	vle.f32 @!p1 v10, v5  }
0xb0: {  	v5 =	vsel @!p1 vm1, v10, v5;
	v6 =	vsel @!p1 vm1, v11, v6  }
0xb1: {  	(xrf1) =	vsort.ascd.msk.f32 @!p1 $0xffff, v5, v6  }
0xb2: {  	v4 =	vsel @!p1 vm0, v4, v8;
	v5 =	vsel @!p1 vm0, v3, v9  }
0xb3: {  	(xrf1) =	vsort.ascd.msk.f32 @!p1 $0xffff, v4, v5;
	_ =	sdelay $0xb  }
0xb4: {  	v4, v5, _ =	vpop @!p1 (xrf1)  }
0xb5: {  	v4 =	vperm.xlane @!p1 v4, v7  }
0xb6: {  	v5 =	vperm.xlane @!p1 v5, v7;
	v6, v7, _ =	vpop @!p1 (xrf1)  }
0xb7: {  	vm0 =	vle.f32 @!p1 v6, v4  }
0xb8: {  	v8 =	vsel @!p1 vm0, v4, v6;
	v9 =	vsel @!p1 vm0, v5, v7  }
0xb9: {  	(xrf1) =	vsort.ascd.msk.f32 @!p1 $0xffff, v8, v9;
	_ =	sdelay $0xd  }
0xba: {  	v8, v9, _ =	vpop @!p1 (xrf1)  }
0xbb: {  	(xrf0) =	vmax.scan.msk.f32 @!p1 $0xffff, v8;
	_ =	sdelay $0x2  }
0xbc: {  	v4 =	vsel @!p1 vm0, v6, v4;
	_ =	sdelay $0x1  }
0xbd: {  	v5 =	vsel @!p1 vm0, v7, v5  }
0xbe: {  	(xrf1) =	vsort.ascd.msk.f32 @!p1 $0xffff, v4, v5;
	v4, _, _ =	vpop @!p1 (xrf0)  }
0xbf: {  	(v2sf) =	vpush @!p1 v4, $0xF;
	_ =	sdelay $0x8  }
0xc0: {  	s31 =	sadd.s32 s12, s14;
	s14 =	sadd.s32 $0x1, s14  }
0xc1: {  	p2 =	sne.s32 s14, $0x40  }
.Ltmp1:
0xc2: {  	_ = 	snop;
	(pc) =	sbr.rel @p2 .LBB2_3-.Ltmp1, $4  }
0xc3: {  	s15 =	sshll.u32 s31, $0x5  }
0xc4: {  	s15 =	sand.u32 $0x3FFFFFE0, s15;
	v2 =	vpsel p1, v2, v9;
	v4, v5, _ =	vpop @!p1 (xrf1)  }
0xc5: {  	[tilespmem:s15+$0x14010] =	vst v2;
	v3 =	vpsel p1, v3, v5  }
0xc6: {  	s13 =	sadd.s32 $0x280, s13;
	[tilespmem:s15+$0x14000] =	vst v3;
	s16 =	spop @!p1 (v2sf)  }
.Ltmp2:
0xc7: {  	(pc) =	sbr.rel @p0 .LBB2_2-.Ltmp2, $2  }
0xc8: {  	_ =	sdelay $0x2  }
0xc9: {  	s12 =	simm.s32 $0x40;
	p1 =	por $0x0, $0x0  }
0xca: {  	s11 =	sadd.s32 $0x1, s11  }
0xcb: {  	p0 =	sne.s32 s11, s7  }
.Ltmp3:
0xcc: {  	_ = 	snop;
	(pc) =	sbr.rel @p0 .LBB2_1-.Ltmp3, $4  }
0xcd: {  	[hbm4b:s6+s2] =	stream.linear.scatter [tilespmem:s10], [sflag:$0x1], $0x1000, $0x38;
	[tilespmem:$0x15000] =	vst v63  }
0xce: {  	_ =	swait.ge [sflag:s8], $0x1000  }
0xcf: {  	[sflag:s8] =	ssyncset.done $0x0  }
0xd0: {  	[sflag:s8] =	ssyncadd.s32 $0xFFFFF000  }
0xd1: {  	_ =	sfence.sel $0x180000  }
0xd2: {  	[bflag:$0x0] =	sbarrier.arrive $0xFFFF  }
0xd3: {  	p0 =	sne.s32 s1, $0x0;
	_ =	strace $0x90000047  }
0xd4: {  	s0 =	sadd.s32 @!p0 $0x100000, s0;
	[bflag:$0x2] =	sbarrier.arrive $0xFFFF  }
0xd5: {  	[sflag:s0] =	ssyncadd.tile.s32 @!p0 $0x1;
	_ =	shalt  }
.Lfunc_end2:
_tile_overlayer_lowered:
.L_overlay_start_2:
0xd6: {  	(tag) =	ssettag $0x2  }
0xd7: {  	s0 =	rddreg [dreg:$0x0];
	s2 =	stileid.u32  }
0xd8: {  	s1 =	rddreg [dreg:$0x1];
	p0 =	sne.s32 s2, $0x0  }
0xd9: {  	s3 =	rddreg [dreg:$0x2];
	[bflag:$0x3] =	sbarrier.arrive $0xFFFF;
	s2 =	simm.s32 @!p0 $0x1C01  }
0xda: {  	[timem:s3], [sflag:s2] =	dma.local @!p0 [hbm:s0], s1  }
0xdb: {  	s0 =	simm.s32 @!p0 $0x1  }
0xdc: {  	_ =	swait.ge @!p0 [sflag:s0], s1  }
0xdd: {  	s1 =	ssub.s32 @!p0 $0x0, s1;
	[sflag:s0] =	ssyncset.done @!p0 $0x0  }
0xde: {  	[sflag:s0] =	ssyncadd.s32 @!p0 s1  }
0xdf: {  	[bflag:$0x3] =	sbarrier.arrive $0xFFFF  }
0xe0: {  	_ =	shalt  }

</sc_bundles>
